<compile_context>
chip_gen: v7x
topology: tpu7x:2x2x1
jax: 0.10.2.dev20260603
libtpu: 0.0.44.dev20260713+nightly
codegen_flags: <defaults>
</compile_context>

<pallas_src>
import jax
import jax.numpy as jnp
from jax import lax
from jax.experimental import pallas as pl
from jax.experimental.pallas import tpu as pltpu
from jax.experimental.pallas import tpu_sc as plsc

N = 10000
E = 320000
DH = 128
NCLS = 40
T = 1024
D1 = 144
D2 = 48
NC = 2
NS = 16
NW = NC * NS
EPW = E // NW
EB = 80
NBLK = EPW // EB
RPS = 632
NP = RPS * NS
TPS = T // NS

_HIGHEST = lax.Precision.HIGHEST



def _mm1_body(f_ref, w_ref, o_ref):
    x = jnp.dot(f_ref[...], w_ref[...], preferred_element_type=jnp.float32,
                precision=_HIGHEST)
    col = lax.broadcasted_iota(jnp.int32, (x.shape[0], D1 - DH), 1)
    extra = jnp.where(col == 0, 1.0, 0.0).astype(jnp.float32)
    o_ref[...] = jnp.concatenate([x, extra], axis=1)


def _mid_body(p0_ref, p1_ref, b1_ref, w2_ref, o_ref):
    a = p0_ref[...] + p1_ref[...]
    agg = a[:, :DH]
    deg = a[:, DH:DH + 1]
    h = jnp.maximum(agg / jnp.maximum(deg, 1.0) + b1_ref[...], 0.0)
    x2 = jnp.dot(h, w2_ref[...], preferred_element_type=jnp.float32,
                 precision=_HIGHEST)
    col = lax.broadcasted_iota(jnp.int32, x2.shape, 1)
    o_ref[...] = jnp.where(col == NCLS, 1.0, x2)


def _loss_body(g0_ref, g1_ref, lab_ref, b2_ref, logits_ref, loss_ref):
    a = g0_ref[...] + g1_ref[...]
    deg = a[:, NCLS:NCLS + 1]
    logits = a[:, :NCLS] / jnp.maximum(deg, 1.0) + b2_ref[...]
    m = jnp.max(logits, axis=-1, keepdims=True)
    lse = m + jnp.log(jnp.sum(jnp.exp(logits - m), axis=-1, keepdims=True))
    lp = logits - lse
    losses = -jnp.sum(lab_ref[...] * lp, axis=-1, keepdims=True)
    logits_ref[...] = logits
    loss_ref[...] = jnp.mean(losses).reshape(1, 1)



def _make_agg(D, gather_targets):
    mesh = plsc.VectorSubcoreMesh(core_axis_name="c", subcore_axis_name="s",
                                  num_cores=NC, num_subcores=NS)
    parts_ty = jax.ShapeDtypeStruct((NC, N, D), jnp.float32)
    if gather_targets:
        out_type = (parts_ty, jax.ShapeDtypeStruct((NC, T, D), jnp.float32))
    else:
        out_type = parts_ty
    NSLOT = 2
    scratch = [
        pltpu.VMEM((EPW,), jnp.float32),
        pltpu.SemaphoreType.DMA,
    ]
    for _sl in range(NSLOT):
        scratch += [
            pltpu.VMEM((EB,), jnp.int32),
            pltpu.VMEM((EB,), jnp.int32),
            pltpu.VMEM((EB, D), jnp.float32),
            pltpu.SemaphoreType.DMA,
            pltpu.SemaphoreType.DMA,
            pltpu.SemaphoreType.DMA,
            pltpu.SemaphoreType.DMA,
        ]
    scratch += [
        pltpu.VMEM_SHARED((NP, D), jnp.float32),
    ]
    if gather_targets:
        scratch += [pltpu.VMEM((TPS,), jnp.int32),
                    pltpu.VMEM((TPS, D), jnp.float32)]

    def body(x_hbm, dst_hbm, src_hbm, w_hbm, *rest):
        if gather_targets:
            (tgt_hbm, parts_hbm, out_hbm, *scr) = rest
            tgt_v, trows_v = scr[-2:]
            acc_sh = scr[-3]
        else:
            (parts_hbm, *scr) = rest
            acc_sh = scr[-1]
        x_src = x_hbm

        wv_all, stg_sem = scr[0:2]
        slots = tuple(tuple(scr[2 + 7 * i:9 + 7 * i]) for i in range(NSLOT))
        c = lax.axis_index("c")
        s = lax.axis_index("s")
        wid = s * NC + c
        zero = jnp.zeros((16,), jnp.float32)
        zi = jnp.zeros((16,), jnp.int32)
        rows_v = slots[0][2]
        ebase = wid * EPW

        pltpu.async_copy(w_hbm.at[pl.ds(ebase, EPW)], wv_all, stg_sem)

        @pl.loop(0, EB)
        def _(r):
            for j in range(D // 16):
                rows_v[r, pl.ds(j * 16, 16)] = zero

        zbase = s * RPS

        @pl.loop(0, RPS // EB)
        def _(k):
            pltpu.sync_copy(rows_v, acc_sh.at[pl.ds(zbase + k * EB, EB)])

        pltpu.sync_copy(rows_v.at[pl.ds(0, RPS % EB)],
                        acc_sh.at[pl.ds(zbase + (RPS // EB) * EB, RPS % EB)])
        pltpu.make_async_copy(w_hbm.at[pl.ds(ebase, EPW)], wv_all,
                              stg_sem).wait()
        plsc.subcore_barrier()

        def issue_dst(k, sl):
            dv = slots[sl][0]
            dsem = slots[sl][3]
            pltpu.async_copy(dst_hbm.at[pl.ds(ebase + k * EB, EB)], dv, dsem)

        def wait_scatter(sl):
            rv, ssem = slots[sl][2], slots[sl][6]
            pltpu.make_async_copy(x_hbm.at[pl.ds(0, EB)], rv, ssem).wait()

        def prefetch(k, sl, drain=True):
            dv, sv, rv, dsem, isem, gsem, ssem = slots[sl]
            if drain:
                wait_scatter(sl)
            off = ebase + k * EB
            pltpu.make_async_copy(dst_hbm.at[pl.ds(off, EB)], dv, dsem).wait()
            pltpu.async_copy(src_hbm.at[pl.ds(off, EB)], sv, isem)
            pltpu.async_copy(x_src.at[dv], rv, gsem)

        def wait_gather(sl):
            dv, _, rv, _, _, gsem, _ = slots[sl]
            pltpu.make_async_copy(x_src.at[dv], rv, gsem).wait()

        def compute_scatter(k, sl):
            _, sv, rv, _, isem, _, ssem = slots[sl]
            ok0 = k * EB

            @pl.loop(0, EB)
            def _(e):
                wvec = plsc.load_gather(wv_all, [zi + (ok0 + e)])
                for j in range(D // 16):
                    slc = pl.ds(j * 16, 16)
                    rv[e, slc] = rv[e, slc] * wvec

            off = ebase + ok0
            pltpu.make_async_copy(src_hbm.at[pl.ds(off, EB)], sv, isem).wait()
            pltpu.async_copy(rv, acc_sh.at[sv], ssem, add=True)

        issue_dst(0, 0)
        prefetch(0, 0, drain=False)
        issue_dst(1, 1)

        @pl.loop(0, NBLK // 2)
        def _(i):
            wait_gather(0)
            issue_dst(2 * i + 2, 0)

            @pl.when(i == 0)
            def _():
                prefetch(1, 1, drain=False)

            @pl.when(i != 0)
            def _():
                prefetch(2 * i + 1, 1)

            compute_scatter(2 * i, 0)
            wait_gather(1)

            @pl.when(2 * i + 3 < NBLK)
            def _():
                issue_dst(2 * i + 3, 1)

            prefetch(2 * i + 2, 0)
            compute_scatter(2 * i + 1, 1)

        wait_gather(0)
        compute_scatter(NBLK - 1, 0)
        wait_scatter(0)
        wait_scatter(1)
        plsc.subcore_barrier()

        @pl.when(s != NS - 1)
        def _():
            @pl.loop(0, 7)
            def _(k):
                r0 = zbase + k * EB
                pltpu.sync_copy(acc_sh.at[pl.ds(r0, EB)],
                                parts_hbm.at[c].at[pl.ds(r0, EB)])
            r0 = zbase + 7 * EB
            pltpu.sync_copy(acc_sh.at[pl.ds(r0, 72)],
                            parts_hbm.at[c].at[pl.ds(r0, 72)])

        @pl.when(s == NS - 1)
        def _():
            @pl.loop(0, 6)
            def _(k):
                r0 = zbase + k * EB
                pltpu.sync_copy(acc_sh.at[pl.ds(r0, EB)],
                                parts_hbm.at[c].at[pl.ds(r0, EB)])
            r0 = zbase + 6 * EB
            pltpu.sync_copy(acc_sh.at[pl.ds(r0, 40)],
                            parts_hbm.at[c].at[pl.ds(r0, 40)])

        if gather_targets:
            plsc.subcore_barrier()
            tbase = s * TPS
            pltpu.sync_copy(tgt_hbm.at[pl.ds(tbase, TPS)], tgt_v)
            pltpu.async_copy(parts_hbm.at[c].at[tgt_v], trows_v,
                             slots[0][3]).wait()
            pltpu.sync_copy(trows_v, out_hbm.at[c].at[pl.ds(tbase, TPS)])

    cp = pltpu.CompilerParams(needs_layout_passes=False,
                              use_tc_tiling_on_sc=False)
    return pl.kernel(body, out_type=out_type, mesh=mesh,
                     scratch_types=scratch, compiler_params=cp)


_agg1 = _make_agg(D1, gather_targets=False)
_agg2 = _make_agg(D2, gather_targets=True)



def kernel(features, edge_srcs, edge_dsts, edge_weights, targets, labels,
           W1, b1, W2, b2):
    f32 = jnp.float32
    GB = 1000

    x1 = pl.pallas_call(
        _mm1_body,
        grid=(N // GB,),
        in_specs=[
            pl.BlockSpec((GB, DH), lambda i: (i, 0)),
            pl.BlockSpec((DH, DH), lambda i: (0, 0)),
        ],
        out_specs=pl.BlockSpec((GB, D1), lambda i: (i, 0)),
        out_shape=jax.ShapeDtypeStruct((N, D1), f32),
    )(features, W1)

    parts1 = _agg1(x1, edge_dsts, edge_srcs, edge_weights)

    w2pad = jnp.concatenate(
        [W2, jnp.zeros((DH, D2 - NCLS), f32)], axis=1)
    x2 = pl.pallas_call(
        _mid_body,
        grid=(N // GB,),
        in_specs=[
            pl.BlockSpec((GB, D1), lambda i: (i, 0)),
            pl.BlockSpec((GB, D1), lambda i: (i, 0)),
            pl.BlockSpec((1, DH), lambda i: (0, 0)),
            pl.BlockSpec((DH, D2), lambda i: (0, 0)),
        ],
        out_specs=pl.BlockSpec((GB, D2), lambda i: (i, 0)),
        out_shape=jax.ShapeDtypeStruct((N, D2), f32),
    )(parts1[0], parts1[1], b1.reshape(1, DH), w2pad)

    _, gath = _agg2(x2, edge_dsts, edge_srcs, edge_weights, targets)

    logits, loss = pl.pallas_call(
        _loss_body,
        in_specs=[
            pl.BlockSpec((T, D2), lambda: (0, 0)),
            pl.BlockSpec((T, D2), lambda: (0, 0)),
            pl.BlockSpec((T, NCLS), lambda: (0, 0)),
            pl.BlockSpec((1, NCLS), lambda: (0, 0)),
        ],
        out_specs=[
            pl.BlockSpec((T, NCLS), lambda: (0, 0)),
            pl.BlockSpec((1, 1), lambda: (0, 0)),
        ],
        out_shape=[
            jax.ShapeDtypeStruct((T, NCLS), f32),
            jax.ShapeDtypeStruct((1, 1), f32),
        ],
    )(gath[0], gath[1], labels, b2.reshape(1, NCLS))

    return (loss[0, 0], logits)

# --- scband reference (transcript-rebuilt; emitter-appended) ---
"""Pipeline reference for scband-gcn-54863912239177 (READ-ONLY COPY).

The authoritative reference and input builder live on the scoring server;
editing this copy changes nothing except your own understanding.
"""

import jax, jax.numpy as jnp
import numpy as np

N_NODES = 10000
N_EDGES = 320000
D_FEAT = 128
HIDDEN = 128
N_CLASSES = 40
N_TARGETS = 1024


def setup_inputs(seed: int = 0) -> dict:
    key = jax.random.key(seed)
    ks = jax.random.split(key, 10)
    features = jax.random.normal(ks[0], (N_NODES, D_FEAT), dtype=jnp.float32)
    edge_srcs = jnp.sort(jax.random.randint(ks[1], (N_EDGES,), 0, N_NODES, dtype=jnp.int64) if jax.config.jax_enable_x64 else jax.random.randint(ks[1], (N_EDGES,), 0, N_NODES).astype(jnp.int32))
    edge_dsts = jax.random.randint(ks[2], (N_EDGES,), 0, N_NODES).astype(jnp.int32)
    edge_weights = jax.random.uniform(ks[3], (N_EDGES,), dtype=jnp.float32)
    targets = jax.random.randint(ks[4], (N_TARGETS,), 0, N_NODES).astype(jnp.int32)
    labels = jax.random.uniform(ks[5], (N_TARGETS, N_CLASSES), dtype=jnp.float32)
    labels = labels / jnp.sum(labels, axis=-1, keepdims=True)
    W1 = jax.random.normal(ks[6], (D_FEAT, HIDDEN), dtype=jnp.float32) * (1.0 / np.sqrt(D_FEAT))
    b1 = jnp.zeros((HIDDEN,), dtype=jnp.float32)
    W2 = jax.random.normal(ks[7], (HIDDEN, N_CLASSES), dtype=jnp.float32) * (1.0 / np.sqrt(HIDDEN))
    b2 = jnp.zeros((N_CLASSES,), dtype=jnp.float32)
    return {
        "features": features,
        "edge_srcs": edge_srcs,
        "edge_dsts": edge_dsts,
        "edge_weights": edge_weights,
        "targets": targets,
        "labels": labels,
        "W1": W1,
        "b1": b1,
        "W2": W2,
        "b2": b2,
    }


def _gcn_layer(features, edge_srcs, edge_dsts, edge_weights, W, b, activation):
    # gather neighbor features along edges (SparseCore gather)
    nbr = jnp.take(features, edge_dsts, axis=0)  # [E, d]
    nbr = nbr * edge_weights[:, None]
    # weighted scatter-add aggregation per source vertex (SparseCore scatter-add)
    agg = jax.ops.segment_sum(nbr, edge_srcs, num_segments=features.shape[0])
    # degree (sum of edge weights) normalization, matching GCN mean aggregation
    deg = jax.ops.segment_sum(edge_weights, edge_srcs, num_segments=features.shape[0])
    agg = agg / jnp.maximum(deg, 1.0)[:, None]
    out = agg @ W + b
    if activation:
        out = jax.nn.relu(out)
    return out


def reference(features, edge_srcs, edge_dsts, edge_weights, targets, labels, W1, b1, W2, b2):
    h = _gcn_layer(features, edge_srcs, edge_dsts, edge_weights, W1, b1, activation=True)
    h = _gcn_layer(h, edge_srcs, edge_dsts, edge_weights, W2, b2, activation=False)
    logits = jnp.take(h, targets, axis=0)  # [T, C]
    log_probs = jax.nn.log_softmax(logits, axis=-1)
    losses = -jnp.sum(labels * log_probs, axis=-1)
    loss = jnp.mean(losses)
    return (loss, logits)

if __name__ == "__main__":
    import jax
    _d = setup_inputs()
    print(jax.jit(kernel)(*tuple(_d.values())))

</pallas_src>

<mosaic_0001>
#map = affine_map<(d0, d1) -> (0, 0)>
#map1 = affine_map<(d0, d1) -> (0)>
#map2 = affine_map<(d0, d1) -> (0, 0, 0)>
module attributes {stable_mosaic.version = 14 : i64} {
  func.func @body(%arg0: i32, %arg1: i32, %arg2: memref<10000x48xf32, #tpu.memory_space<hbm>>, %arg3: memref<320000xi32, #tpu.memory_space<hbm>>, %arg4: memref<320000xi32, #tpu.memory_space<hbm>>, %arg5: memref<320000xf32, #tpu.memory_space<hbm>>, %arg6: memref<1024xi32, #tpu.memory_space<hbm>>, %arg7: memref<2x10000x48xf32, #tpu.memory_space<hbm>>, %arg8: memref<2x1024x48xf32, #tpu.memory_space<hbm>>, %arg9: memref<10000xf32, #tpu.memory_space<vmem>>, %arg10: memref<!tpu.dma_semaphore, #tpu.memory_space<semaphore_mem>>, %arg11: memref<80xi32, #tpu.memory_space<vmem>>, %arg12: memref<80xi32, #tpu.memory_space<vmem>>, %arg13: memref<80x48xf32, #tpu.memory_space<vmem>>, %arg14: memref<!tpu.dma_semaphore, #tpu.memory_space<semaphore_mem>>, %arg15: memref<!tpu.dma_semaphore, #tpu.memory_space<semaphore_mem>>, %arg16: memref<!tpu.dma_semaphore, #tpu.memory_space<semaphore_mem>>, %arg17: memref<!tpu.dma_semaphore, #tpu.memory_space<semaphore_mem>>, %arg18: memref<80xi32, #tpu.memory_space<vmem>>, %arg19: memref<80xi32, #tpu.memory_space<vmem>>, %arg20: memref<80x48xf32, #tpu.memory_space<vmem>>, %arg21: memref<!tpu.dma_semaphore, #tpu.memory_space<semaphore_mem>>, %arg22: memref<!tpu.dma_semaphore, #tpu.memory_space<semaphore_mem>>, %arg23: memref<!tpu.dma_semaphore, #tpu.memory_space<semaphore_mem>>, %arg24: memref<!tpu.dma_semaphore, #tpu.memory_space<semaphore_mem>>, %arg25: memref<10112x48xf32, #tpu.memory_space<vmem_shared>>, %arg26: memref<64xi32, #tpu.memory_space<vmem>>, %arg27: memref<64x48xf32, #tpu.memory_space<vmem>>) attributes {dimension_semantics = [#tpu.dimension_semantics<core_parallel>, #tpu.dimension_semantics<subcore_parallel>], iteration_bounds = array<i64: 2, 16>, scalar_prefetch = 0 : i64, scratch_operands = 19 : i64, tpu.core_type = #tpu.core_type<sc_vector_subcore>, window_params = [{transform_indices = #map}, {transform_indices = #map1}, {transform_indices = #map1}, {transform_indices = #map1}, {transform_indices = #map1}, {transform_indices = #map2}, {transform_indices = #map2}]} {
    %mul3A = arith.constant 2 : i32
    %mul3A_0 = arith.muli %arg1, %mul3A : i32
    %add3A = arith.addi %mul3A_0, %arg0 : i32
    %broadcast_in_dim3A = arith.constant 0.000000e+00 : f32
    %broadcast_in_dim3A_1 = vector.broadcast %broadcast_in_dim3A : f32 to vector<16xf32>
    %broadcast_in_dim3A_2 = arith.constant 0 : i32
    %broadcast_in_dim3A_3 = vector.broadcast %broadcast_in_dim3A_2 : i32 to vector<16xi32>
    %mul3A_4 = arith.constant 10000 : i32
    %mul3A_5 = arith.muli %add3A, %mul3A_4 : i32
    %dma_start3A = tpu.memref_slice %arg5[%mul3A_5] : memref<320000xf32, #tpu.memory_space<hbm>> -> memref<10000xf32, #tpu.memory_space<hbm>>
    %dma_start3A_6 = tpu.memref_slice %arg5[%mul3A_5] : memref<320000xf32, #tpu.memory_space<hbm>> -> memref<10000xf32, #tpu.memory_space<hbm>>
    tpu.enqueue_dma source(%dma_start3A_6 : memref<10000xf32, #tpu.memory_space<hbm>>) target(%arg9 : memref<10000xf32, #tpu.memory_space<vmem>>) target_semaphore(%arg10 : memref<!tpu.dma_semaphore, #tpu.memory_space<semaphore_mem>>)
    %scan3A = arith.constant 0 : i32
    %scan3A_7 = arith.constant 80 : i32
    %scan3A_8 = arith.addi %scan3A, %scan3A_7 : i32
    %scan3A_9 = arith.constant 1 : i32
    scf.for %scan3A_94 = %scan3A to %scan3A_8 step %scan3A_9  : i32 {
      %mul3A_95 = arith.constant 1 : i32
      %mul3A_96 = arith.muli %scan3A_94, %mul3A_95 : i32
      %add3A_97 = arith.constant 0 : i32
      %add3A_98 = arith.addi %add3A_97, %mul3A_96 : i32
      %swap3A = arith.index_cast %add3A_98 : i32 to index
      %swap3A_99 = arith.constant 0 : index
      %swap3A_100 = tpu.vector_load %arg13[%swap3A, %swap3A_99] {strides = array<i32>} : memref<80x48xf32, #tpu.memory_space<vmem>>, vector<16xf32>,
      tpu.vector_store %arg13[%swap3A, %swap3A_99], %broadcast_in_dim3A_1 {strides = array<i32>} : memref<80x48xf32, #tpu.memory_space<vmem>>, vector<16xf32>,
      %swap3A_101 = arith.index_cast %add3A_98 : i32 to index
      %swap3A_102 = arith.constant 16 : index
      %swap3A_103 = tpu.vector_load %arg13[%swap3A_101, %swap3A_102] {strides = array<i32>} : memref<80x48xf32, #tpu.memory_space<vmem>>, vector<16xf32>,
      tpu.vector_store %arg13[%swap3A_101, %swap3A_102], %broadcast_in_dim3A_1 {strides = array<i32>} : memref<80x48xf32, #tpu.memory_space<vmem>>, vector<16xf32>,
      %swap3A_104 = arith.index_cast %add3A_98 : i32 to index
      %swap3A_105 = arith.constant 32 : index
      %swap3A_106 = tpu.vector_load %arg13[%swap3A_104, %swap3A_105] {strides = array<i32>} : memref<80x48xf32, #tpu.memory_space<vmem>>, vector<16xf32>,
      tpu.vector_store %arg13[%swap3A_104, %swap3A_105], %broadcast_in_dim3A_1 {strides = array<i32>} : memref<80x48xf32, #tpu.memory_space<vmem>>, vector<16xf32>,
    }
    %scan3A_10 = arith.constant 80 : i32
    %mul3A_11 = arith.constant 632 : i32
    %mul3A_12 = arith.muli %arg1, %mul3A_11 : i32
    %scan3A_13 = arith.constant 0 : i32
    %scan3A_14 = arith.constant 7 : i32
    %scan3A_15 = arith.addi %scan3A_13, %scan3A_14 : i32
    %scan3A_16 = arith.constant 1 : i32
    scf.for %scan3A_94 = %scan3A_13 to %scan3A_15 step %scan3A_16  : i32 {
      %mul3A_95 = arith.constant 1 : i32
      %mul3A_96 = arith.muli %scan3A_94, %mul3A_95 : i32
      %add3A_97 = arith.constant 0 : i32
      %add3A_98 = arith.addi %add3A_97, %mul3A_96 : i32
      %mul3A_99 = arith.constant 80 : i32
      %mul3A_100 = arith.muli %add3A_98, %mul3A_99 : i32
      %add3A_101 = arith.addi %mul3A_12, %mul3A_100 : i32
      "tpu.region"() ({
        %run_scoped3A = tpu.sem_alloc : memref<!tpu.dma_semaphore, #tpu.memory_space<semaphore_mem>>
        %dma_start3A_102 = arith.constant 0 : i32
        %dma_start3A_103 = tpu.memref_slice %arg25[%add3A_101, %dma_start3A_102] : memref<10112x48xf32, #tpu.memory_space<vmem_shared>> -> memref<80x48xf32, #tpu.memory_space<vmem_shared>>
        %dma_start3A_104 = arith.constant 0 : i32
        %dma_start3A_105 = tpu.memref_slice %arg25[%add3A_101, %dma_start3A_104] : memref<10112x48xf32, #tpu.memory_space<vmem_shared>> -> memref<80x48xf32, #tpu.memory_space<vmem_shared>>
        tpu.enqueue_dma source(%arg13 : memref<80x48xf32, #tpu.memory_space<vmem>>) target(%dma_start3A_105 : memref<80x48xf32, #tpu.memory_space<vmem_shared>>) target_semaphore(%run_scoped3A : memref<!tpu.dma_semaphore, #tpu.memory_space<semaphore_mem>>)
        %dma_wait3A_106 = arith.constant 0 : i32
        %dma_wait3A_107 = tpu.memref_slice %arg25[%add3A_101, %dma_wait3A_106] : memref<10112x48xf32, #tpu.memory_space<vmem_shared>> -> memref<80x48xf32, #tpu.memory_space<vmem_shared>>
        %dma_wait3A_108 = arith.constant 0 : i32
        %dma_wait3A_109 = tpu.memref_slice %arg25[%add3A_101, %dma_wait3A_108] : memref<10112x48xf32, #tpu.memory_space<vmem_shared>> -> memref<80x48xf32, #tpu.memory_space<vmem_shared>>
        tpu.wait_dma2 semaphore(%run_scoped3A : memref<!tpu.dma_semaphore, #tpu.memory_space<semaphore_mem>>) src(%arg13 : memref<80x48xf32, #tpu.memory_space<vmem>>) dst(%dma_wait3A_109 : memref<80x48xf32, #tpu.memory_space<vmem_shared>>)
        tpu.yield
      }) : () -> ()
    }
    %scan3A_17 = arith.constant 7 : i32
    %add3A_18 = arith.constant 560 : i32
    %add3A_19 = arith.addi %mul3A_12, %add3A_18 : i32
    "tpu.region"() ({
      %run_scoped3A = tpu.sem_alloc : memref<!tpu.dma_semaphore, #tpu.memory_space<semaphore_mem>>
      %dma_start3A_94 = arith.constant 0 : i32
      %dma_start3A_95 = arith.constant 0 : i32
      %dma_start3A_96 = tpu.memref_slice %arg13[%dma_start3A_94, %dma_start3A_95] : memref<80x48xf32, #tpu.memory_space<vmem>> -> memref<72x48xf32, #tpu.memory_space<vmem>>
      %dma_start3A_97 = arith.constant 0 : i32
      %dma_start3A_98 = tpu.memref_slice %arg25[%add3A_19, %dma_start3A_97] : memref<10112x48xf32, #tpu.memory_space<vmem_shared>> -> memref<72x48xf32, #tpu.memory_space<vmem_shared>>
      %dma_start3A_99 = arith.constant 0 : i32
      %dma_start3A_100 = tpu.memref_slice %arg25[%add3A_19, %dma_start3A_99] : memref<10112x48xf32, #tpu.memory_space<vmem_shared>> -> memref<72x48xf32, #tpu.memory_space<vmem_shared>>
      %dma_start3A_101 = arith.constant 0 : i32
      %dma_start3A_102 = arith.constant 0 : i32
      %dma_start3A_103 = tpu.memref_slice %arg13[%dma_start3A_101, %dma_start3A_102] : memref<80x48xf32, #tpu.memory_space<vmem>> -> memref<72x48xf32, #tpu.memory_space<vmem>>
      tpu.enqueue_dma source(%dma_start3A_103 : memref<72x48xf32, #tpu.memory_space<vmem>>) target(%dma_start3A_100 : memref<72x48xf32, #tpu.memory_space<vmem_shared>>) target_semaphore(%run_scoped3A : memref<!tpu.dma_semaphore, #tpu.memory_space<semaphore_mem>>)
      %dma_wait3A_104 = arith.constant 0 : i32
      %dma_wait3A_105 = arith.constant 0 : i32
      %dma_wait3A_106 = tpu.memref_slice %arg13[%dma_wait3A_104, %dma_wait3A_105] : memref<80x48xf32, #tpu.memory_space<vmem>> -> memref<72x48xf32, #tpu.memory_space<vmem>>
      %dma_wait3A_107 = arith.constant 0 : i32
      %dma_wait3A_108 = tpu.memref_slice %arg25[%add3A_19, %dma_wait3A_107] : memref<10112x48xf32, #tpu.memory_space<vmem_shared>> -> memref<72x48xf32, #tpu.memory_space<vmem_shared>>
      %dma_wait3A_109 = arith.constant 0 : i32
      %dma_wait3A_110 = tpu.memref_slice %arg25[%add3A_19, %dma_wait3A_109] : memref<10112x48xf32, #tpu.memory_space<vmem_shared>> -> memref<72x48xf32, #tpu.memory_space<vmem_shared>>
      %dma_wait3A_111 = arith.constant 0 : i32
      %dma_wait3A_112 = arith.constant 0 : i32
      %dma_wait3A_113 = tpu.memref_slice %arg13[%dma_wait3A_111, %dma_wait3A_112] : memref<80x48xf32, #tpu.memory_space<vmem>> -> memref<72x48xf32, #tpu.memory_space<vmem>>
      tpu.wait_dma2 semaphore(%run_scoped3A : memref<!tpu.dma_semaphore, #tpu.memory_space<semaphore_mem>>) src(%dma_wait3A_113 : memref<72x48xf32, #tpu.memory_space<vmem>>) dst(%dma_wait3A_110 : memref<72x48xf32, #tpu.memory_space<vmem_shared>>)
      tpu.yield
    }) : () -> ()
    %dma_wait3A = tpu.memref_slice %arg5[%mul3A_5] : memref<320000xf32, #tpu.memory_space<hbm>> -> memref<10000xf32, #tpu.memory_space<hbm>>
    %dma_wait3A_20 = tpu.memref_slice %arg5[%mul3A_5] : memref<320000xf32, #tpu.memory_space<hbm>> -> memref<10000xf32, #tpu.memory_space<hbm>>
    tpu.wait_dma2 semaphore(%arg10 : memref<!tpu.dma_semaphore, #tpu.memory_space<semaphore_mem>>) src(%dma_wait3A_20 : memref<10000xf32, #tpu.memory_space<hbm>>) dst(%arg9 : memref<10000xf32, #tpu.memory_space<vmem>>)
    %barrier3A = arith.constant 0 : index
    tpu.barrier barrier_id(%barrier3A)
    %add3A_21 = arith.constant 0 : i32
    %add3A_22 = arith.addi %mul3A_5, %add3A_21 : i32
    %dma_start3A_23 = tpu.memref_slice %arg3[%add3A_22] : memref<320000xi32, #tpu.memory_space<hbm>> -> memref<80xi32, #tpu.memory_space<hbm>>
    %dma_start3A_24 = tpu.memref_slice %arg3[%add3A_22] : memref<320000xi32, #tpu.memory_space<hbm>> -> memref<80xi32, #tpu.memory_space<hbm>>
    tpu.enqueue_dma source(%dma_start3A_24 : memref<80xi32, #tpu.memory_space<hbm>>) target(%arg11 : memref<80xi32, #tpu.memory_space<vmem>>) target_semaphore(%arg14 : memref<!tpu.dma_semaphore, #tpu.memory_space<semaphore_mem>>)
    %add3A_25 = arith.constant 0 : i32
    %add3A_26 = arith.addi %mul3A_5, %add3A_25 : i32
    %dma_wait3A_27 = tpu.memref_slice %arg3[%add3A_26] : memref<320000xi32, #tpu.memory_space<hbm>> -> memref<80xi32, #tpu.memory_space<hbm>>
    %dma_wait3A_28 = tpu.memref_slice %arg3[%add3A_26] : memref<320000xi32, #tpu.memory_space<hbm>> -> memref<80xi32, #tpu.memory_space<hbm>>
    tpu.wait_dma2 semaphore(%arg14 : memref<!tpu.dma_semaphore, #tpu.memory_space<semaphore_mem>>) src(%dma_wait3A_28 : memref<80xi32, #tpu.memory_space<hbm>>) dst(%arg11 : memref<80xi32, #tpu.memory_space<vmem>>)
    %dma_start3A_29 = tpu.memref_slice %arg4[%add3A_26] : memref<320000xi32, #tpu.memory_space<hbm>> -> memref<80xi32, #tpu.memory_space<hbm>>
    %dma_start3A_30 = tpu.memref_slice %arg4[%add3A_26] : memref<320000xi32, #tpu.memory_space<hbm>> -> memref<80xi32, #tpu.memory_space<hbm>>
    tpu.enqueue_dma source(%dma_start3A_30 : memref<80xi32, #tpu.memory_space<hbm>>) target(%arg12 : memref<80xi32, #tpu.memory_space<vmem>>) target_semaphore(%arg15 : memref<!tpu.dma_semaphore, #tpu.memory_space<semaphore_mem>>)
    %dma_start3A_31 = arith.constant 0 : i32
    %dma_start3A_32 = arith.constant 0 : i32
    %dma_start3A_33 = tpu.memref_slice %arg2[%dma_start3A_31, %dma_start3A_32] : memref<10000x48xf32, #tpu.memory_space<hbm>> -> memref<10000x48xf32, #tpu.memory_space<hbm>>
    tpu.enqueue_indirect_dma source(%dma_start3A_33 : memref<10000x48xf32, #tpu.memory_space<hbm>>) target(%arg13 : memref<80x48xf32, #tpu.memory_space<vmem>>) offsets(%arg11 : memref<80xi32, #tpu.memory_space<vmem>>) semaphore(%arg16 : memref<!tpu.dma_semaphore, #tpu.memory_space<semaphore_mem>>)
    %add3A_34 = arith.constant 80 : i32
    %add3A_35 = arith.addi %mul3A_5, %add3A_34 : i32
    %dma_start3A_36 = tpu.memref_slice %arg3[%add3A_35] : memref<320000xi32, #tpu.memory_space<hbm>> -> memref<80xi32, #tpu.memory_space<hbm>>
    %dma_start3A_37 = tpu.memref_slice %arg3[%add3A_35] : memref<320000xi32, #tpu.memory_space<hbm>> -> memref<80xi32, #tpu.memory_space<hbm>>
    tpu.enqueue_dma source(%dma_start3A_37 : memref<80xi32, #tpu.memory_space<hbm>>) target(%arg18 : memref<80xi32, #tpu.memory_space<vmem>>) target_semaphore(%arg21 : memref<!tpu.dma_semaphore, #tpu.memory_space<semaphore_mem>>)
    %scan3A_38 = arith.constant 0 : i32
    %scan3A_39 = arith.constant 62 : i32
    %scan3A_40 = arith.addi %scan3A_38, %scan3A_39 : i32
    %scan3A_41 = arith.constant 1 : i32
    scf.for %scan3A_94 = %scan3A_38 to %scan3A_40 step %scan3A_41  : i32 {
      %mul3A_95 = arith.constant 1 : i32
      %mul3A_96 = arith.muli %scan3A_94, %mul3A_95 : i32
      %add3A_97 = arith.constant 0 : i32
      %add3A_98 = arith.addi %add3A_97, %mul3A_96 : i32
      %dma_wait3A_99 = arith.constant 0 : i32
      %dma_wait3A_100 = arith.constant 0 : i32
      %dma_wait3A_101 = tpu.memref_slice %arg2[%dma_wait3A_99, %dma_wait3A_100] : memref<10000x48xf32, #tpu.memory_space<hbm>> -> memref<10000x48xf32, #tpu.memory_space<hbm>>
      tpu.wait_indirect_dma semaphore(%arg16 : memref<!tpu.dma_semaphore, #tpu.memory_space<semaphore_mem>>) src(%dma_wait3A_101 : memref<10000x48xf32, #tpu.memory_space<hbm>>) dst(%arg13 : memref<80x48xf32, #tpu.memory_space<vmem>>)
      %mul3A_102 = arith.constant 2 : i32
      %mul3A_103 = arith.muli %mul3A_102, %add3A_98 : i32
      %add3A_104 = arith.constant 2 : i32
      %add3A_105 = arith.addi %mul3A_103, %add3A_104 : i32
      %mul3A_106 = arith.constant 80 : i32
      %mul3A_107 = arith.muli %add3A_105, %mul3A_106 : i32
      %add3A_108 = arith.addi %mul3A_5, %mul3A_107 : i32
      %dma_start3A_109 = tpu.memref_slice %arg3[%add3A_108] : memref<320000xi32, #tpu.memory_space<hbm>> -> memref<80xi32, #tpu.memory_space<hbm>>
      %dma_start3A_110 = tpu.memref_slice %arg3[%add3A_108] : memref<320000xi32, #tpu.memory_space<hbm>> -> memref<80xi32, #tpu.memory_space<hbm>>
      tpu.enqueue_dma source(%dma_start3A_110 : memref<80xi32, #tpu.memory_space<hbm>>) target(%arg11 : memref<80xi32, #tpu.memory_space<vmem>>) target_semaphore(%arg14 : memref<!tpu.dma_semaphore, #tpu.memory_space<semaphore_mem>>)
      %eq3A_111 = arith.constant 0 : i32
      %eq3A_112 = arith.cmpi eq, %add3A_98, %eq3A_111 : i32
      %convert_element_type3A_113 = arith.extui %eq3A_112 : i1 to i32
      %cond3A_114 = arith.constant 0 : i32
      %cond3A_115 = arith.cmpi ne, %convert_element_type3A_113, %cond3A_114 : i32
      scf.if %cond3A_115 {
        %add3A_184 = arith.constant 80 : i32
        %add3A_185 = arith.addi %mul3A_5, %add3A_184 : i32
        %dma_wait3A_186 = tpu.memref_slice %arg3[%add3A_185] : memref<320000xi32, #tpu.memory_space<hbm>> -> memref<80xi32, #tpu.memory_space<hbm>>
        %dma_wait3A_187 = tpu.memref_slice %arg3[%add3A_185] : memref<320000xi32, #tpu.memory_space<hbm>> -> memref<80xi32, #tpu.memory_space<hbm>>
        tpu.wait_dma2 semaphore(%arg21 : memref<!tpu.dma_semaphore, #tpu.memory_space<semaphore_mem>>) src(%dma_wait3A_187 : memref<80xi32, #tpu.memory_space<hbm>>) dst(%arg18 : memref<80xi32, #tpu.memory_space<vmem>>)
        %dma_start3A_188 = tpu.memref_slice %arg4[%add3A_185] : memref<320000xi32, #tpu.memory_space<hbm>> -> memref<80xi32, #tpu.memory_space<hbm>>
        %dma_start3A_189 = tpu.memref_slice %arg4[%add3A_185] : memref<320000xi32, #tpu.memory_space<hbm>> -> memref<80xi32, #tpu.memory_space<hbm>>
        tpu.enqueue_dma source(%dma_start3A_189 : memref<80xi32, #tpu.memory_space<hbm>>) target(%arg19 : memref<80xi32, #tpu.memory_space<vmem>>) target_semaphore(%arg22 : memref<!tpu.dma_semaphore, #tpu.memory_space<semaphore_mem>>)
        %dma_start3A_190 = arith.constant 0 : i32
        %dma_start3A_191 = arith.constant 0 : i32
        %dma_start3A_192 = tpu.memref_slice %arg2[%dma_start3A_190, %dma_start3A_191] : memref<10000x48xf32, #tpu.memory_space<hbm>> -> memref<10000x48xf32, #tpu.memory_space<hbm>>
        tpu.enqueue_indirect_dma source(%dma_start3A_192 : memref<10000x48xf32, #tpu.memory_space<hbm>>) target(%arg20 : memref<80x48xf32, #tpu.memory_space<vmem>>) offsets(%arg18 : memref<80xi32, #tpu.memory_space<vmem>>) semaphore(%arg23 : memref<!tpu.dma_semaphore, #tpu.memory_space<semaphore_mem>>)
      } else {
      }
      %ne3A_116 = arith.constant 0 : i32
      %ne3A_117 = arith.cmpi ne, %add3A_98, %ne3A_116 : i32
      %convert_element_type3A_118 = arith.extui %ne3A_117 : i1 to i32
      %cond3A_119 = arith.constant 0 : i32
      %cond3A_120 = arith.cmpi ne, %convert_element_type3A_118, %cond3A_119 : i32
      scf.if %cond3A_120 {
        %mul3A_184 = arith.constant 2 : i32
        %mul3A_185 = arith.muli %mul3A_184, %add3A_98 : i32
        %add3A_186 = arith.constant 1 : i32
        %add3A_187 = arith.addi %mul3A_185, %add3A_186 : i32
        %dma_wait3A_188 = arith.constant 0 : i32
        %dma_wait3A_189 = arith.constant 0 : i32
        %dma_wait3A_190 = tpu.memref_slice %arg2[%dma_wait3A_188, %dma_wait3A_189] : memref<10000x48xf32, #tpu.memory_space<hbm>> -> memref<80x48xf32, #tpu.memory_space<hbm>>
        %dma_wait3A_191 = arith.constant 0 : i32
        %dma_wait3A_192 = arith.constant 0 : i32
        %dma_wait3A_193 = tpu.memref_slice %arg2[%dma_wait3A_191, %dma_wait3A_192] : memref<10000x48xf32, #tpu.memory_space<hbm>> -> memref<80x48xf32, #tpu.memory_space<hbm>>
        tpu.wait_dma2 semaphore(%arg24 : memref<!tpu.dma_semaphore, #tpu.memory_space<semaphore_mem>>) src(%dma_wait3A_193 : memref<80x48xf32, #tpu.memory_space<hbm>>) dst(%arg20 : memref<80x48xf32, #tpu.memory_space<vmem>>)
        %mul3A_194 = arith.constant 80 : i32
        %mul3A_195 = arith.muli %add3A_187, %mul3A_194 : i32
        %add3A_196 = arith.addi %mul3A_5, %mul3A_195 : i32
        %dma_wait3A_197 = tpu.memref_slice %arg3[%add3A_196] : memref<320000xi32, #tpu.memory_space<hbm>> -> memref<80xi32, #tpu.memory_space<hbm>>
        %dma_wait3A_198 = tpu.memref_slice %arg3[%add3A_196] : memref<320000xi32, #tpu.memory_space<hbm>> -> memref<80xi32, #tpu.memory_space<hbm>>
        tpu.wait_dma2 semaphore(%arg21 : memref<!tpu.dma_semaphore, #tpu.memory_space<semaphore_mem>>) src(%dma_wait3A_198 : memref<80xi32, #tpu.memory_space<hbm>>) dst(%arg18 : memref<80xi32, #tpu.memory_space<vmem>>)
        %dma_start3A_199 = tpu.memref_slice %arg4[%add3A_196] : memref<320000xi32, #tpu.memory_space<hbm>> -> memref<80xi32, #tpu.memory_space<hbm>>
        %dma_start3A_200 = tpu.memref_slice %arg4[%add3A_196] : memref<320000xi32, #tpu.memory_space<hbm>> -> memref<80xi32, #tpu.memory_space<hbm>>
        tpu.enqueue_dma source(%dma_start3A_200 : memref<80xi32, #tpu.memory_space<hbm>>) target(%arg19 : memref<80xi32, #tpu.memory_space<vmem>>) target_semaphore(%arg22 : memref<!tpu.dma_semaphore, #tpu.memory_space<semaphore_mem>>)
        %dma_start3A_201 = arith.constant 0 : i32
        %dma_start3A_202 = arith.constant 0 : i32
        %dma_start3A_203 = tpu.memref_slice %arg2[%dma_start3A_201, %dma_start3A_202] : memref<10000x48xf32, #tpu.memory_space<hbm>> -> memref<10000x48xf32, #tpu.memory_space<hbm>>
        tpu.enqueue_indirect_dma source(%dma_start3A_203 : memref<10000x48xf32, #tpu.memory_space<hbm>>) target(%arg20 : memref<80x48xf32, #tpu.memory_space<vmem>>) offsets(%arg18 : memref<80xi32, #tpu.memory_space<vmem>>) semaphore(%arg23 : memref<!tpu.dma_semaphore, #tpu.memory_space<semaphore_mem>>)
      } else {
      }
      %mul3A_121 = arith.constant 2 : i32
      %mul3A_122 = arith.muli %mul3A_121, %add3A_98 : i32
      %mul3A_123 = arith.constant 80 : i32
      %mul3A_124 = arith.muli %mul3A_122, %mul3A_123 : i32
      %scan3A_125 = arith.constant 0 : i32
      %scan3A_126 = arith.constant 80 : i32
      %scan3A_127 = arith.addi %scan3A_125, %scan3A_126 : i32
      %scan3A_128 = arith.constant 1 : i32
      scf.for %scan3A_184 = %scan3A_125 to %scan3A_127 step %scan3A_128  : i32 {
        %mul3A_185 = arith.constant 1 : i32
        %mul3A_186 = arith.muli %scan3A_184, %mul3A_185 : i32
        %add3A_187 = arith.constant 0 : i32
        %add3A_188 = arith.addi %add3A_187, %mul3A_186 : i32
        %add3A_189 = arith.addi %mul3A_124, %add3A_188 : i32
        %add3A_190 = vector.broadcast %add3A_189 : i32 to vector<16xi32>
        %add3A_191 = arith.addi %broadcast_in_dim3A_3, %add3A_190 : vector<16xi32>
        %gather3A = tpu.vector_load_idx %arg9[%add3A_191] : memref<10000xf32, #tpu.memory_space<vmem>>[vector<16xi32>], vector<16xf32>,
        %get3A = arith.index_cast %add3A_188 : i32 to index
        %get3A_192 = arith.constant 0 : index
        %get3A_193 = tpu.vector_load %arg13[%get3A, %get3A_192] {strides = array<i32>} : memref<80x48xf32, #tpu.memory_space<vmem>>, vector<16xf32>,
        %mul3A_194 = arith.mulf %get3A_193, %gather3A : vector<16xf32>
        %swap3A = arith.index_cast %add3A_188 : i32 to index
        %swap3A_195 = arith.constant 0 : index
        %swap3A_196 = tpu.vector_load %arg13[%swap3A, %swap3A_195] {strides = array<i32>} : memref<80x48xf32, #tpu.memory_space<vmem>>, vector<16xf32>,
        tpu.vector_store %arg13[%swap3A, %swap3A_195], %mul3A_194 {strides = array<i32>} : memref<80x48xf32, #tpu.memory_space<vmem>>, vector<16xf32>,
        %get3A_197 = arith.index_cast %add3A_188 : i32 to index
        %get3A_198 = arith.constant 16 : index
        %get3A_199 = tpu.vector_load %arg13[%get3A_197, %get3A_198] {strides = array<i32>} : memref<80x48xf32, #tpu.memory_space<vmem>>, vector<16xf32>,
        %mul3A_200 = arith.mulf %get3A_199, %gather3A : vector<16xf32>
        %swap3A_201 = arith.index_cast %add3A_188 : i32 to index
        %swap3A_202 = arith.constant 16 : index
        %swap3A_203 = tpu.vector_load %arg13[%swap3A_201, %swap3A_202] {strides = array<i32>} : memref<80x48xf32, #tpu.memory_space<vmem>>, vector<16xf32>,
        tpu.vector_store %arg13[%swap3A_201, %swap3A_202], %mul3A_200 {strides = array<i32>} : memref<80x48xf32, #tpu.memory_space<vmem>>, vector<16xf32>,
        %get3A_204 = arith.index_cast %add3A_188 : i32 to index
        %get3A_205 = arith.constant 32 : index
        %get3A_206 = tpu.vector_load %arg13[%get3A_204, %get3A_205] {strides = array<i32>} : memref<80x48xf32, #tpu.memory_space<vmem>>, vector<16xf32>,
        %mul3A_207 = arith.mulf %get3A_206, %gather3A : vector<16xf32>
        %swap3A_208 = arith.index_cast %add3A_188 : i32 to index
        %swap3A_209 = arith.constant 32 : index
        %swap3A_210 = tpu.vector_load %arg13[%swap3A_208, %swap3A_209] {strides = array<i32>} : memref<80x48xf32, #tpu.memory_space<vmem>>, vector<16xf32>,
        tpu.vector_store %arg13[%swap3A_208, %swap3A_209], %mul3A_207 {strides = array<i32>} : memref<80x48xf32, #tpu.memory_space<vmem>>, vector<16xf32>,
      }
      %scan3A_129 = arith.constant 80 : i32
      %add3A_130 = arith.addi %mul3A_5, %mul3A_124 : i32
      %dma_wait3A_131 = tpu.memref_slice %arg4[%add3A_130] : memref<320000xi32, #tpu.memory_space<hbm>> -> memref<80xi32, #tpu.memory_space<hbm>>
      %dma_wait3A_132 = tpu.memref_slice %arg4[%add3A_130] : memref<320000xi32, #tpu.memory_space<hbm>> -> memref<80xi32, #tpu.memory_space<hbm>>
      tpu.wait_dma2 semaphore(%arg15 : memref<!tpu.dma_semaphore, #tpu.memory_space<semaphore_mem>>) src(%dma_wait3A_132 : memref<80xi32, #tpu.memory_space<hbm>>) dst(%arg12 : memref<80xi32, #tpu.memory_space<vmem>>)
      %dma_start3A_133 = arith.constant 0 : i32
      %dma_start3A_134 = arith.constant 0 : i32
      %dma_start3A_135 = tpu.memref_slice %arg25[%dma_start3A_133, %dma_start3A_134] : memref<10112x48xf32, #tpu.memory_space<vmem_shared>> -> memref<10112x48xf32, #tpu.memory_space<vmem_shared>>
      tpu.enqueue_indirect_dma source(%arg13 : memref<80x48xf32, #tpu.memory_space<vmem>>) target(%dma_start3A_135 : memref<10112x48xf32, #tpu.memory_space<vmem_shared>>) offsets(%arg12 : memref<80xi32, #tpu.memory_space<vmem>>) semaphore(%arg17 : memref<!tpu.dma_semaphore, #tpu.memory_space<semaphore_mem>>) {add = true}
      %dma_wait3A_136 = arith.constant 0 : i32
      %dma_wait3A_137 = arith.constant 0 : i32
      %dma_wait3A_138 = tpu.memref_slice %arg2[%dma_wait3A_136, %dma_wait3A_137] : memref<10000x48xf32, #tpu.memory_space<hbm>> -> memref<10000x48xf32, #tpu.memory_space<hbm>>
      tpu.wait_indirect_dma semaphore(%arg23 : memref<!tpu.dma_semaphore, #tpu.memory_space<semaphore_mem>>) src(%dma_wait3A_138 : memref<10000x48xf32, #tpu.memory_space<hbm>>) dst(%arg20 : memref<80x48xf32, #tpu.memory_space<vmem>>)
      %mul3A_139 = arith.constant 2 : i32
      %mul3A_140 = arith.muli %mul3A_139, %add3A_98 : i32
      %add3A_141 = arith.constant 3 : i32
      %add3A_142 = arith.addi %mul3A_140, %add3A_141 : i32
      %lt3A = arith.constant 125 : i32
      %lt3A_143 = arith.cmpi slt, %add3A_142, %lt3A : i32
      %convert_element_type3A_144 = arith.extui %lt3A_143 : i1 to i32
      %cond3A_145 = arith.constant 0 : i32
      %cond3A_146 = arith.cmpi ne, %convert_element_type3A_144, %cond3A_145 : i32
      scf.if %cond3A_146 {
        %mul3A_184 = arith.constant 2 : i32
        %mul3A_185 = arith.muli %mul3A_184, %add3A_98 : i32
        %add3A_186 = arith.constant 3 : i32
        %add3A_187 = arith.addi %mul3A_185, %add3A_186 : i32
        %mul3A_188 = arith.constant 80 : i32
        %mul3A_189 = arith.muli %add3A_187, %mul3A_188 : i32
        %add3A_190 = arith.addi %mul3A_5, %mul3A_189 : i32
        %dma_start3A_191 = tpu.memref_slice %arg3[%add3A_190] : memref<320000xi32, #tpu.memory_space<hbm>> -> memref<80xi32, #tpu.memory_space<hbm>>
        %dma_start3A_192 = tpu.memref_slice %arg3[%add3A_190] : memref<320000xi32, #tpu.memory_space<hbm>> -> memref<80xi32, #tpu.memory_space<hbm>>
        tpu.enqueue_dma source(%dma_start3A_192 : memref<80xi32, #tpu.memory_space<hbm>>) target(%arg18 : memref<80xi32, #tpu.memory_space<vmem>>) target_semaphore(%arg21 : memref<!tpu.dma_semaphore, #tpu.memory_space<semaphore_mem>>)
      } else {
      }
      %mul3A_147 = arith.constant 2 : i32
      %mul3A_148 = arith.muli %mul3A_147, %add3A_98 : i32
      %add3A_149 = arith.constant 2 : i32
      %add3A_150 = arith.addi %mul3A_148, %add3A_149 : i32
      %dma_wait3A_151 = arith.constant 0 : i32
      %dma_wait3A_152 = arith.constant 0 : i32
      %dma_wait3A_153 = tpu.memref_slice %arg2[%dma_wait3A_151, %dma_wait3A_152] : memref<10000x48xf32, #tpu.memory_space<hbm>> -> memref<80x48xf32, #tpu.memory_space<hbm>>
      %dma_wait3A_154 = arith.constant 0 : i32
      %dma_wait3A_155 = arith.constant 0 : i32
      %dma_wait3A_156 = tpu.memref_slice %arg2[%dma_wait3A_154, %dma_wait3A_155] : memref<10000x48xf32, #tpu.memory_space<hbm>> -> memref<80x48xf32, #tpu.memory_space<hbm>>
      tpu.wait_dma2 semaphore(%arg17 : memref<!tpu.dma_semaphore, #tpu.memory_space<semaphore_mem>>) src(%dma_wait3A_156 : memref<80x48xf32, #tpu.memory_space<hbm>>) dst(%arg13 : memref<80x48xf32, #tpu.memory_space<vmem>>)
      %mul3A_157 = arith.constant 80 : i32
      %mul3A_158 = arith.muli %add3A_150, %mul3A_157 : i32
      %add3A_159 = arith.addi %mul3A_5, %mul3A_158 : i32
      %dma_wait3A_160 = tpu.memref_slice %arg3[%add3A_159] : memref<320000xi32, #tpu.memory_space<hbm>> -> memref<80xi32, #tpu.memory_space<hbm>>
      %dma_wait3A_161 = tpu.memref_slice %arg3[%add3A_159] : memref<320000xi32, #tpu.memory_space<hbm>> -> memref<80xi32, #tpu.memory_space<hbm>>
      tpu.wait_dma2 semaphore(%arg14 : memref<!tpu.dma_semaphore, #tpu.memory_space<semaphore_mem>>) src(%dma_wait3A_161 : memref<80xi32, #tpu.memory_space<hbm>>) dst(%arg11 : memref<80xi32, #tpu.memory_space<vmem>>)
      %dma_start3A_162 = tpu.memref_slice %arg4[%add3A_159] : memref<320000xi32, #tpu.memory_space<hbm>> -> memref<80xi32, #tpu.memory_space<hbm>>
      %dma_start3A_163 = tpu.memref_slice %arg4[%add3A_159] : memref<320000xi32, #tpu.memory_space<hbm>> -> memref<80xi32, #tpu.memory_space<hbm>>
      tpu.enqueue_dma source(%dma_start3A_163 : memref<80xi32, #tpu.memory_space<hbm>>) target(%arg12 : memref<80xi32, #tpu.memory_space<vmem>>) target_semaphore(%arg15 : memref<!tpu.dma_semaphore, #tpu.memory_space<semaphore_mem>>)
      %dma_start3A_164 = arith.constant 0 : i32
      %dma_start3A_165 = arith.constant 0 : i32
      %dma_start3A_166 = tpu.memref_slice %arg2[%dma_start3A_164, %dma_start3A_165] : memref<10000x48xf32, #tpu.memory_space<hbm>> -> memref<10000x48xf32, #tpu.memory_space<hbm>>
      tpu.enqueue_indirect_dma source(%dma_start3A_166 : memref<10000x48xf32, #tpu.memory_space<hbm>>) target(%arg13 : memref<80x48xf32, #tpu.memory_space<vmem>>) offsets(%arg11 : memref<80xi32, #tpu.memory_space<vmem>>) semaphore(%arg16 : memref<!tpu.dma_semaphore, #tpu.memory_space<semaphore_mem>>)
      %mul3A_167 = arith.constant 2 : i32
      %mul3A_168 = arith.muli %mul3A_167, %add3A_98 : i32
      %add3A_169 = arith.constant 1 : i32
      %add3A_170 = arith.addi %mul3A_168, %add3A_169 : i32
      %mul3A_171 = arith.constant 80 : i32
      %mul3A_172 = arith.muli %add3A_170, %mul3A_171 : i32
      %scan3A_173 = arith.constant 0 : i32
      %scan3A_174 = arith.constant 80 : i32
      %scan3A_175 = arith.addi %scan3A_173, %scan3A_174 : i32
      %scan3A_176 = arith.constant 1 : i32
      scf.for %scan3A_184 = %scan3A_173 to %scan3A_175 step %scan3A_176  : i32 {
        %mul3A_185 = arith.constant 1 : i32
        %mul3A_186 = arith.muli %scan3A_184, %mul3A_185 : i32
        %add3A_187 = arith.constant 0 : i32
        %add3A_188 = arith.addi %add3A_187, %mul3A_186 : i32
        %add3A_189 = arith.addi %mul3A_172, %add3A_188 : i32
        %add3A_190 = vector.broadcast %add3A_189 : i32 to vector<16xi32>
        %add3A_191 = arith.addi %broadcast_in_dim3A_3, %add3A_190 : vector<16xi32>
        %gather3A = tpu.vector_load_idx %arg9[%add3A_191] : memref<10000xf32, #tpu.memory_space<vmem>>[vector<16xi32>], vector<16xf32>,
        %get3A = arith.index_cast %add3A_188 : i32 to index
        %get3A_192 = arith.constant 0 : index
        %get3A_193 = tpu.vector_load %arg20[%get3A, %get3A_192] {strides = array<i32>} : memref<80x48xf32, #tpu.memory_space<vmem>>, vector<16xf32>,
        %mul3A_194 = arith.mulf %get3A_193, %gather3A : vector<16xf32>
        %swap3A = arith.index_cast %add3A_188 : i32 to index
        %swap3A_195 = arith.constant 0 : index
        %swap3A_196 = tpu.vector_load %arg20[%swap3A, %swap3A_195] {strides = array<i32>} : memref<80x48xf32, #tpu.memory_space<vmem>>, vector<16xf32>,
        tpu.vector_store %arg20[%swap3A, %swap3A_195], %mul3A_194 {strides = array<i32>} : memref<80x48xf32, #tpu.memory_space<vmem>>, vector<16xf32>,
        %get3A_197 = arith.index_cast %add3A_188 : i32 to index
        %get3A_198 = arith.constant 16 : index
        %get3A_199 = tpu.vector_load %arg20[%get3A_197, %get3A_198] {strides = array<i32>} : memref<80x48xf32, #tpu.memory_space<vmem>>, vector<16xf32>,
        %mul3A_200 = arith.mulf %get3A_199, %gather3A : vector<16xf32>
        %swap3A_201 = arith.index_cast %add3A_188 : i32 to index
        %swap3A_202 = arith.constant 16 : index
        %swap3A_203 = tpu.vector_load %arg20[%swap3A_201, %swap3A_202] {strides = array<i32>} : memref<80x48xf32, #tpu.memory_space<vmem>>, vector<16xf32>,
        tpu.vector_store %arg20[%swap3A_201, %swap3A_202], %mul3A_200 {strides = array<i32>} : memref<80x48xf32, #tpu.memory_space<vmem>>, vector<16xf32>,
        %get3A_204 = arith.index_cast %add3A_188 : i32 to index
        %get3A_205 = arith.constant 32 : index
        %get3A_206 = tpu.vector_load %arg20[%get3A_204, %get3A_205] {strides = array<i32>} : memref<80x48xf32, #tpu.memory_space<vmem>>, vector<16xf32>,
        %mul3A_207 = arith.mulf %get3A_206, %gather3A : vector<16xf32>
        %swap3A_208 = arith.index_cast %add3A_188 : i32 to index
        %swap3A_209 = arith.constant 32 : index
        %swap3A_210 = tpu.vector_load %arg20[%swap3A_208, %swap3A_209] {strides = array<i32>} : memref<80x48xf32, #tpu.memory_space<vmem>>, vector<16xf32>,
        tpu.vector_store %arg20[%swap3A_208, %swap3A_209], %mul3A_207 {strides = array<i32>} : memref<80x48xf32, #tpu.memory_space<vmem>>, vector<16xf32>,
      }
      %scan3A_177 = arith.constant 80 : i32
      %add3A_178 = arith.addi %mul3A_5, %mul3A_172 : i32
      %dma_wait3A_179 = tpu.memref_slice %arg4[%add3A_178] : memref<320000xi32, #tpu.memory_space<hbm>> -> memref<80xi32, #tpu.memory_space<hbm>>
      %dma_wait3A_180 = tpu.memref_slice %arg4[%add3A_178] : memref<320000xi32, #tpu.memory_space<hbm>> -> memref<80xi32, #tpu.memory_space<hbm>>
      tpu.wait_dma2 semaphore(%arg22 : memref<!tpu.dma_semaphore, #tpu.memory_space<semaphore_mem>>) src(%dma_wait3A_180 : memref<80xi32, #tpu.memory_space<hbm>>) dst(%arg19 : memref<80xi32, #tpu.memory_space<vmem>>)
      %dma_start3A_181 = arith.constant 0 : i32
      %dma_start3A_182 = arith.constant 0 : i32
      %dma_start3A_183 = tpu.memref_slice %arg25[%dma_start3A_181, %dma_start3A_182] : memref<10112x48xf32, #tpu.memory_space<vmem_shared>> -> memref<10112x48xf32, #tpu.memory_space<vmem_shared>>
      tpu.enqueue_indirect_dma source(%arg20 : memref<80x48xf32, #tpu.memory_space<vmem>>) target(%dma_start3A_183 : memref<10112x48xf32, #tpu.memory_space<vmem_shared>>) offsets(%arg19 : memref<80xi32, #tpu.memory_space<vmem>>) semaphore(%arg24 : memref<!tpu.dma_semaphore, #tpu.memory_space<semaphore_mem>>) {add = true}
    }
    %scan3A_42 = arith.constant 62 : i32
    %dma_wait3A_43 = arith.constant 0 : i32
    %dma_wait3A_44 = arith.constant 0 : i32
    %dma_wait3A_45 = tpu.memref_slice %arg2[%dma_wait3A_43, %dma_wait3A_44] : memref<10000x48xf32, #tpu.memory_space<hbm>> -> memref<10000x48xf32, #tpu.memory_space<hbm>>
    tpu.wait_indirect_dma semaphore(%arg16 : memref<!tpu.dma_semaphore, #tpu.memory_space<semaphore_mem>>) src(%dma_wait3A_45 : memref<10000x48xf32, #tpu.memory_space<hbm>>) dst(%arg13 : memref<80x48xf32, #tpu.memory_space<vmem>>)
    %scan3A_46 = arith.constant 0 : i32
    %scan3A_47 = arith.constant 80 : i32
    %scan3A_48 = arith.addi %scan3A_46, %scan3A_47 : i32
    %scan3A_49 = arith.constant 1 : i32
    scf.for %scan3A_94 = %scan3A_46 to %scan3A_48 step %scan3A_49  : i32 {
      %mul3A_95 = arith.constant 1 : i32
      %mul3A_96 = arith.muli %scan3A_94, %mul3A_95 : i32
      %add3A_97 = arith.constant 0 : i32
      %add3A_98 = arith.addi %add3A_97, %mul3A_96 : i32
      %add3A_99 = arith.constant 9920 : i32
      %add3A_100 = arith.addi %add3A_99, %add3A_98 : i32
      %add3A_101 = vector.broadcast %add3A_100 : i32 to vector<16xi32>
      %add3A_102 = arith.addi %broadcast_in_dim3A_3, %add3A_101 : vector<16xi32>
      %gather3A = tpu.vector_load_idx %arg9[%add3A_102] : memref<10000xf32, #tpu.memory_space<vmem>>[vector<16xi32>], vector<16xf32>,
      %get3A = arith.index_cast %add3A_98 : i32 to index
      %get3A_103 = arith.constant 0 : index
      %get3A_104 = tpu.vector_load %arg13[%get3A, %get3A_103] {strides = array<i32>} : memref<80x48xf32, #tpu.memory_space<vmem>>, vector<16xf32>,
      %mul3A_105 = arith.mulf %get3A_104, %gather3A : vector<16xf32>
      %swap3A = arith.index_cast %add3A_98 : i32 to index
      %swap3A_106 = arith.constant 0 : index
      %swap3A_107 = tpu.vector_load %arg13[%swap3A, %swap3A_106] {strides = array<i32>} : memref<80x48xf32, #tpu.memory_space<vmem>>, vector<16xf32>,
      tpu.vector_store %arg13[%swap3A, %swap3A_106], %mul3A_105 {strides = array<i32>} : memref<80x48xf32, #tpu.memory_space<vmem>>, vector<16xf32>,
      %get3A_108 = arith.index_cast %add3A_98 : i32 to index
      %get3A_109 = arith.constant 16 : index
      %get3A_110 = tpu.vector_load %arg13[%get3A_108, %get3A_109] {strides = array<i32>} : memref<80x48xf32, #tpu.memory_space<vmem>>, vector<16xf32>,
      %mul3A_111 = arith.mulf %get3A_110, %gather3A : vector<16xf32>
      %swap3A_112 = arith.index_cast %add3A_98 : i32 to index
      %swap3A_113 = arith.constant 16 : index
      %swap3A_114 = tpu.vector_load %arg13[%swap3A_112, %swap3A_113] {strides = array<i32>} : memref<80x48xf32, #tpu.memory_space<vmem>>, vector<16xf32>,
      tpu.vector_store %arg13[%swap3A_112, %swap3A_113], %mul3A_111 {strides = array<i32>} : memref<80x48xf32, #tpu.memory_space<vmem>>, vector<16xf32>,
      %get3A_115 = arith.index_cast %add3A_98 : i32 to index
      %get3A_116 = arith.constant 32 : index
      %get3A_117 = tpu.vector_load %arg13[%get3A_115, %get3A_116] {strides = array<i32>} : memref<80x48xf32, #tpu.memory_space<vmem>>, vector<16xf32>,
      %mul3A_118 = arith.mulf %get3A_117, %gather3A : vector<16xf32>
      %swap3A_119 = arith.index_cast %add3A_98 : i32 to index
      %swap3A_120 = arith.constant 32 : index
      %swap3A_121 = tpu.vector_load %arg13[%swap3A_119, %swap3A_120] {strides = array<i32>} : memref<80x48xf32, #tpu.memory_space<vmem>>, vector<16xf32>,
      tpu.vector_store %arg13[%swap3A_119, %swap3A_120], %mul3A_118 {strides = array<i32>} : memref<80x48xf32, #tpu.memory_space<vmem>>, vector<16xf32>,
    }
    %scan3A_50 = arith.constant 80 : i32
    %add3A_51 = arith.constant 9920 : i32
    %add3A_52 = arith.addi %mul3A_5, %add3A_51 : i32
    %dma_wait3A_53 = tpu.memref_slice %arg4[%add3A_52] : memref<320000xi32, #tpu.memory_space<hbm>> -> memref<80xi32, #tpu.memory_space<hbm>>
    %dma_wait3A_54 = tpu.memref_slice %arg4[%add3A_52] : memref<320000xi32, #tpu.memory_space<hbm>> -> memref<80xi32, #tpu.memory_space<hbm>>
    tpu.wait_dma2 semaphore(%arg15 : memref<!tpu.dma_semaphore, #tpu.memory_space<semaphore_mem>>) src(%dma_wait3A_54 : memref<80xi32, #tpu.memory_space<hbm>>) dst(%arg12 : memref<80xi32, #tpu.memory_space<vmem>>)
    %dma_start3A_55 = arith.constant 0 : i32
    %dma_start3A_56 = arith.constant 0 : i32
    %dma_start3A_57 = tpu.memref_slice %arg25[%dma_start3A_55, %dma_start3A_56] : memref<10112x48xf32, #tpu.memory_space<vmem_shared>> -> memref<10112x48xf32, #tpu.memory_space<vmem_shared>>
    tpu.enqueue_indirect_dma source(%arg13 : memref<80x48xf32, #tpu.memory_space<vmem>>) target(%dma_start3A_57 : memref<10112x48xf32, #tpu.memory_space<vmem_shared>>) offsets(%arg12 : memref<80xi32, #tpu.memory_space<vmem>>) semaphore(%arg17 : memref<!tpu.dma_semaphore, #tpu.memory_space<semaphore_mem>>) {add = true}
    %dma_wait3A_58 = arith.constant 0 : i32
    %dma_wait3A_59 = arith.constant 0 : i32
    %dma_wait3A_60 = tpu.memref_slice %arg2[%dma_wait3A_58, %dma_wait3A_59] : memref<10000x48xf32, #tpu.memory_space<hbm>> -> memref<80x48xf32, #tpu.memory_space<hbm>>
    %dma_wait3A_61 = arith.constant 0 : i32
    %dma_wait3A_62 = arith.constant 0 : i32
    %dma_wait3A_63 = tpu.memref_slice %arg2[%dma_wait3A_61, %dma_wait3A_62] : memref<10000x48xf32, #tpu.memory_space<hbm>> -> memref<80x48xf32, #tpu.memory_space<hbm>>
    tpu.wait_dma2 semaphore(%arg17 : memref<!tpu.dma_semaphore, #tpu.memory_space<semaphore_mem>>) src(%dma_wait3A_63 : memref<80x48xf32, #tpu.memory_space<hbm>>) dst(%arg13 : memref<80x48xf32, #tpu.memory_space<vmem>>)
    %dma_wait3A_64 = arith.constant 0 : i32
    %dma_wait3A_65 = arith.constant 0 : i32
    %dma_wait3A_66 = tpu.memref_slice %arg2[%dma_wait3A_64, %dma_wait3A_65] : memref<10000x48xf32, #tpu.memory_space<hbm>> -> memref<80x48xf32, #tpu.memory_space<hbm>>
    %dma_wait3A_67 = arith.constant 0 : i32
    %dma_wait3A_68 = arith.constant 0 : i32
    %dma_wait3A_69 = tpu.memref_slice %arg2[%dma_wait3A_67, %dma_wait3A_68] : memref<10000x48xf32, #tpu.memory_space<hbm>> -> memref<80x48xf32, #tpu.memory_space<hbm>>
    tpu.wait_dma2 semaphore(%arg24 : memref<!tpu.dma_semaphore, #tpu.memory_space<semaphore_mem>>) src(%dma_wait3A_69 : memref<80x48xf32, #tpu.memory_space<hbm>>) dst(%arg20 : memref<80x48xf32, #tpu.memory_space<vmem>>)
    %barrier3A_70 = arith.constant 0 : index
    tpu.barrier barrier_id(%barrier3A_70)
    %ne3A = arith.constant 15 : i32
    %ne3A_71 = arith.cmpi ne, %arg1, %ne3A : i32
    %convert_element_type3A = arith.extui %ne3A_71 : i1 to i32
    %cond3A = arith.constant 0 : i32
    %cond3A_72 = arith.cmpi ne, %convert_element_type3A, %cond3A : i32
    scf.if %cond3A_72 {
      %scan3A_94 = arith.constant 0 : i32
      %scan3A_95 = arith.constant 7 : i32
      %scan3A_96 = arith.addi %scan3A_94, %scan3A_95 : i32
      %scan3A_97 = arith.constant 1 : i32
      scf.for %scan3A_101 = %scan3A_94 to %scan3A_96 step %scan3A_97  : i32 {
        %mul3A_102 = arith.constant 1 : i32
        %mul3A_103 = arith.muli %scan3A_101, %mul3A_102 : i32
        %add3A_104 = arith.constant 0 : i32
        %add3A_105 = arith.addi %add3A_104, %mul3A_103 : i32
        %mul3A_106 = arith.constant 80 : i32
        %mul3A_107 = arith.muli %add3A_105, %mul3A_106 : i32
        %add3A_108 = arith.addi %mul3A_12, %mul3A_107 : i32
        "tpu.region"() ({
          %run_scoped3A = tpu.sem_alloc : memref<!tpu.dma_semaphore, #tpu.memory_space<semaphore_mem>>
          %dma_start3A_109 = arith.constant 0 : i32
          %dma_start3A_110 = arith.constant 0 : i32
          %dma_start3A_111 = tpu.memref_slice %arg7[%arg0, %dma_start3A_109, %dma_start3A_110] : memref<2x10000x48xf32, #tpu.memory_space<hbm>> -> memref<1x10000x48xf32, #tpu.memory_space<hbm>>
          %dma_start3A_112 = tpu.memref_squeeze %dma_start3A_111 : memref<1x10000x48xf32, #tpu.memory_space<hbm>> -> memref<10000x48xf32, #tpu.memory_space<hbm>>
          %dma_start3A_113 = arith.constant 0 : i32
          %dma_start3A_114 = tpu.memref_slice %dma_start3A_112[%add3A_108, %dma_start3A_113] : memref<10000x48xf32, #tpu.memory_space<hbm>> -> memref<80x48xf32, #tpu.memory_space<hbm>>
          %dma_start3A_115 = arith.constant 0 : i32
          %dma_start3A_116 = tpu.memref_slice %arg25[%add3A_108, %dma_start3A_115] : memref<10112x48xf32, #tpu.memory_space<vmem_shared>> -> memref<80x48xf32, #tpu.memory_space<vmem_shared>>
          tpu.enqueue_dma source(%dma_start3A_116 : memref<80x48xf32, #tpu.memory_space<vmem_shared>>) target(%dma_start3A_114 : memref<80x48xf32, #tpu.memory_space<hbm>>) target_semaphore(%run_scoped3A : memref<!tpu.dma_semaphore, #tpu.memory_space<semaphore_mem>>)
          %dma_wait3A_117 = arith.constant 0 : i32
          %dma_wait3A_118 = arith.constant 0 : i32
          %dma_wait3A_119 = tpu.memref_slice %arg7[%arg0, %dma_wait3A_117, %dma_wait3A_118] : memref<2x10000x48xf32, #tpu.memory_space<hbm>> -> memref<1x10000x48xf32, #tpu.memory_space<hbm>>
          %dma_wait3A_120 = tpu.memref_squeeze %dma_wait3A_119 : memref<1x10000x48xf32, #tpu.memory_space<hbm>> -> memref<10000x48xf32, #tpu.memory_space<hbm>>
          %dma_wait3A_121 = arith.constant 0 : i32
          %dma_wait3A_122 = tpu.memref_slice %dma_wait3A_120[%add3A_108, %dma_wait3A_121] : memref<10000x48xf32, #tpu.memory_space<hbm>> -> memref<80x48xf32, #tpu.memory_space<hbm>>
          %dma_wait3A_123 = arith.constant 0 : i32
          %dma_wait3A_124 = tpu.memref_slice %arg25[%add3A_108, %dma_wait3A_123] : memref<10112x48xf32, #tpu.memory_space<vmem_shared>> -> memref<80x48xf32, #tpu.memory_space<vmem_shared>>
          tpu.wait_dma2 semaphore(%run_scoped3A : memref<!tpu.dma_semaphore, #tpu.memory_space<semaphore_mem>>) src(%dma_wait3A_124 : memref<80x48xf32, #tpu.memory_space<vmem_shared>>) dst(%dma_wait3A_122 : memref<80x48xf32, #tpu.memory_space<hbm>>)
          tpu.yield
        }) : () -> ()
      }
      %scan3A_98 = arith.constant 7 : i32
      %add3A_99 = arith.constant 560 : i32
      %add3A_100 = arith.addi %mul3A_12, %add3A_99 : i32
      "tpu.region"() ({
        %run_scoped3A = tpu.sem_alloc : memref<!tpu.dma_semaphore, #tpu.memory_space<semaphore_mem>>
        %dma_start3A_101 = arith.constant 0 : i32
        %dma_start3A_102 = arith.constant 0 : i32
        %dma_start3A_103 = tpu.memref_slice %arg7[%arg0, %dma_start3A_101, %dma_start3A_102] : memref<2x10000x48xf32, #tpu.memory_space<hbm>> -> memref<1x10000x48xf32, #tpu.memory_space<hbm>>
        %dma_start3A_104 = tpu.memref_squeeze %dma_start3A_103 : memref<1x10000x48xf32, #tpu.memory_space<hbm>> -> memref<10000x48xf32, #tpu.memory_space<hbm>>
        %dma_start3A_105 = arith.constant 0 : i32
        %dma_start3A_106 = tpu.memref_slice %dma_start3A_104[%add3A_100, %dma_start3A_105] : memref<10000x48xf32, #tpu.memory_space<hbm>> -> memref<72x48xf32, #tpu.memory_space<hbm>>
        %dma_start3A_107 = arith.constant 0 : i32
        %dma_start3A_108 = tpu.memref_slice %arg25[%add3A_100, %dma_start3A_107] : memref<10112x48xf32, #tpu.memory_space<vmem_shared>> -> memref<72x48xf32, #tpu.memory_space<vmem_shared>>
        tpu.enqueue_dma source(%dma_start3A_108 : memref<72x48xf32, #tpu.memory_space<vmem_shared>>) target(%dma_start3A_106 : memref<72x48xf32, #tpu.memory_space<hbm>>) target_semaphore(%run_scoped3A : memref<!tpu.dma_semaphore, #tpu.memory_space<semaphore_mem>>)
        %dma_wait3A_109 = arith.constant 0 : i32
        %dma_wait3A_110 = arith.constant 0 : i32
        %dma_wait3A_111 = tpu.memref_slice %arg7[%arg0, %dma_wait3A_109, %dma_wait3A_110] : memref<2x10000x48xf32, #tpu.memory_space<hbm>> -> memref<1x10000x48xf32, #tpu.memory_space<hbm>>
        %dma_wait3A_112 = tpu.memref_squeeze %dma_wait3A_111 : memref<1x10000x48xf32, #tpu.memory_space<hbm>> -> memref<10000x48xf32, #tpu.memory_space<hbm>>
        %dma_wait3A_113 = arith.constant 0 : i32
        %dma_wait3A_114 = tpu.memref_slice %dma_wait3A_112[%add3A_100, %dma_wait3A_113] : memref<10000x48xf32, #tpu.memory_space<hbm>> -> memref<72x48xf32, #tpu.memory_space<hbm>>
        %dma_wait3A_115 = arith.constant 0 : i32
        %dma_wait3A_116 = tpu.memref_slice %arg25[%add3A_100, %dma_wait3A_115] : memref<10112x48xf32, #tpu.memory_space<vmem_shared>> -> memref<72x48xf32, #tpu.memory_space<vmem_shared>>
        tpu.wait_dma2 semaphore(%run_scoped3A : memref<!tpu.dma_semaphore, #tpu.memory_space<semaphore_mem>>) src(%dma_wait3A_116 : memref<72x48xf32, #tpu.memory_space<vmem_shared>>) dst(%dma_wait3A_114 : memref<72x48xf32, #tpu.memory_space<hbm>>)
        tpu.yield
      }) : () -> ()
    } else {
    }
    %eq3A = arith.constant 15 : i32
    %eq3A_73 = arith.cmpi eq, %arg1, %eq3A : i32
    %convert_element_type3A_74 = arith.extui %eq3A_73 : i1 to i32
    %cond3A_75 = arith.constant 0 : i32
    %cond3A_76 = arith.cmpi ne, %convert_element_type3A_74, %cond3A_75 : i32
    scf.if %cond3A_76 {
      %scan3A_94 = arith.constant 0 : i32
      %scan3A_95 = arith.constant 6 : i32
      %scan3A_96 = arith.addi %scan3A_94, %scan3A_95 : i32
      %scan3A_97 = arith.constant 1 : i32
      scf.for %scan3A_101 = %scan3A_94 to %scan3A_96 step %scan3A_97  : i32 {
        %mul3A_102 = arith.constant 1 : i32
        %mul3A_103 = arith.muli %scan3A_101, %mul3A_102 : i32
        %add3A_104 = arith.constant 0 : i32
        %add3A_105 = arith.addi %add3A_104, %mul3A_103 : i32
        %mul3A_106 = arith.constant 80 : i32
        %mul3A_107 = arith.muli %add3A_105, %mul3A_106 : i32
        %add3A_108 = arith.addi %mul3A_12, %mul3A_107 : i32
        "tpu.region"() ({
          %run_scoped3A = tpu.sem_alloc : memref<!tpu.dma_semaphore, #tpu.memory_space<semaphore_mem>>
          %dma_start3A_109 = arith.constant 0 : i32
          %dma_start3A_110 = arith.constant 0 : i32
          %dma_start3A_111 = tpu.memref_slice %arg7[%arg0, %dma_start3A_109, %dma_start3A_110] : memref<2x10000x48xf32, #tpu.memory_space<hbm>> -> memref<1x10000x48xf32, #tpu.memory_space<hbm>>
          %dma_start3A_112 = tpu.memref_squeeze %dma_start3A_111 : memref<1x10000x48xf32, #tpu.memory_space<hbm>> -> memref<10000x48xf32, #tpu.memory_space<hbm>>
          %dma_start3A_113 = arith.constant 0 : i32
          %dma_start3A_114 = tpu.memref_slice %dma_start3A_112[%add3A_108, %dma_start3A_113] : memref<10000x48xf32, #tpu.memory_space<hbm>> -> memref<80x48xf32, #tpu.memory_space<hbm>>
          %dma_start3A_115 = arith.constant 0 : i32
          %dma_start3A_116 = tpu.memref_slice %arg25[%add3A_108, %dma_start3A_115] : memref<10112x48xf32, #tpu.memory_space<vmem_shared>> -> memref<80x48xf32, #tpu.memory_space<vmem_shared>>
          tpu.enqueue_dma source(%dma_start3A_116 : memref<80x48xf32, #tpu.memory_space<vmem_shared>>) target(%dma_start3A_114 : memref<80x48xf32, #tpu.memory_space<hbm>>) target_semaphore(%run_scoped3A : memref<!tpu.dma_semaphore, #tpu.memory_space<semaphore_mem>>)
          %dma_wait3A_117 = arith.constant 0 : i32
          %dma_wait3A_118 = arith.constant 0 : i32
          %dma_wait3A_119 = tpu.memref_slice %arg7[%arg0, %dma_wait3A_117, %dma_wait3A_118] : memref<2x10000x48xf32, #tpu.memory_space<hbm>> -> memref<1x10000x48xf32, #tpu.memory_space<hbm>>
          %dma_wait3A_120 = tpu.memref_squeeze %dma_wait3A_119 : memref<1x10000x48xf32, #tpu.memory_space<hbm>> -> memref<10000x48xf32, #tpu.memory_space<hbm>>
          %dma_wait3A_121 = arith.constant 0 : i32
          %dma_wait3A_122 = tpu.memref_slice %dma_wait3A_120[%add3A_108, %dma_wait3A_121] : memref<10000x48xf32, #tpu.memory_space<hbm>> -> memref<80x48xf32, #tpu.memory_space<hbm>>
          %dma_wait3A_123 = arith.constant 0 : i32
          %dma_wait3A_124 = tpu.memref_slice %arg25[%add3A_108, %dma_wait3A_123] : memref<10112x48xf32, #tpu.memory_space<vmem_shared>> -> memref<80x48xf32, #tpu.memory_space<vmem_shared>>
          tpu.wait_dma2 semaphore(%run_scoped3A : memref<!tpu.dma_semaphore, #tpu.memory_space<semaphore_mem>>) src(%dma_wait3A_124 : memref<80x48xf32, #tpu.memory_space<vmem_shared>>) dst(%dma_wait3A_122 : memref<80x48xf32, #tpu.memory_space<hbm>>)
          tpu.yield
        }) : () -> ()
      }
      %scan3A_98 = arith.constant 6 : i32
      %add3A_99 = arith.constant 480 : i32
      %add3A_100 = arith.addi %mul3A_12, %add3A_99 : i32
      "tpu.region"() ({
        %run_scoped3A = tpu.sem_alloc : memref<!tpu.dma_semaphore, #tpu.memory_space<semaphore_mem>>
        %dma_start3A_101 = arith.constant 0 : i32
        %dma_start3A_102 = arith.constant 0 : i32
        %dma_start3A_103 = tpu.memref_slice %arg7[%arg0, %dma_start3A_101, %dma_start3A_102] : memref<2x10000x48xf32, #tpu.memory_space<hbm>> -> memref<1x10000x48xf32, #tpu.memory_space<hbm>>
        %dma_start3A_104 = tpu.memref_squeeze %dma_start3A_103 : memref<1x10000x48xf32, #tpu.memory_space<hbm>> -> memref<10000x48xf32, #tpu.memory_space<hbm>>
        %dma_start3A_105 = arith.constant 0 : i32
        %dma_start3A_106 = tpu.memref_slice %dma_start3A_104[%add3A_100, %dma_start3A_105] : memref<10000x48xf32, #tpu.memory_space<hbm>> -> memref<40x48xf32, #tpu.memory_space<hbm>>
        %dma_start3A_107 = arith.constant 0 : i32
        %dma_start3A_108 = tpu.memref_slice %arg25[%add3A_100, %dma_start3A_107] : memref<10112x48xf32, #tpu.memory_space<vmem_shared>> -> memref<40x48xf32, #tpu.memory_space<vmem_shared>>
        tpu.enqueue_dma source(%dma_start3A_108 : memref<40x48xf32, #tpu.memory_space<vmem_shared>>) target(%dma_start3A_106 : memref<40x48xf32, #tpu.memory_space<hbm>>) target_semaphore(%run_scoped3A : memref<!tpu.dma_semaphore, #tpu.memory_space<semaphore_mem>>)
        %dma_wait3A_109 = arith.constant 0 : i32
        %dma_wait3A_110 = arith.constant 0 : i32
        %dma_wait3A_111 = tpu.memref_slice %arg7[%arg0, %dma_wait3A_109, %dma_wait3A_110] : memref<2x10000x48xf32, #tpu.memory_space<hbm>> -> memref<1x10000x48xf32, #tpu.memory_space<hbm>>
        %dma_wait3A_112 = tpu.memref_squeeze %dma_wait3A_111 : memref<1x10000x48xf32, #tpu.memory_space<hbm>> -> memref<10000x48xf32, #tpu.memory_space<hbm>>
        %dma_wait3A_113 = arith.constant 0 : i32
        %dma_wait3A_114 = tpu.memref_slice %dma_wait3A_112[%add3A_100, %dma_wait3A_113] : memref<10000x48xf32, #tpu.memory_space<hbm>> -> memref<40x48xf32, #tpu.memory_space<hbm>>
        %dma_wait3A_115 = arith.constant 0 : i32
        %dma_wait3A_116 = tpu.memref_slice %arg25[%add3A_100, %dma_wait3A_115] : memref<10112x48xf32, #tpu.memory_space<vmem_shared>> -> memref<40x48xf32, #tpu.memory_space<vmem_shared>>
        tpu.wait_dma2 semaphore(%run_scoped3A : memref<!tpu.dma_semaphore, #tpu.memory_space<semaphore_mem>>) src(%dma_wait3A_116 : memref<40x48xf32, #tpu.memory_space<vmem_shared>>) dst(%dma_wait3A_114 : memref<40x48xf32, #tpu.memory_space<hbm>>)
        tpu.yield
      }) : () -> ()
    } else {
    }
    %barrier3A_77 = arith.constant 0 : index
    tpu.barrier barrier_id(%barrier3A_77)
    %mul3A_78 = arith.constant 64 : i32
    %mul3A_79 = arith.muli %arg1, %mul3A_78 : i32
    "tpu.region"() ({
      %run_scoped3A = tpu.sem_alloc : memref<!tpu.dma_semaphore, #tpu.memory_space<semaphore_mem>>
      %dma_start3A_94 = tpu.memref_slice %arg6[%mul3A_79] : memref<1024xi32, #tpu.memory_space<hbm>> -> memref<64xi32, #tpu.memory_space<hbm>>
      %dma_start3A_95 = tpu.memref_slice %arg6[%mul3A_79] : memref<1024xi32, #tpu.memory_space<hbm>> -> memref<64xi32, #tpu.memory_space<hbm>>
      tpu.enqueue_dma source(%dma_start3A_95 : memref<64xi32, #tpu.memory_space<hbm>>) target(%arg26 : memref<64xi32, #tpu.memory_space<vmem>>) target_semaphore(%run_scoped3A : memref<!tpu.dma_semaphore, #tpu.memory_space<semaphore_mem>>)
      %dma_wait3A_96 = tpu.memref_slice %arg6[%mul3A_79] : memref<1024xi32, #tpu.memory_space<hbm>> -> memref<64xi32, #tpu.memory_space<hbm>>
      %dma_wait3A_97 = tpu.memref_slice %arg6[%mul3A_79] : memref<1024xi32, #tpu.memory_space<hbm>> -> memref<64xi32, #tpu.memory_space<hbm>>
      tpu.wait_dma2 semaphore(%run_scoped3A : memref<!tpu.dma_semaphore, #tpu.memory_space<semaphore_mem>>) src(%dma_wait3A_97 : memref<64xi32, #tpu.memory_space<hbm>>) dst(%arg26 : memref<64xi32, #tpu.memory_space<vmem>>)
      tpu.yield
    }) : () -> ()
    %dma_start3A_80 = arith.constant 0 : i32
    %dma_start3A_81 = arith.constant 0 : i32
    %dma_start3A_82 = tpu.memref_slice %arg7[%arg0, %dma_start3A_80, %dma_start3A_81] : memref<2x10000x48xf32, #tpu.memory_space<hbm>> -> memref<1x10000x48xf32, #tpu.memory_space<hbm>>
    %dma_start3A_83 = tpu.memref_squeeze %dma_start3A_82 : memref<1x10000x48xf32, #tpu.memory_space<hbm>> -> memref<10000x48xf32, #tpu.memory_space<hbm>>
    %dma_start3A_84 = arith.constant 0 : i32
    %dma_start3A_85 = arith.constant 0 : i32
    %dma_start3A_86 = tpu.memref_slice %dma_start3A_83[%dma_start3A_84, %dma_start3A_85] : memref<10000x48xf32, #tpu.memory_space<hbm>> -> memref<10000x48xf32, #tpu.memory_space<hbm>>
    tpu.enqueue_indirect_dma source(%dma_start3A_86 : memref<10000x48xf32, #tpu.memory_space<hbm>>) target(%arg27 : memref<64x48xf32, #tpu.memory_space<vmem>>) offsets(%arg26 : memref<64xi32, #tpu.memory_space<vmem>>) semaphore(%arg14 : memref<!tpu.dma_semaphore, #tpu.memory_space<semaphore_mem>>)
    %dma_wait3A_87 = arith.constant 0 : i32
    %dma_wait3A_88 = arith.constant 0 : i32
    %dma_wait3A_89 = tpu.memref_slice %arg7[%arg0, %dma_wait3A_87, %dma_wait3A_88] : memref<2x10000x48xf32, #tpu.memory_space<hbm>> -> memref<1x10000x48xf32, #tpu.memory_space<hbm>>
    %dma_wait3A_90 = tpu.memref_squeeze %dma_wait3A_89 : memref<1x10000x48xf32, #tpu.memory_space<hbm>> -> memref<10000x48xf32, #tpu.memory_space<hbm>>
    %dma_wait3A_91 = arith.constant 0 : i32
    %dma_wait3A_92 = arith.constant 0 : i32
    %dma_wait3A_93 = tpu.memref_slice %dma_wait3A_90[%dma_wait3A_91, %dma_wait3A_92] : memref<10000x48xf32, #tpu.memory_space<hbm>> -> memref<10000x48xf32, #tpu.memory_space<hbm>>
    tpu.wait_indirect_dma semaphore(%arg14 : memref<!tpu.dma_semaphore, #tpu.memory_space<semaphore_mem>>) src(%dma_wait3A_93 : memref<10000x48xf32, #tpu.memory_space<hbm>>) dst(%arg27 : memref<64x48xf32, #tpu.memory_space<vmem>>)
    "tpu.region"() ({
      %run_scoped3A = tpu.sem_alloc : memref<!tpu.dma_semaphore, #tpu.memory_space<semaphore_mem>>
      %dma_start3A_94 = arith.constant 0 : i32
      %dma_start3A_95 = arith.constant 0 : i32
      %dma_start3A_96 = tpu.memref_slice %arg8[%arg0, %dma_start3A_94, %dma_start3A_95] : memref<2x1024x48xf32, #tpu.memory_space<hbm>> -> memref<1x1024x48xf32, #tpu.memory_space<hbm>>
      %dma_start3A_97 = tpu.memref_squeeze %dma_start3A_96 : memref<1x1024x48xf32, #tpu.memory_space<hbm>> -> memref<1024x48xf32, #tpu.memory_space<hbm>>
      %dma_start3A_98 = arith.constant 0 : i32
      %dma_start3A_99 = tpu.memref_slice %dma_start3A_97[%mul3A_79, %dma_start3A_98] : memref<1024x48xf32, #tpu.memory_space<hbm>> -> memref<64x48xf32, #tpu.memory_space<hbm>>
      %dma_start3A_100 = arith.constant 0 : i32
      %dma_start3A_101 = arith.constant 0 : i32
      %dma_start3A_102 = tpu.memref_slice %arg8[%arg0, %dma_start3A_100, %dma_start3A_101] : memref<2x1024x48xf32, #tpu.memory_space<hbm>> -> memref<1x1024x48xf32, #tpu.memory_space<hbm>>
      %dma_start3A_103 = tpu.memref_squeeze %dma_start3A_102 : memref<1x1024x48xf32, #tpu.memory_space<hbm>> -> memref<1024x48xf32, #tpu.memory_space<hbm>>
      %dma_start3A_104 = arith.constant 0 : i32
      %dma_start3A_105 = tpu.memref_slice %dma_start3A_103[%mul3A_79, %dma_start3A_104] : memref<1024x48xf32, #tpu.memory_space<hbm>> -> memref<64x48xf32, #tpu.memory_space<hbm>>
      tpu.enqueue_dma source(%arg27 : memref<64x48xf32, #tpu.memory_space<vmem>>) target(%dma_start3A_105 : memref<64x48xf32, #tpu.memory_space<hbm>>) target_semaphore(%run_scoped3A : memref<!tpu.dma_semaphore, #tpu.memory_space<semaphore_mem>>)
      %dma_wait3A_106 = arith.constant 0 : i32
      %dma_wait3A_107 = arith.constant 0 : i32
      %dma_wait3A_108 = tpu.memref_slice %arg8[%arg0, %dma_wait3A_106, %dma_wait3A_107] : memref<2x1024x48xf32, #tpu.memory_space<hbm>> -> memref<1x1024x48xf32, #tpu.memory_space<hbm>>
      %dma_wait3A_109 = tpu.memref_squeeze %dma_wait3A_108 : memref<1x1024x48xf32, #tpu.memory_space<hbm>> -> memref<1024x48xf32, #tpu.memory_space<hbm>>
      %dma_wait3A_110 = arith.constant 0 : i32
      %dma_wait3A_111 = tpu.memref_slice %dma_wait3A_109[%mul3A_79, %dma_wait3A_110] : memref<1024x48xf32, #tpu.memory_space<hbm>> -> memref<64x48xf32, #tpu.memory_space<hbm>>
      %dma_wait3A_112 = arith.constant 0 : i32
      %dma_wait3A_113 = arith.constant 0 : i32
      %dma_wait3A_114 = tpu.memref_slice %arg8[%arg0, %dma_wait3A_112, %dma_wait3A_113] : memref<2x1024x48xf32, #tpu.memory_space<hbm>> -> memref<1x1024x48xf32, #tpu.memory_space<hbm>>
      %dma_wait3A_115 = tpu.memref_squeeze %dma_wait3A_114 : memref<1x1024x48xf32, #tpu.memory_space<hbm>> -> memref<1024x48xf32, #tpu.memory_space<hbm>>
      %dma_wait3A_116 = arith.constant 0 : i32
      %dma_wait3A_117 = tpu.memref_slice %dma_wait3A_115[%mul3A_79, %dma_wait3A_116] : memref<1024x48xf32, #tpu.memory_space<hbm>> -> memref<64x48xf32, #tpu.memory_space<hbm>>
      tpu.wait_dma2 semaphore(%run_scoped3A : memref<!tpu.dma_semaphore, #tpu.memory_space<semaphore_mem>>) src(%arg27 : memref<64x48xf32, #tpu.memory_space<vmem>>) dst(%dma_wait3A_117 : memref<64x48xf32, #tpu.memory_space<hbm>>)
      tpu.yield
    }) : () -> ()
    return
  }
}

#map = affine_map<(d0, d1) -> (0, 0)>
#map1 = affine_map<(d0, d1) -> (0)>
#map2 = affine_map<(d0, d1) -> (0, 0, 0)>
module attributes {stable_mosaic.version = 14 : i64} {
  func.func @body(%arg0: i32, %arg1: i32, %arg2: memref<10000x144xf32, #tpu.memory_space<hbm>>, %arg3: memref<320000xi32, #tpu.memory_space<hbm>>, %arg4: memref<320000xi32, #tpu.memory_space<hbm>>, %arg5: memref<320000xf32, #tpu.memory_space<hbm>>, %arg6: memref<2x10000x144xf32, #tpu.memory_space<hbm>>, %arg7: memref<10000xf32, #tpu.memory_space<vmem>>, %arg8: memref<!tpu.dma_semaphore, #tpu.memory_space<semaphore_mem>>, %arg9: memref<80xi32, #tpu.memory_space<vmem>>, %arg10: memref<80xi32, #tpu.memory_space<vmem>>, %arg11: memref<80x144xf32, #tpu.memory_space<vmem>>, %arg12: memref<!tpu.dma_semaphore, #tpu.memory_space<semaphore_mem>>, %arg13: memref<!tpu.dma_semaphore, #tpu.memory_space<semaphore_mem>>, %arg14: memref<!tpu.dma_semaphore, #tpu.memory_space<semaphore_mem>>, %arg15: memref<!tpu.dma_semaphore, #tpu.memory_space<semaphore_mem>>, %arg16: memref<80xi32, #tpu.memory_space<vmem>>, %arg17: memref<80xi32, #tpu.memory_space<vmem>>, %arg18: memref<80x144xf32, #tpu.memory_space<vmem>>, %arg19: memref<!tpu.dma_semaphore, #tpu.memory_space<semaphore_mem>>, %arg20: memref<!tpu.dma_semaphore, #tpu.memory_space<semaphore_mem>>, %arg21: memref<!tpu.dma_semaphore, #tpu.memory_space<semaphore_mem>>, %arg22: memref<!tpu.dma_semaphore, #tpu.memory_space<semaphore_mem>>, %arg23: memref<10112x144xf32, #tpu.memory_space<vmem_shared>>) attributes {dimension_semantics = [#tpu.dimension_semantics<core_parallel>, #tpu.dimension_semantics<subcore_parallel>], iteration_bounds = array<i64: 2, 16>, scalar_prefetch = 0 : i64, scratch_operands = 17 : i64, tpu.core_type = #tpu.core_type<sc_vector_subcore>, window_params = [{transform_indices = #map}, {transform_indices = #map1}, {transform_indices = #map1}, {transform_indices = #map1}, {transform_indices = #map2}]} {
    %mul3A = arith.constant 2 : i32
    %mul3A_0 = arith.muli %arg1, %mul3A : i32
    %add3A = arith.addi %mul3A_0, %arg0 : i32
    %broadcast_in_dim3A = arith.constant 0.000000e+00 : f32
    %broadcast_in_dim3A_1 = vector.broadcast %broadcast_in_dim3A : f32 to vector<16xf32>
    %broadcast_in_dim3A_2 = arith.constant 0 : i32
    %broadcast_in_dim3A_3 = vector.broadcast %broadcast_in_dim3A_2 : i32 to vector<16xi32>
    %mul3A_4 = arith.constant 10000 : i32
    %mul3A_5 = arith.muli %add3A, %mul3A_4 : i32
    %dma_start3A = tpu.memref_slice %arg5[%mul3A_5] : memref<320000xf32, #tpu.memory_space<hbm>> -> memref<10000xf32, #tpu.memory_space<hbm>>
    %dma_start3A_6 = tpu.memref_slice %arg5[%mul3A_5] : memref<320000xf32, #tpu.memory_space<hbm>> -> memref<10000xf32, #tpu.memory_space<hbm>>
    tpu.enqueue_dma source(%dma_start3A_6 : memref<10000xf32, #tpu.memory_space<hbm>>) target(%arg7 : memref<10000xf32, #tpu.memory_space<vmem>>) target_semaphore(%arg8 : memref<!tpu.dma_semaphore, #tpu.memory_space<semaphore_mem>>)
    %scan3A = arith.constant 0 : i32
    %scan3A_7 = arith.constant 80 : i32
    %scan3A_8 = arith.addi %scan3A, %scan3A_7 : i32
    %scan3A_9 = arith.constant 1 : i32
    scf.for %scan3A_77 = %scan3A to %scan3A_8 step %scan3A_9  : i32 {
      %mul3A_78 = arith.constant 1 : i32
      %mul3A_79 = arith.muli %scan3A_77, %mul3A_78 : i32
      %add3A_80 = arith.constant 0 : i32
      %add3A_81 = arith.addi %add3A_80, %mul3A_79 : i32
      %swap3A = arith.index_cast %add3A_81 : i32 to index
      %swap3A_82 = arith.constant 0 : index
      %swap3A_83 = tpu.vector_load %arg11[%swap3A, %swap3A_82] {strides = array<i32>} : memref<80x144xf32, #tpu.memory_space<vmem>>, vector<16xf32>,
      tpu.vector_store %arg11[%swap3A, %swap3A_82], %broadcast_in_dim3A_1 {strides = array<i32>} : memref<80x144xf32, #tpu.memory_space<vmem>>, vector<16xf32>,
      %swap3A_84 = arith.index_cast %add3A_81 : i32 to index
      %swap3A_85 = arith.constant 16 : index
      %swap3A_86 = tpu.vector_load %arg11[%swap3A_84, %swap3A_85] {strides = array<i32>} : memref<80x144xf32, #tpu.memory_space<vmem>>, vector<16xf32>,
      tpu.vector_store %arg11[%swap3A_84, %swap3A_85], %broadcast_in_dim3A_1 {strides = array<i32>} : memref<80x144xf32, #tpu.memory_space<vmem>>, vector<16xf32>,
      %swap3A_87 = arith.index_cast %add3A_81 : i32 to index
      %swap3A_88 = arith.constant 32 : index
      %swap3A_89 = tpu.vector_load %arg11[%swap3A_87, %swap3A_88] {strides = array<i32>} : memref<80x144xf32, #tpu.memory_space<vmem>>, vector<16xf32>,
      tpu.vector_store %arg11[%swap3A_87, %swap3A_88], %broadcast_in_dim3A_1 {strides = array<i32>} : memref<80x144xf32, #tpu.memory_space<vmem>>, vector<16xf32>,
      %swap3A_90 = arith.index_cast %add3A_81 : i32 to index
      %swap3A_91 = arith.constant 48 : index
      %swap3A_92 = tpu.vector_load %arg11[%swap3A_90, %swap3A_91] {strides = array<i32>} : memref<80x144xf32, #tpu.memory_space<vmem>>, vector<16xf32>,
      tpu.vector_store %arg11[%swap3A_90, %swap3A_91], %broadcast_in_dim3A_1 {strides = array<i32>} : memref<80x144xf32, #tpu.memory_space<vmem>>, vector<16xf32>,
      %swap3A_93 = arith.index_cast %add3A_81 : i32 to index
      %swap3A_94 = arith.constant 64 : index
      %swap3A_95 = tpu.vector_load %arg11[%swap3A_93, %swap3A_94] {strides = array<i32>} : memref<80x144xf32, #tpu.memory_space<vmem>>, vector<16xf32>,
      tpu.vector_store %arg11[%swap3A_93, %swap3A_94], %broadcast_in_dim3A_1 {strides = array<i32>} : memref<80x144xf32, #tpu.memory_space<vmem>>, vector<16xf32>,
      %swap3A_96 = arith.index_cast %add3A_81 : i32 to index
      %swap3A_97 = arith.constant 80 : index
      %swap3A_98 = tpu.vector_load %arg11[%swap3A_96, %swap3A_97] {strides = array<i32>} : memref<80x144xf32, #tpu.memory_space<vmem>>, vector<16xf32>,
      tpu.vector_store %arg11[%swap3A_96, %swap3A_97], %broadcast_in_dim3A_1 {strides = array<i32>} : memref<80x144xf32, #tpu.memory_space<vmem>>, vector<16xf32>,
      %swap3A_99 = arith.index_cast %add3A_81 : i32 to index
      %swap3A_100 = arith.constant 96 : index
      %swap3A_101 = tpu.vector_load %arg11[%swap3A_99, %swap3A_100] {strides = array<i32>} : memref<80x144xf32, #tpu.memory_space<vmem>>, vector<16xf32>,
      tpu.vector_store %arg11[%swap3A_99, %swap3A_100], %broadcast_in_dim3A_1 {strides = array<i32>} : memref<80x144xf32, #tpu.memory_space<vmem>>, vector<16xf32>,
      %swap3A_102 = arith.index_cast %add3A_81 : i32 to index
      %swap3A_103 = arith.constant 112 : index
      %swap3A_104 = tpu.vector_load %arg11[%swap3A_102, %swap3A_103] {strides = array<i32>} : memref<80x144xf32, #tpu.memory_space<vmem>>, vector<16xf32>,
      tpu.vector_store %arg11[%swap3A_102, %swap3A_103], %broadcast_in_dim3A_1 {strides = array<i32>} : memref<80x144xf32, #tpu.memory_space<vmem>>, vector<16xf32>,
      %swap3A_105 = arith.index_cast %add3A_81 : i32 to index
      %swap3A_106 = arith.constant 128 : index
      %swap3A_107 = tpu.vector_load %arg11[%swap3A_105, %swap3A_106] {strides = array<i32>} : memref<80x144xf32, #tpu.memory_space<vmem>>, vector<16xf32>,
      tpu.vector_store %arg11[%swap3A_105, %swap3A_106], %broadcast_in_dim3A_1 {strides = array<i32>} : memref<80x144xf32, #tpu.memory_space<vmem>>, vector<16xf32>,
    }
    %scan3A_10 = arith.constant 80 : i32
    %mul3A_11 = arith.constant 632 : i32
    %mul3A_12 = arith.muli %arg1, %mul3A_11 : i32
    %scan3A_13 = arith.constant 0 : i32
    %scan3A_14 = arith.constant 7 : i32
    %scan3A_15 = arith.addi %scan3A_13, %scan3A_14 : i32
    %scan3A_16 = arith.constant 1 : i32
    scf.for %scan3A_77 = %scan3A_13 to %scan3A_15 step %scan3A_16  : i32 {
      %mul3A_78 = arith.constant 1 : i32
      %mul3A_79 = arith.muli %scan3A_77, %mul3A_78 : i32
      %add3A_80 = arith.constant 0 : i32
      %add3A_81 = arith.addi %add3A_80, %mul3A_79 : i32
      %mul3A_82 = arith.constant 80 : i32
      %mul3A_83 = arith.muli %add3A_81, %mul3A_82 : i32
      %add3A_84 = arith.addi %mul3A_12, %mul3A_83 : i32
      "tpu.region"() ({
        %run_scoped3A = tpu.sem_alloc : memref<!tpu.dma_semaphore, #tpu.memory_space<semaphore_mem>>
        %dma_start3A_85 = arith.constant 0 : i32
        %dma_start3A_86 = tpu.memref_slice %arg23[%add3A_84, %dma_start3A_85] : memref<10112x144xf32, #tpu.memory_space<vmem_shared>> -> memref<80x144xf32, #tpu.memory_space<vmem_shared>>
        %dma_start3A_87 = arith.constant 0 : i32
        %dma_start3A_88 = tpu.memref_slice %arg23[%add3A_84, %dma_start3A_87] : memref<10112x144xf32, #tpu.memory_space<vmem_shared>> -> memref<80x144xf32, #tpu.memory_space<vmem_shared>>
        tpu.enqueue_dma source(%arg11 : memref<80x144xf32, #tpu.memory_space<vmem>>) target(%dma_start3A_88 : memref<80x144xf32, #tpu.memory_space<vmem_shared>>) target_semaphore(%run_scoped3A : memref<!tpu.dma_semaphore, #tpu.memory_space<semaphore_mem>>)
        %dma_wait3A_89 = arith.constant 0 : i32
        %dma_wait3A_90 = tpu.memref_slice %arg23[%add3A_84, %dma_wait3A_89] : memref<10112x144xf32, #tpu.memory_space<vmem_shared>> -> memref<80x144xf32, #tpu.memory_space<vmem_shared>>
        %dma_wait3A_91 = arith.constant 0 : i32
        %dma_wait3A_92 = tpu.memref_slice %arg23[%add3A_84, %dma_wait3A_91] : memref<10112x144xf32, #tpu.memory_space<vmem_shared>> -> memref<80x144xf32, #tpu.memory_space<vmem_shared>>
        tpu.wait_dma2 semaphore(%run_scoped3A : memref<!tpu.dma_semaphore, #tpu.memory_space<semaphore_mem>>) src(%arg11 : memref<80x144xf32, #tpu.memory_space<vmem>>) dst(%dma_wait3A_92 : memref<80x144xf32, #tpu.memory_space<vmem_shared>>)
        tpu.yield
      }) : () -> ()
    }
    %scan3A_17 = arith.constant 7 : i32
    %add3A_18 = arith.constant 560 : i32
    %add3A_19 = arith.addi %mul3A_12, %add3A_18 : i32
    "tpu.region"() ({
      %run_scoped3A = tpu.sem_alloc : memref<!tpu.dma_semaphore, #tpu.memory_space<semaphore_mem>>
      %dma_start3A_77 = arith.constant 0 : i32
      %dma_start3A_78 = arith.constant 0 : i32
      %dma_start3A_79 = tpu.memref_slice %arg11[%dma_start3A_77, %dma_start3A_78] : memref<80x144xf32, #tpu.memory_space<vmem>> -> memref<72x144xf32, #tpu.memory_space<vmem>>
      %dma_start3A_80 = arith.constant 0 : i32
      %dma_start3A_81 = tpu.memref_slice %arg23[%add3A_19, %dma_start3A_80] : memref<10112x144xf32, #tpu.memory_space<vmem_shared>> -> memref<72x144xf32, #tpu.memory_space<vmem_shared>>
      %dma_start3A_82 = arith.constant 0 : i32
      %dma_start3A_83 = tpu.memref_slice %arg23[%add3A_19, %dma_start3A_82] : memref<10112x144xf32, #tpu.memory_space<vmem_shared>> -> memref<72x144xf32, #tpu.memory_space<vmem_shared>>
      %dma_start3A_84 = arith.constant 0 : i32
      %dma_start3A_85 = arith.constant 0 : i32
      %dma_start3A_86 = tpu.memref_slice %arg11[%dma_start3A_84, %dma_start3A_85] : memref<80x144xf32, #tpu.memory_space<vmem>> -> memref<72x144xf32, #tpu.memory_space<vmem>>
      tpu.enqueue_dma source(%dma_start3A_86 : memref<72x144xf32, #tpu.memory_space<vmem>>) target(%dma_start3A_83 : memref<72x144xf32, #tpu.memory_space<vmem_shared>>) target_semaphore(%run_scoped3A : memref<!tpu.dma_semaphore, #tpu.memory_space<semaphore_mem>>)
      %dma_wait3A_87 = arith.constant 0 : i32
      %dma_wait3A_88 = arith.constant 0 : i32
      %dma_wait3A_89 = tpu.memref_slice %arg11[%dma_wait3A_87, %dma_wait3A_88] : memref<80x144xf32, #tpu.memory_space<vmem>> -> memref<72x144xf32, #tpu.memory_space<vmem>>
      %dma_wait3A_90 = arith.constant 0 : i32
      %dma_wait3A_91 = tpu.memref_slice %arg23[%add3A_19, %dma_wait3A_90] : memref<10112x144xf32, #tpu.memory_space<vmem_shared>> -> memref<72x144xf32, #tpu.memory_space<vmem_shared>>
      %dma_wait3A_92 = arith.constant 0 : i32
      %dma_wait3A_93 = tpu.memref_slice %arg23[%add3A_19, %dma_wait3A_92] : memref<10112x144xf32, #tpu.memory_space<vmem_shared>> -> memref<72x144xf32, #tpu.memory_space<vmem_shared>>
      %dma_wait3A_94 = arith.constant 0 : i32
      %dma_wait3A_95 = arith.constant 0 : i32
      %dma_wait3A_96 = tpu.memref_slice %arg11[%dma_wait3A_94, %dma_wait3A_95] : memref<80x144xf32, #tpu.memory_space<vmem>> -> memref<72x144xf32, #tpu.memory_space<vmem>>
      tpu.wait_dma2 semaphore(%run_scoped3A : memref<!tpu.dma_semaphore, #tpu.memory_space<semaphore_mem>>) src(%dma_wait3A_96 : memref<72x144xf32, #tpu.memory_space<vmem>>) dst(%dma_wait3A_93 : memref<72x144xf32, #tpu.memory_space<vmem_shared>>)
      tpu.yield
    }) : () -> ()
    %dma_wait3A = tpu.memref_slice %arg5[%mul3A_5] : memref<320000xf32, #tpu.memory_space<hbm>> -> memref<10000xf32, #tpu.memory_space<hbm>>
    %dma_wait3A_20 = tpu.memref_slice %arg5[%mul3A_5] : memref<320000xf32, #tpu.memory_space<hbm>> -> memref<10000xf32, #tpu.memory_space<hbm>>
    tpu.wait_dma2 semaphore(%arg8 : memref<!tpu.dma_semaphore, #tpu.memory_space<semaphore_mem>>) src(%dma_wait3A_20 : memref<10000xf32, #tpu.memory_space<hbm>>) dst(%arg7 : memref<10000xf32, #tpu.memory_space<vmem>>)
    %barrier3A = arith.constant 0 : index
    tpu.barrier barrier_id(%barrier3A)
    %add3A_21 = arith.constant 0 : i32
    %add3A_22 = arith.addi %mul3A_5, %add3A_21 : i32
    %dma_start3A_23 = tpu.memref_slice %arg3[%add3A_22] : memref<320000xi32, #tpu.memory_space<hbm>> -> memref<80xi32, #tpu.memory_space<hbm>>
    %dma_start3A_24 = tpu.memref_slice %arg3[%add3A_22] : memref<320000xi32, #tpu.memory_space<hbm>> -> memref<80xi32, #tpu.memory_space<hbm>>
    tpu.enqueue_dma source(%dma_start3A_24 : memref<80xi32, #tpu.memory_space<hbm>>) target(%arg9 : memref<80xi32, #tpu.memory_space<vmem>>) target_semaphore(%arg12 : memref<!tpu.dma_semaphore, #tpu.memory_space<semaphore_mem>>)
    %add3A_25 = arith.constant 0 : i32
    %add3A_26 = arith.addi %mul3A_5, %add3A_25 : i32
    %dma_wait3A_27 = tpu.memref_slice %arg3[%add3A_26] : memref<320000xi32, #tpu.memory_space<hbm>> -> memref<80xi32, #tpu.memory_space<hbm>>
    %dma_wait3A_28 = tpu.memref_slice %arg3[%add3A_26] : memref<320000xi32, #tpu.memory_space<hbm>> -> memref<80xi32, #tpu.memory_space<hbm>>
    tpu.wait_dma2 semaphore(%arg12 : memref<!tpu.dma_semaphore, #tpu.memory_space<semaphore_mem>>) src(%dma_wait3A_28 : memref<80xi32, #tpu.memory_space<hbm>>) dst(%arg9 : memref<80xi32, #tpu.memory_space<vmem>>)
    %dma_start3A_29 = tpu.memref_slice %arg4[%add3A_26] : memref<320000xi32, #tpu.memory_space<hbm>> -> memref<80xi32, #tpu.memory_space<hbm>>
    %dma_start3A_30 = tpu.memref_slice %arg4[%add3A_26] : memref<320000xi32, #tpu.memory_space<hbm>> -> memref<80xi32, #tpu.memory_space<hbm>>
    tpu.enqueue_dma source(%dma_start3A_30 : memref<80xi32, #tpu.memory_space<hbm>>) target(%arg10 : memref<80xi32, #tpu.memory_space<vmem>>) target_semaphore(%arg13 : memref<!tpu.dma_semaphore, #tpu.memory_space<semaphore_mem>>)
    %dma_start3A_31 = arith.constant 0 : i32
    %dma_start3A_32 = arith.constant 0 : i32
    %dma_start3A_33 = tpu.memref_slice %arg2[%dma_start3A_31, %dma_start3A_32] : memref<10000x144xf32, #tpu.memory_space<hbm>> -> memref<10000x144xf32, #tpu.memory_space<hbm>>
    tpu.enqueue_indirect_dma source(%dma_start3A_33 : memref<10000x144xf32, #tpu.memory_space<hbm>>) target(%arg11 : memref<80x144xf32, #tpu.memory_space<vmem>>) offsets(%arg9 : memref<80xi32, #tpu.memory_space<vmem>>) semaphore(%arg14 : memref<!tpu.dma_semaphore, #tpu.memory_space<semaphore_mem>>)
    %add3A_34 = arith.constant 80 : i32
    %add3A_35 = arith.addi %mul3A_5, %add3A_34 : i32
    %dma_start3A_36 = tpu.memref_slice %arg3[%add3A_35] : memref<320000xi32, #tpu.memory_space<hbm>> -> memref<80xi32, #tpu.memory_space<hbm>>
    %dma_start3A_37 = tpu.memref_slice %arg3[%add3A_35] : memref<320000xi32, #tpu.memory_space<hbm>> -> memref<80xi32, #tpu.memory_space<hbm>>
    tpu.enqueue_dma source(%dma_start3A_37 : memref<80xi32, #tpu.memory_space<hbm>>) target(%arg16 : memref<80xi32, #tpu.memory_space<vmem>>) target_semaphore(%arg19 : memref<!tpu.dma_semaphore, #tpu.memory_space<semaphore_mem>>)
    %scan3A_38 = arith.constant 0 : i32
    %scan3A_39 = arith.constant 62 : i32
    %scan3A_40 = arith.addi %scan3A_38, %scan3A_39 : i32
    %scan3A_41 = arith.constant 1 : i32
    scf.for %scan3A_77 = %scan3A_38 to %scan3A_40 step %scan3A_41  : i32 {
      %mul3A_78 = arith.constant 1 : i32
      %mul3A_79 = arith.muli %scan3A_77, %mul3A_78 : i32
      %add3A_80 = arith.constant 0 : i32
      %add3A_81 = arith.addi %add3A_80, %mul3A_79 : i32
      %dma_wait3A_82 = arith.constant 0 : i32
      %dma_wait3A_83 = arith.constant 0 : i32
      %dma_wait3A_84 = tpu.memref_slice %arg2[%dma_wait3A_82, %dma_wait3A_83] : memref<10000x144xf32, #tpu.memory_space<hbm>> -> memref<10000x144xf32, #tpu.memory_space<hbm>>
      tpu.wait_indirect_dma semaphore(%arg14 : memref<!tpu.dma_semaphore, #tpu.memory_space<semaphore_mem>>) src(%dma_wait3A_84 : memref<10000x144xf32, #tpu.memory_space<hbm>>) dst(%arg11 : memref<80x144xf32, #tpu.memory_space<vmem>>)
      %mul3A_85 = arith.constant 2 : i32
      %mul3A_86 = arith.muli %mul3A_85, %add3A_81 : i32
      %add3A_87 = arith.constant 2 : i32
      %add3A_88 = arith.addi %mul3A_86, %add3A_87 : i32
      %mul3A_89 = arith.constant 80 : i32
      %mul3A_90 = arith.muli %add3A_88, %mul3A_89 : i32
      %add3A_91 = arith.addi %mul3A_5, %mul3A_90 : i32
      %dma_start3A_92 = tpu.memref_slice %arg3[%add3A_91] : memref<320000xi32, #tpu.memory_space<hbm>> -> memref<80xi32, #tpu.memory_space<hbm>>
      %dma_start3A_93 = tpu.memref_slice %arg3[%add3A_91] : memref<320000xi32, #tpu.memory_space<hbm>> -> memref<80xi32, #tpu.memory_space<hbm>>
      tpu.enqueue_dma source(%dma_start3A_93 : memref<80xi32, #tpu.memory_space<hbm>>) target(%arg9 : memref<80xi32, #tpu.memory_space<vmem>>) target_semaphore(%arg12 : memref<!tpu.dma_semaphore, #tpu.memory_space<semaphore_mem>>)
      %eq3A_94 = arith.constant 0 : i32
      %eq3A_95 = arith.cmpi eq, %add3A_81, %eq3A_94 : i32
      %convert_element_type3A_96 = arith.extui %eq3A_95 : i1 to i32
      %cond3A_97 = arith.constant 0 : i32
      %cond3A_98 = arith.cmpi ne, %convert_element_type3A_96, %cond3A_97 : i32
      scf.if %cond3A_98 {
        %add3A_167 = arith.constant 80 : i32
        %add3A_168 = arith.addi %mul3A_5, %add3A_167 : i32
        %dma_wait3A_169 = tpu.memref_slice %arg3[%add3A_168] : memref<320000xi32, #tpu.memory_space<hbm>> -> memref<80xi32, #tpu.memory_space<hbm>>
        %dma_wait3A_170 = tpu.memref_slice %arg3[%add3A_168] : memref<320000xi32, #tpu.memory_space<hbm>> -> memref<80xi32, #tpu.memory_space<hbm>>
        tpu.wait_dma2 semaphore(%arg19 : memref<!tpu.dma_semaphore, #tpu.memory_space<semaphore_mem>>) src(%dma_wait3A_170 : memref<80xi32, #tpu.memory_space<hbm>>) dst(%arg16 : memref<80xi32, #tpu.memory_space<vmem>>)
        %dma_start3A_171 = tpu.memref_slice %arg4[%add3A_168] : memref<320000xi32, #tpu.memory_space<hbm>> -> memref<80xi32, #tpu.memory_space<hbm>>
        %dma_start3A_172 = tpu.memref_slice %arg4[%add3A_168] : memref<320000xi32, #tpu.memory_space<hbm>> -> memref<80xi32, #tpu.memory_space<hbm>>
        tpu.enqueue_dma source(%dma_start3A_172 : memref<80xi32, #tpu.memory_space<hbm>>) target(%arg17 : memref<80xi32, #tpu.memory_space<vmem>>) target_semaphore(%arg20 : memref<!tpu.dma_semaphore, #tpu.memory_space<semaphore_mem>>)
        %dma_start3A_173 = arith.constant 0 : i32
        %dma_start3A_174 = arith.constant 0 : i32
        %dma_start3A_175 = tpu.memref_slice %arg2[%dma_start3A_173, %dma_start3A_174] : memref<10000x144xf32, #tpu.memory_space<hbm>> -> memref<10000x144xf32, #tpu.memory_space<hbm>>
        tpu.enqueue_indirect_dma source(%dma_start3A_175 : memref<10000x144xf32, #tpu.memory_space<hbm>>) target(%arg18 : memref<80x144xf32, #tpu.memory_space<vmem>>) offsets(%arg16 : memref<80xi32, #tpu.memory_space<vmem>>) semaphore(%arg21 : memref<!tpu.dma_semaphore, #tpu.memory_space<semaphore_mem>>)
      } else {
      }
      %ne3A_99 = arith.constant 0 : i32
      %ne3A_100 = arith.cmpi ne, %add3A_81, %ne3A_99 : i32
      %convert_element_type3A_101 = arith.extui %ne3A_100 : i1 to i32
      %cond3A_102 = arith.constant 0 : i32
      %cond3A_103 = arith.cmpi ne, %convert_element_type3A_101, %cond3A_102 : i32
      scf.if %cond3A_103 {
        %mul3A_167 = arith.constant 2 : i32
        %mul3A_168 = arith.muli %mul3A_167, %add3A_81 : i32
        %add3A_169 = arith.constant 1 : i32
        %add3A_170 = arith.addi %mul3A_168, %add3A_169 : i32
        %dma_wait3A_171 = arith.constant 0 : i32
        %dma_wait3A_172 = arith.constant 0 : i32
        %dma_wait3A_173 = tpu.memref_slice %arg2[%dma_wait3A_171, %dma_wait3A_172] : memref<10000x144xf32, #tpu.memory_space<hbm>> -> memref<80x144xf32, #tpu.memory_space<hbm>>
        %dma_wait3A_174 = arith.constant 0 : i32
        %dma_wait3A_175 = arith.constant 0 : i32
        %dma_wait3A_176 = tpu.memref_slice %arg2[%dma_wait3A_174, %dma_wait3A_175] : memref<10000x144xf32, #tpu.memory_space<hbm>> -> memref<80x144xf32, #tpu.memory_space<hbm>>
        tpu.wait_dma2 semaphore(%arg22 : memref<!tpu.dma_semaphore, #tpu.memory_space<semaphore_mem>>) src(%dma_wait3A_176 : memref<80x144xf32, #tpu.memory_space<hbm>>) dst(%arg18 : memref<80x144xf32, #tpu.memory_space<vmem>>)
        %mul3A_177 = arith.constant 80 : i32
        %mul3A_178 = arith.muli %add3A_170, %mul3A_177 : i32
        %add3A_179 = arith.addi %mul3A_5, %mul3A_178 : i32
        %dma_wait3A_180 = tpu.memref_slice %arg3[%add3A_179] : memref<320000xi32, #tpu.memory_space<hbm>> -> memref<80xi32, #tpu.memory_space<hbm>>
        %dma_wait3A_181 = tpu.memref_slice %arg3[%add3A_179] : memref<320000xi32, #tpu.memory_space<hbm>> -> memref<80xi32, #tpu.memory_space<hbm>>
        tpu.wait_dma2 semaphore(%arg19 : memref<!tpu.dma_semaphore, #tpu.memory_space<semaphore_mem>>) src(%dma_wait3A_181 : memref<80xi32, #tpu.memory_space<hbm>>) dst(%arg16 : memref<80xi32, #tpu.memory_space<vmem>>)
        %dma_start3A_182 = tpu.memref_slice %arg4[%add3A_179] : memref<320000xi32, #tpu.memory_space<hbm>> -> memref<80xi32, #tpu.memory_space<hbm>>
        %dma_start3A_183 = tpu.memref_slice %arg4[%add3A_179] : memref<320000xi32, #tpu.memory_space<hbm>> -> memref<80xi32, #tpu.memory_space<hbm>>
        tpu.enqueue_dma source(%dma_start3A_183 : memref<80xi32, #tpu.memory_space<hbm>>) target(%arg17 : memref<80xi32, #tpu.memory_space<vmem>>) target_semaphore(%arg20 : memref<!tpu.dma_semaphore, #tpu.memory_space<semaphore_mem>>)
        %dma_start3A_184 = arith.constant 0 : i32
        %dma_start3A_185 = arith.constant 0 : i32
        %dma_start3A_186 = tpu.memref_slice %arg2[%dma_start3A_184, %dma_start3A_185] : memref<10000x144xf32, #tpu.memory_space<hbm>> -> memref<10000x144xf32, #tpu.memory_space<hbm>>
        tpu.enqueue_indirect_dma source(%dma_start3A_186 : memref<10000x144xf32, #tpu.memory_space<hbm>>) target(%arg18 : memref<80x144xf32, #tpu.memory_space<vmem>>) offsets(%arg16 : memref<80xi32, #tpu.memory_space<vmem>>) semaphore(%arg21 : memref<!tpu.dma_semaphore, #tpu.memory_space<semaphore_mem>>)
      } else {
      }
      %mul3A_104 = arith.constant 2 : i32
      %mul3A_105 = arith.muli %mul3A_104, %add3A_81 : i32
      %mul3A_106 = arith.constant 80 : i32
      %mul3A_107 = arith.muli %mul3A_105, %mul3A_106 : i32
      %scan3A_108 = arith.constant 0 : i32
      %scan3A_109 = arith.constant 80 : i32
      %scan3A_110 = arith.addi %scan3A_108, %scan3A_109 : i32
      %scan3A_111 = arith.constant 1 : i32
      scf.for %scan3A_167 = %scan3A_108 to %scan3A_110 step %scan3A_111  : i32 {
        %mul3A_168 = arith.constant 1 : i32
        %mul3A_169 = arith.muli %scan3A_167, %mul3A_168 : i32
        %add3A_170 = arith.constant 0 : i32
        %add3A_171 = arith.addi %add3A_170, %mul3A_169 : i32
        %add3A_172 = arith.addi %mul3A_107, %add3A_171 : i32
        %add3A_173 = vector.broadcast %add3A_172 : i32 to vector<16xi32>
        %add3A_174 = arith.addi %broadcast_in_dim3A_3, %add3A_173 : vector<16xi32>
        %gather3A = tpu.vector_load_idx %arg7[%add3A_174] : memref<10000xf32, #tpu.memory_space<vmem>>[vector<16xi32>], vector<16xf32>,
        %get3A = arith.index_cast %add3A_171 : i32 to index
        %get3A_175 = arith.constant 0 : index
        %get3A_176 = tpu.vector_load %arg11[%get3A, %get3A_175] {strides = array<i32>} : memref<80x144xf32, #tpu.memory_space<vmem>>, vector<16xf32>,
        %mul3A_177 = arith.mulf %get3A_176, %gather3A : vector<16xf32>
        %swap3A = arith.index_cast %add3A_171 : i32 to index
        %swap3A_178 = arith.constant 0 : index
        %swap3A_179 = tpu.vector_load %arg11[%swap3A, %swap3A_178] {strides = array<i32>} : memref<80x144xf32, #tpu.memory_space<vmem>>, vector<16xf32>,
        tpu.vector_store %arg11[%swap3A, %swap3A_178], %mul3A_177 {strides = array<i32>} : memref<80x144xf32, #tpu.memory_space<vmem>>, vector<16xf32>,
        %get3A_180 = arith.index_cast %add3A_171 : i32 to index
        %get3A_181 = arith.constant 16 : index
        %get3A_182 = tpu.vector_load %arg11[%get3A_180, %get3A_181] {strides = array<i32>} : memref<80x144xf32, #tpu.memory_space<vmem>>, vector<16xf32>,
        %mul3A_183 = arith.mulf %get3A_182, %gather3A : vector<16xf32>
        %swap3A_184 = arith.index_cast %add3A_171 : i32 to index
        %swap3A_185 = arith.constant 16 : index
        %swap3A_186 = tpu.vector_load %arg11[%swap3A_184, %swap3A_185] {strides = array<i32>} : memref<80x144xf32, #tpu.memory_space<vmem>>, vector<16xf32>,
        tpu.vector_store %arg11[%swap3A_184, %swap3A_185], %mul3A_183 {strides = array<i32>} : memref<80x144xf32, #tpu.memory_space<vmem>>, vector<16xf32>,
        %get3A_187 = arith.index_cast %add3A_171 : i32 to index
        %get3A_188 = arith.constant 32 : index
        %get3A_189 = tpu.vector_load %arg11[%get3A_187, %get3A_188] {strides = array<i32>} : memref<80x144xf32, #tpu.memory_space<vmem>>, vector<16xf32>,
        %mul3A_190 = arith.mulf %get3A_189, %gather3A : vector<16xf32>
        %swap3A_191 = arith.index_cast %add3A_171 : i32 to index
        %swap3A_192 = arith.constant 32 : index
        %swap3A_193 = tpu.vector_load %arg11[%swap3A_191, %swap3A_192] {strides = array<i32>} : memref<80x144xf32, #tpu.memory_space<vmem>>, vector<16xf32>,
        tpu.vector_store %arg11[%swap3A_191, %swap3A_192], %mul3A_190 {strides = array<i32>} : memref<80x144xf32, #tpu.memory_space<vmem>>, vector<16xf32>,
        %get3A_194 = arith.index_cast %add3A_171 : i32 to index
        %get3A_195 = arith.constant 48 : index
        %get3A_196 = tpu.vector_load %arg11[%get3A_194, %get3A_195] {strides = array<i32>} : memref<80x144xf32, #tpu.memory_space<vmem>>, vector<16xf32>,
        %mul3A_197 = arith.mulf %get3A_196, %gather3A : vector<16xf32>
        %swap3A_198 = arith.index_cast %add3A_171 : i32 to index
        %swap3A_199 = arith.constant 48 : index
        %swap3A_200 = tpu.vector_load %arg11[%swap3A_198, %swap3A_199] {strides = array<i32>} : memref<80x144xf32, #tpu.memory_space<vmem>>, vector<16xf32>,
        tpu.vector_store %arg11[%swap3A_198, %swap3A_199], %mul3A_197 {strides = array<i32>} : memref<80x144xf32, #tpu.memory_space<vmem>>, vector<16xf32>,
        %get3A_201 = arith.index_cast %add3A_171 : i32 to index
        %get3A_202 = arith.constant 64 : index
        %get3A_203 = tpu.vector_load %arg11[%get3A_201, %get3A_202] {strides = array<i32>} : memref<80x144xf32, #tpu.memory_space<vmem>>, vector<16xf32>,
        %mul3A_204 = arith.mulf %get3A_203, %gather3A : vector<16xf32>
        %swap3A_205 = arith.index_cast %add3A_171 : i32 to index
        %swap3A_206 = arith.constant 64 : index
        %swap3A_207 = tpu.vector_load %arg11[%swap3A_205, %swap3A_206] {strides = array<i32>} : memref<80x144xf32, #tpu.memory_space<vmem>>, vector<16xf32>,
        tpu.vector_store %arg11[%swap3A_205, %swap3A_206], %mul3A_204 {strides = array<i32>} : memref<80x144xf32, #tpu.memory_space<vmem>>, vector<16xf32>,
        %get3A_208 = arith.index_cast %add3A_171 : i32 to index
        %get3A_209 = arith.constant 80 : index
        %get3A_210 = tpu.vector_load %arg11[%get3A_208, %get3A_209] {strides = array<i32>} : memref<80x144xf32, #tpu.memory_space<vmem>>, vector<16xf32>,
        %mul3A_211 = arith.mulf %get3A_210, %gather3A : vector<16xf32>
        %swap3A_212 = arith.index_cast %add3A_171 : i32 to index
        %swap3A_213 = arith.constant 80 : index
        %swap3A_214 = tpu.vector_load %arg11[%swap3A_212, %swap3A_213] {strides = array<i32>} : memref<80x144xf32, #tpu.memory_space<vmem>>, vector<16xf32>,
        tpu.vector_store %arg11[%swap3A_212, %swap3A_213], %mul3A_211 {strides = array<i32>} : memref<80x144xf32, #tpu.memory_space<vmem>>, vector<16xf32>,
        %get3A_215 = arith.index_cast %add3A_171 : i32 to index
        %get3A_216 = arith.constant 96 : index
        %get3A_217 = tpu.vector_load %arg11[%get3A_215, %get3A_216] {strides = array<i32>} : memref<80x144xf32, #tpu.memory_space<vmem>>, vector<16xf32>,
        %mul3A_218 = arith.mulf %get3A_217, %gather3A : vector<16xf32>
        %swap3A_219 = arith.index_cast %add3A_171 : i32 to index
        %swap3A_220 = arith.constant 96 : index
        %swap3A_221 = tpu.vector_load %arg11[%swap3A_219, %swap3A_220] {strides = array<i32>} : memref<80x144xf32, #tpu.memory_space<vmem>>, vector<16xf32>,
        tpu.vector_store %arg11[%swap3A_219, %swap3A_220], %mul3A_218 {strides = array<i32>} : memref<80x144xf32, #tpu.memory_space<vmem>>, vector<16xf32>,
        %get3A_222 = arith.index_cast %add3A_171 : i32 to index
        %get3A_223 = arith.constant 112 : index
        %get3A_224 = tpu.vector_load %arg11[%get3A_222, %get3A_223] {strides = array<i32>} : memref<80x144xf32, #tpu.memory_space<vmem>>, vector<16xf32>,
        %mul3A_225 = arith.mulf %get3A_224, %gather3A : vector<16xf32>
        %swap3A_226 = arith.index_cast %add3A_171 : i32 to index
        %swap3A_227 = arith.constant 112 : index
        %swap3A_228 = tpu.vector_load %arg11[%swap3A_226, %swap3A_227] {strides = array<i32>} : memref<80x144xf32, #tpu.memory_space<vmem>>, vector<16xf32>,
        tpu.vector_store %arg11[%swap3A_226, %swap3A_227], %mul3A_225 {strides = array<i32>} : memref<80x144xf32, #tpu.memory_space<vmem>>, vector<16xf32>,
        %get3A_229 = arith.index_cast %add3A_171 : i32 to index
        %get3A_230 = arith.constant 128 : index
        %get3A_231 = tpu.vector_load %arg11[%get3A_229, %get3A_230] {strides = array<i32>} : memref<80x144xf32, #tpu.memory_space<vmem>>, vector<16xf32>,
        %mul3A_232 = arith.mulf %get3A_231, %gather3A : vector<16xf32>
        %swap3A_233 = arith.index_cast %add3A_171 : i32 to index
        %swap3A_234 = arith.constant 128 : index
        %swap3A_235 = tpu.vector_load %arg11[%swap3A_233, %swap3A_234] {strides = array<i32>} : memref<80x144xf32, #tpu.memory_space<vmem>>, vector<16xf32>,
        tpu.vector_store %arg11[%swap3A_233, %swap3A_234], %mul3A_232 {strides = array<i32>} : memref<80x144xf32, #tpu.memory_space<vmem>>, vector<16xf32>,
      }
      %scan3A_112 = arith.constant 80 : i32
      %add3A_113 = arith.addi %mul3A_5, %mul3A_107 : i32
      %dma_wait3A_114 = tpu.memref_slice %arg4[%add3A_113] : memref<320000xi32, #tpu.memory_space<hbm>> -> memref<80xi32, #tpu.memory_space<hbm>>
      %dma_wait3A_115 = tpu.memref_slice %arg4[%add3A_113] : memref<320000xi32, #tpu.memory_space<hbm>> -> memref<80xi32, #tpu.memory_space<hbm>>
      tpu.wait_dma2 semaphore(%arg13 : memref<!tpu.dma_semaphore, #tpu.memory_space<semaphore_mem>>) src(%dma_wait3A_115 : memref<80xi32, #tpu.memory_space<hbm>>) dst(%arg10 : memref<80xi32, #tpu.memory_space<vmem>>)
      %dma_start3A_116 = arith.constant 0 : i32
      %dma_start3A_117 = arith.constant 0 : i32
      %dma_start3A_118 = tpu.memref_slice %arg23[%dma_start3A_116, %dma_start3A_117] : memref<10112x144xf32, #tpu.memory_space<vmem_shared>> -> memref<10112x144xf32, #tpu.memory_space<vmem_shared>>
      tpu.enqueue_indirect_dma source(%arg11 : memref<80x144xf32, #tpu.memory_space<vmem>>) target(%dma_start3A_118 : memref<10112x144xf32, #tpu.memory_space<vmem_shared>>) offsets(%arg10 : memref<80xi32, #tpu.memory_space<vmem>>) semaphore(%arg15 : memref<!tpu.dma_semaphore, #tpu.memory_space<semaphore_mem>>) {add = true}
      %dma_wait3A_119 = arith.constant 0 : i32
      %dma_wait3A_120 = arith.constant 0 : i32
      %dma_wait3A_121 = tpu.memref_slice %arg2[%dma_wait3A_119, %dma_wait3A_120] : memref<10000x144xf32, #tpu.memory_space<hbm>> -> memref<10000x144xf32, #tpu.memory_space<hbm>>
      tpu.wait_indirect_dma semaphore(%arg21 : memref<!tpu.dma_semaphore, #tpu.memory_space<semaphore_mem>>) src(%dma_wait3A_121 : memref<10000x144xf32, #tpu.memory_space<hbm>>) dst(%arg18 : memref<80x144xf32, #tpu.memory_space<vmem>>)
      %mul3A_122 = arith.constant 2 : i32
      %mul3A_123 = arith.muli %mul3A_122, %add3A_81 : i32
      %add3A_124 = arith.constant 3 : i32
      %add3A_125 = arith.addi %mul3A_123, %add3A_124 : i32
      %lt3A = arith.constant 125 : i32
      %lt3A_126 = arith.cmpi slt, %add3A_125, %lt3A : i32
      %convert_element_type3A_127 = arith.extui %lt3A_126 : i1 to i32
      %cond3A_128 = arith.constant 0 : i32
      %cond3A_129 = arith.cmpi ne, %convert_element_type3A_127, %cond3A_128 : i32
      scf.if %cond3A_129 {
        %mul3A_167 = arith.constant 2 : i32
        %mul3A_168 = arith.muli %mul3A_167, %add3A_81 : i32
        %add3A_169 = arith.constant 3 : i32
        %add3A_170 = arith.addi %mul3A_168, %add3A_169 : i32
        %mul3A_171 = arith.constant 80 : i32
        %mul3A_172 = arith.muli %add3A_170, %mul3A_171 : i32
        %add3A_173 = arith.addi %mul3A_5, %mul3A_172 : i32
        %dma_start3A_174 = tpu.memref_slice %arg3[%add3A_173] : memref<320000xi32, #tpu.memory_space<hbm>> -> memref<80xi32, #tpu.memory_space<hbm>>
        %dma_start3A_175 = tpu.memref_slice %arg3[%add3A_173] : memref<320000xi32, #tpu.memory_space<hbm>> -> memref<80xi32, #tpu.memory_space<hbm>>
        tpu.enqueue_dma source(%dma_start3A_175 : memref<80xi32, #tpu.memory_space<hbm>>) target(%arg16 : memref<80xi32, #tpu.memory_space<vmem>>) target_semaphore(%arg19 : memref<!tpu.dma_semaphore, #tpu.memory_space<semaphore_mem>>)
      } else {
      }
      %mul3A_130 = arith.constant 2 : i32
      %mul3A_131 = arith.muli %mul3A_130, %add3A_81 : i32
      %add3A_132 = arith.constant 2 : i32
      %add3A_133 = arith.addi %mul3A_131, %add3A_132 : i32
      %dma_wait3A_134 = arith.constant 0 : i32
      %dma_wait3A_135 = arith.constant 0 : i32
      %dma_wait3A_136 = tpu.memref_slice %arg2[%dma_wait3A_134, %dma_wait3A_135] : memref<10000x144xf32, #tpu.memory_space<hbm>> -> memref<80x144xf32, #tpu.memory_space<hbm>>
      %dma_wait3A_137 = arith.constant 0 : i32
      %dma_wait3A_138 = arith.constant 0 : i32
      %dma_wait3A_139 = tpu.memref_slice %arg2[%dma_wait3A_137, %dma_wait3A_138] : memref<10000x144xf32, #tpu.memory_space<hbm>> -> memref<80x144xf32, #tpu.memory_space<hbm>>
      tpu.wait_dma2 semaphore(%arg15 : memref<!tpu.dma_semaphore, #tpu.memory_space<semaphore_mem>>) src(%dma_wait3A_139 : memref<80x144xf32, #tpu.memory_space<hbm>>) dst(%arg11 : memref<80x144xf32, #tpu.memory_space<vmem>>)
      %mul3A_140 = arith.constant 80 : i32
      %mul3A_141 = arith.muli %add3A_133, %mul3A_140 : i32
      %add3A_142 = arith.addi %mul3A_5, %mul3A_141 : i32
      %dma_wait3A_143 = tpu.memref_slice %arg3[%add3A_142] : memref<320000xi32, #tpu.memory_space<hbm>> -> memref<80xi32, #tpu.memory_space<hbm>>
      %dma_wait3A_144 = tpu.memref_slice %arg3[%add3A_142] : memref<320000xi32, #tpu.memory_space<hbm>> -> memref<80xi32, #tpu.memory_space<hbm>>
      tpu.wait_dma2 semaphore(%arg12 : memref<!tpu.dma_semaphore, #tpu.memory_space<semaphore_mem>>) src(%dma_wait3A_144 : memref<80xi32, #tpu.memory_space<hbm>>) dst(%arg9 : memref<80xi32, #tpu.memory_space<vmem>>)
      %dma_start3A_145 = tpu.memref_slice %arg4[%add3A_142] : memref<320000xi32, #tpu.memory_space<hbm>> -> memref<80xi32, #tpu.memory_space<hbm>>
      %dma_start3A_146 = tpu.memref_slice %arg4[%add3A_142] : memref<320000xi32, #tpu.memory_space<hbm>> -> memref<80xi32, #tpu.memory_space<hbm>>
      tpu.enqueue_dma source(%dma_start3A_146 : memref<80xi32, #tpu.memory_space<hbm>>) target(%arg10 : memref<80xi32, #tpu.memory_space<vmem>>) target_semaphore(%arg13 : memref<!tpu.dma_semaphore, #tpu.memory_space<semaphore_mem>>)
      %dma_start3A_147 = arith.constant 0 : i32
      %dma_start3A_148 = arith.constant 0 : i32
      %dma_start3A_149 = tpu.memref_slice %arg2[%dma_start3A_147, %dma_start3A_148] : memref<10000x144xf32, #tpu.memory_space<hbm>> -> memref<10000x144xf32, #tpu.memory_space<hbm>>
      tpu.enqueue_indirect_dma source(%dma_start3A_149 : memref<10000x144xf32, #tpu.memory_space<hbm>>) target(%arg11 : memref<80x144xf32, #tpu.memory_space<vmem>>) offsets(%arg9 : memref<80xi32, #tpu.memory_space<vmem>>) semaphore(%arg14 : memref<!tpu.dma_semaphore, #tpu.memory_space<semaphore_mem>>)
      %mul3A_150 = arith.constant 2 : i32
      %mul3A_151 = arith.muli %mul3A_150, %add3A_81 : i32
      %add3A_152 = arith.constant 1 : i32
      %add3A_153 = arith.addi %mul3A_151, %add3A_152 : i32
      %mul3A_154 = arith.constant 80 : i32
      %mul3A_155 = arith.muli %add3A_153, %mul3A_154 : i32
      %scan3A_156 = arith.constant 0 : i32
      %scan3A_157 = arith.constant 80 : i32
      %scan3A_158 = arith.addi %scan3A_156, %scan3A_157 : i32
      %scan3A_159 = arith.constant 1 : i32
      scf.for %scan3A_167 = %scan3A_156 to %scan3A_158 step %scan3A_159  : i32 {
        %mul3A_168 = arith.constant 1 : i32
        %mul3A_169 = arith.muli %scan3A_167, %mul3A_168 : i32
        %add3A_170 = arith.constant 0 : i32
        %add3A_171 = arith.addi %add3A_170, %mul3A_169 : i32
        %add3A_172 = arith.addi %mul3A_155, %add3A_171 : i32
        %add3A_173 = vector.broadcast %add3A_172 : i32 to vector<16xi32>
        %add3A_174 = arith.addi %broadcast_in_dim3A_3, %add3A_173 : vector<16xi32>
        %gather3A = tpu.vector_load_idx %arg7[%add3A_174] : memref<10000xf32, #tpu.memory_space<vmem>>[vector<16xi32>], vector<16xf32>,
        %get3A = arith.index_cast %add3A_171 : i32 to index
        %get3A_175 = arith.constant 0 : index
        %get3A_176 = tpu.vector_load %arg18[%get3A, %get3A_175] {strides = array<i32>} : memref<80x144xf32, #tpu.memory_space<vmem>>, vector<16xf32>,
        %mul3A_177 = arith.mulf %get3A_176, %gather3A : vector<16xf32>
        %swap3A = arith.index_cast %add3A_171 : i32 to index
        %swap3A_178 = arith.constant 0 : index
        %swap3A_179 = tpu.vector_load %arg18[%swap3A, %swap3A_178] {strides = array<i32>} : memref<80x144xf32, #tpu.memory_space<vmem>>, vector<16xf32>,
        tpu.vector_store %arg18[%swap3A, %swap3A_178], %mul3A_177 {strides = array<i32>} : memref<80x144xf32, #tpu.memory_space<vmem>>, vector<16xf32>,
        %get3A_180 = arith.index_cast %add3A_171 : i32 to index
        %get3A_181 = arith.constant 16 : index
        %get3A_182 = tpu.vector_load %arg18[%get3A_180, %get3A_181] {strides = array<i32>} : memref<80x144xf32, #tpu.memory_space<vmem>>, vector<16xf32>,
        %mul3A_183 = arith.mulf %get3A_182, %gather3A : vector<16xf32>
        %swap3A_184 = arith.index_cast %add3A_171 : i32 to index
        %swap3A_185 = arith.constant 16 : index
        %swap3A_186 = tpu.vector_load %arg18[%swap3A_184, %swap3A_185] {strides = array<i32>} : memref<80x144xf32, #tpu.memory_space<vmem>>, vector<16xf32>,
        tpu.vector_store %arg18[%swap3A_184, %swap3A_185], %mul3A_183 {strides = array<i32>} : memref<80x144xf32, #tpu.memory_space<vmem>>, vector<16xf32>,
        %get3A_187 = arith.index_cast %add3A_171 : i32 to index
        %get3A_188 = arith.constant 32 : index
        %get3A_189 = tpu.vector_load %arg18[%get3A_187, %get3A_188] {strides = array<i32>} : memref<80x144xf32, #tpu.memory_space<vmem>>, vector<16xf32>,
        %mul3A_190 = arith.mulf %get3A_189, %gather3A : vector<16xf32>
        %swap3A_191 = arith.index_cast %add3A_171 : i32 to index
        %swap3A_192 = arith.constant 32 : index
        %swap3A_193 = tpu.vector_load %arg18[%swap3A_191, %swap3A_192] {strides = array<i32>} : memref<80x144xf32, #tpu.memory_space<vmem>>, vector<16xf32>,
        tpu.vector_store %arg18[%swap3A_191, %swap3A_192], %mul3A_190 {strides = array<i32>} : memref<80x144xf32, #tpu.memory_space<vmem>>, vector<16xf32>,
        %get3A_194 = arith.index_cast %add3A_171 : i32 to index
        %get3A_195 = arith.constant 48 : index
        %get3A_196 = tpu.vector_load %arg18[%get3A_194, %get3A_195] {strides = array<i32>} : memref<80x144xf32, #tpu.memory_space<vmem>>, vector<16xf32>,
        %mul3A_197 = arith.mulf %get3A_196, %gather3A : vector<16xf32>
        %swap3A_198 = arith.index_cast %add3A_171 : i32 to index
        %swap3A_199 = arith.constant 48 : index
        %swap3A_200 = tpu.vector_load %arg18[%swap3A_198, %swap3A_199] {strides = array<i32>} : memref<80x144xf32, #tpu.memory_space<vmem>>, vector<16xf32>,
        tpu.vector_store %arg18[%swap3A_198, %swap3A_199], %mul3A_197 {strides = array<i32>} : memref<80x144xf32, #tpu.memory_space<vmem>>, vector<16xf32>,
        %get3A_201 = arith.index_cast %add3A_171 : i32 to index
        %get3A_202 = arith.constant 64 : index
        %get3A_203 = tpu.vector_load %arg18[%get3A_201, %get3A_202] {strides = array<i32>} : memref<80x144xf32, #tpu.memory_space<vmem>>, vector<16xf32>,
        %mul3A_204 = arith.mulf %get3A_203, %gather3A : vector<16xf32>
        %swap3A_205 = arith.index_cast %add3A_171 : i32 to index
        %swap3A_206 = arith.constant 64 : index
        %swap3A_207 = tpu.vector_load %arg18[%swap3A_205, %swap3A_206] {strides = array<i32>} : memref<80x144xf32, #tpu.memory_space<vmem>>, vector<16xf32>,
        tpu.vector_store %arg18[%swap3A_205, %swap3A_206], %mul3A_204 {strides = array<i32>} : memref<80x144xf32, #tpu.memory_space<vmem>>, vector<16xf32>,
        %get3A_208 = arith.index_cast %add3A_171 : i32 to index
        %get3A_209 = arith.constant 80 : index
        %get3A_210 = tpu.vector_load %arg18[%get3A_208, %get3A_209] {strides = array<i32>} : memref<80x144xf32, #tpu.memory_space<vmem>>, vector<16xf32>,
        %mul3A_211 = arith.mulf %get3A_210, %gather3A : vector<16xf32>
        %swap3A_212 = arith.index_cast %add3A_171 : i32 to index
        %swap3A_213 = arith.constant 80 : index
        %swap3A_214 = tpu.vector_load %arg18[%swap3A_212, %swap3A_213] {strides = array<i32>} : memref<80x144xf32, #tpu.memory_space<vmem>>, vector<16xf32>,
        tpu.vector_store %arg18[%swap3A_212, %swap3A_213], %mul3A_211 {strides = array<i32>} : memref<80x144xf32, #tpu.memory_space<vmem>>, vector<16xf32>,
        %get3A_215 = arith.index_cast %add3A_171 : i32 to index
        %get3A_216 = arith.constant 96 : index
        %get3A_217 = tpu.vector_load %arg18[%get3A_215, %get3A_216] {strides = array<i32>} : memref<80x144xf32, #tpu.memory_space<vmem>>, vector<16xf32>,
        %mul3A_218 = arith.mulf %get3A_217, %gather3A : vector<16xf32>
        %swap3A_219 = arith.index_cast %add3A_171 : i32 to index
        %swap3A_220 = arith.constant 96 : index
        %swap3A_221 = tpu.vector_load %arg18[%swap3A_219, %swap3A_220] {strides = array<i32>} : memref<80x144xf32, #tpu.memory_space<vmem>>, vector<16xf32>,
        tpu.vector_store %arg18[%swap3A_219, %swap3A_220], %mul3A_218 {strides = array<i32>} : memref<80x144xf32, #tpu.memory_space<vmem>>, vector<16xf32>,
        %get3A_222 = arith.index_cast %add3A_171 : i32 to index
        %get3A_223 = arith.constant 112 : index
        %get3A_224 = tpu.vector_load %arg18[%get3A_222, %get3A_223] {strides = array<i32>} : memref<80x144xf32, #tpu.memory_space<vmem>>, vector<16xf32>,
        %mul3A_225 = arith.mulf %get3A_224, %gather3A : vector<16xf32>
        %swap3A_226 = arith.index_cast %add3A_171 : i32 to index
        %swap3A_227 = arith.constant 112 : index
        %swap3A_228 = tpu.vector_load %arg18[%swap3A_226, %swap3A_227] {strides = array<i32>} : memref<80x144xf32, #tpu.memory_space<vmem>>, vector<16xf32>,
        tpu.vector_store %arg18[%swap3A_226, %swap3A_227], %mul3A_225 {strides = array<i32>} : memref<80x144xf32, #tpu.memory_space<vmem>>, vector<16xf32>,
        %get3A_229 = arith.index_cast %add3A_171 : i32 to index
        %get3A_230 = arith.constant 128 : index
        %get3A_231 = tpu.vector_load %arg18[%get3A_229, %get3A_230] {strides = array<i32>} : memref<80x144xf32, #tpu.memory_space<vmem>>, vector<16xf32>,
        %mul3A_232 = arith.mulf %get3A_231, %gather3A : vector<16xf32>
        %swap3A_233 = arith.index_cast %add3A_171 : i32 to index
        %swap3A_234 = arith.constant 128 : index
        %swap3A_235 = tpu.vector_load %arg18[%swap3A_233, %swap3A_234] {strides = array<i32>} : memref<80x144xf32, #tpu.memory_space<vmem>>, vector<16xf32>,
        tpu.vector_store %arg18[%swap3A_233, %swap3A_234], %mul3A_232 {strides = array<i32>} : memref<80x144xf32, #tpu.memory_space<vmem>>, vector<16xf32>,
      }
      %scan3A_160 = arith.constant 80 : i32
      %add3A_161 = arith.addi %mul3A_5, %mul3A_155 : i32
      %dma_wait3A_162 = tpu.memref_slice %arg4[%add3A_161] : memref<320000xi32, #tpu.memory_space<hbm>> -> memref<80xi32, #tpu.memory_space<hbm>>
      %dma_wait3A_163 = tpu.memref_slice %arg4[%add3A_161] : memref<320000xi32, #tpu.memory_space<hbm>> -> memref<80xi32, #tpu.memory_space<hbm>>
      tpu.wait_dma2 semaphore(%arg20 : memref<!tpu.dma_semaphore, #tpu.memory_space<semaphore_mem>>) src(%dma_wait3A_163 : memref<80xi32, #tpu.memory_space<hbm>>) dst(%arg17 : memref<80xi32, #tpu.memory_space<vmem>>)
      %dma_start3A_164 = arith.constant 0 : i32
      %dma_start3A_165 = arith.constant 0 : i32
      %dma_start3A_166 = tpu.memref_slice %arg23[%dma_start3A_164, %dma_start3A_165] : memref<10112x144xf32, #tpu.memory_space<vmem_shared>> -> memref<10112x144xf32, #tpu.memory_space<vmem_shared>>
      tpu.enqueue_indirect_dma source(%arg18 : memref<80x144xf32, #tpu.memory_space<vmem>>) target(%dma_start3A_166 : memref<10112x144xf32, #tpu.memory_space<vmem_shared>>) offsets(%arg17 : memref<80xi32, #tpu.memory_space<vmem>>) semaphore(%arg22 : memref<!tpu.dma_semaphore, #tpu.memory_space<semaphore_mem>>) {add = true}
    }
    %scan3A_42 = arith.constant 62 : i32
    %dma_wait3A_43 = arith.constant 0 : i32
    %dma_wait3A_44 = arith.constant 0 : i32
    %dma_wait3A_45 = tpu.memref_slice %arg2[%dma_wait3A_43, %dma_wait3A_44] : memref<10000x144xf32, #tpu.memory_space<hbm>> -> memref<10000x144xf32, #tpu.memory_space<hbm>>
    tpu.wait_indirect_dma semaphore(%arg14 : memref<!tpu.dma_semaphore, #tpu.memory_space<semaphore_mem>>) src(%dma_wait3A_45 : memref<10000x144xf32, #tpu.memory_space<hbm>>) dst(%arg11 : memref<80x144xf32, #tpu.memory_space<vmem>>)
    %scan3A_46 = arith.constant 0 : i32
    %scan3A_47 = arith.constant 80 : i32
    %scan3A_48 = arith.addi %scan3A_46, %scan3A_47 : i32
    %scan3A_49 = arith.constant 1 : i32
    scf.for %scan3A_77 = %scan3A_46 to %scan3A_48 step %scan3A_49  : i32 {
      %mul3A_78 = arith.constant 1 : i32
      %mul3A_79 = arith.muli %scan3A_77, %mul3A_78 : i32
      %add3A_80 = arith.constant 0 : i32
      %add3A_81 = arith.addi %add3A_80, %mul3A_79 : i32
      %add3A_82 = arith.constant 9920 : i32
      %add3A_83 = arith.addi %add3A_82, %add3A_81 : i32
      %add3A_84 = vector.broadcast %add3A_83 : i32 to vector<16xi32>
      %add3A_85 = arith.addi %broadcast_in_dim3A_3, %add3A_84 : vector<16xi32>
      %gather3A = tpu.vector_load_idx %arg7[%add3A_85] : memref<10000xf32, #tpu.memory_space<vmem>>[vector<16xi32>], vector<16xf32>,
      %get3A = arith.index_cast %add3A_81 : i32 to index
      %get3A_86 = arith.constant 0 : index
      %get3A_87 = tpu.vector_load %arg11[%get3A, %get3A_86] {strides = array<i32>} : memref<80x144xf32, #tpu.memory_space<vmem>>, vector<16xf32>,
      %mul3A_88 = arith.mulf %get3A_87, %gather3A : vector<16xf32>
      %swap3A = arith.index_cast %add3A_81 : i32 to index
      %swap3A_89 = arith.constant 0 : index
      %swap3A_90 = tpu.vector_load %arg11[%swap3A, %swap3A_89] {strides = array<i32>} : memref<80x144xf32, #tpu.memory_space<vmem>>, vector<16xf32>,
      tpu.vector_store %arg11[%swap3A, %swap3A_89], %mul3A_88 {strides = array<i32>} : memref<80x144xf32, #tpu.memory_space<vmem>>, vector<16xf32>,
      %get3A_91 = arith.index_cast %add3A_81 : i32 to index
      %get3A_92 = arith.constant 16 : index
      %get3A_93 = tpu.vector_load %arg11[%get3A_91, %get3A_92] {strides = array<i32>} : memref<80x144xf32, #tpu.memory_space<vmem>>, vector<16xf32>,
      %mul3A_94 = arith.mulf %get3A_93, %gather3A : vector<16xf32>
      %swap3A_95 = arith.index_cast %add3A_81 : i32 to index
      %swap3A_96 = arith.constant 16 : index
      %swap3A_97 = tpu.vector_load %arg11[%swap3A_95, %swap3A_96] {strides = array<i32>} : memref<80x144xf32, #tpu.memory_space<vmem>>, vector<16xf32>,
      tpu.vector_store %arg11[%swap3A_95, %swap3A_96], %mul3A_94 {strides = array<i32>} : memref<80x144xf32, #tpu.memory_space<vmem>>, vector<16xf32>,
      %get3A_98 = arith.index_cast %add3A_81 : i32 to index
      %get3A_99 = arith.constant 32 : index
      %get3A_100 = tpu.vector_load %arg11[%get3A_98, %get3A_99] {strides = array<i32>} : memref<80x144xf32, #tpu.memory_space<vmem>>, vector<16xf32>,
      %mul3A_101 = arith.mulf %get3A_100, %gather3A : vector<16xf32>
      %swap3A_102 = arith.index_cast %add3A_81 : i32 to index
      %swap3A_103 = arith.constant 32 : index
      %swap3A_104 = tpu.vector_load %arg11[%swap3A_102, %swap3A_103] {strides = array<i32>} : memref<80x144xf32, #tpu.memory_space<vmem>>, vector<16xf32>,
      tpu.vector_store %arg11[%swap3A_102, %swap3A_103], %mul3A_101 {strides = array<i32>} : memref<80x144xf32, #tpu.memory_space<vmem>>, vector<16xf32>,
      %get3A_105 = arith.index_cast %add3A_81 : i32 to index
      %get3A_106 = arith.constant 48 : index
      %get3A_107 = tpu.vector_load %arg11[%get3A_105, %get3A_106] {strides = array<i32>} : memref<80x144xf32, #tpu.memory_space<vmem>>, vector<16xf32>,
      %mul3A_108 = arith.mulf %get3A_107, %gather3A : vector<16xf32>
      %swap3A_109 = arith.index_cast %add3A_81 : i32 to index
      %swap3A_110 = arith.constant 48 : index
      %swap3A_111 = tpu.vector_load %arg11[%swap3A_109, %swap3A_110] {strides = array<i32>} : memref<80x144xf32, #tpu.memory_space<vmem>>, vector<16xf32>,
      tpu.vector_store %arg11[%swap3A_109, %swap3A_110], %mul3A_108 {strides = array<i32>} : memref<80x144xf32, #tpu.memory_space<vmem>>, vector<16xf32>,
      %get3A_112 = arith.index_cast %add3A_81 : i32 to index
      %get3A_113 = arith.constant 64 : index
      %get3A_114 = tpu.vector_load %arg11[%get3A_112, %get3A_113] {strides = array<i32>} : memref<80x144xf32, #tpu.memory_space<vmem>>, vector<16xf32>,
      %mul3A_115 = arith.mulf %get3A_114, %gather3A : vector<16xf32>
      %swap3A_116 = arith.index_cast %add3A_81 : i32 to index
      %swap3A_117 = arith.constant 64 : index
      %swap3A_118 = tpu.vector_load %arg11[%swap3A_116, %swap3A_117] {strides = array<i32>} : memref<80x144xf32, #tpu.memory_space<vmem>>, vector<16xf32>,
      tpu.vector_store %arg11[%swap3A_116, %swap3A_117], %mul3A_115 {strides = array<i32>} : memref<80x144xf32, #tpu.memory_space<vmem>>, vector<16xf32>,
      %get3A_119 = arith.index_cast %add3A_81 : i32 to index
      %get3A_120 = arith.constant 80 : index
      %get3A_121 = tpu.vector_load %arg11[%get3A_119, %get3A_120] {strides = array<i32>} : memref<80x144xf32, #tpu.memory_space<vmem>>, vector<16xf32>,
      %mul3A_122 = arith.mulf %get3A_121, %gather3A : vector<16xf32>
      %swap3A_123 = arith.index_cast %add3A_81 : i32 to index
      %swap3A_124 = arith.constant 80 : index
      %swap3A_125 = tpu.vector_load %arg11[%swap3A_123, %swap3A_124] {strides = array<i32>} : memref<80x144xf32, #tpu.memory_space<vmem>>, vector<16xf32>,
      tpu.vector_store %arg11[%swap3A_123, %swap3A_124], %mul3A_122 {strides = array<i32>} : memref<80x144xf32, #tpu.memory_space<vmem>>, vector<16xf32>,
      %get3A_126 = arith.index_cast %add3A_81 : i32 to index
      %get3A_127 = arith.constant 96 : index
      %get3A_128 = tpu.vector_load %arg11[%get3A_126, %get3A_127] {strides = array<i32>} : memref<80x144xf32, #tpu.memory_space<vmem>>, vector<16xf32>,
      %mul3A_129 = arith.mulf %get3A_128, %gather3A : vector<16xf32>
      %swap3A_130 = arith.index_cast %add3A_81 : i32 to index
      %swap3A_131 = arith.constant 96 : index
      %swap3A_132 = tpu.vector_load %arg11[%swap3A_130, %swap3A_131] {strides = array<i32>} : memref<80x144xf32, #tpu.memory_space<vmem>>, vector<16xf32>,
      tpu.vector_store %arg11[%swap3A_130, %swap3A_131], %mul3A_129 {strides = array<i32>} : memref<80x144xf32, #tpu.memory_space<vmem>>, vector<16xf32>,
      %get3A_133 = arith.index_cast %add3A_81 : i32 to index
      %get3A_134 = arith.constant 112 : index
      %get3A_135 = tpu.vector_load %arg11[%get3A_133, %get3A_134] {strides = array<i32>} : memref<80x144xf32, #tpu.memory_space<vmem>>, vector<16xf32>,
      %mul3A_136 = arith.mulf %get3A_135, %gather3A : vector<16xf32>
      %swap3A_137 = arith.index_cast %add3A_81 : i32 to index
      %swap3A_138 = arith.constant 112 : index
      %swap3A_139 = tpu.vector_load %arg11[%swap3A_137, %swap3A_138] {strides = array<i32>} : memref<80x144xf32, #tpu.memory_space<vmem>>, vector<16xf32>,
      tpu.vector_store %arg11[%swap3A_137, %swap3A_138], %mul3A_136 {strides = array<i32>} : memref<80x144xf32, #tpu.memory_space<vmem>>, vector<16xf32>,
      %get3A_140 = arith.index_cast %add3A_81 : i32 to index
      %get3A_141 = arith.constant 128 : index
      %get3A_142 = tpu.vector_load %arg11[%get3A_140, %get3A_141] {strides = array<i32>} : memref<80x144xf32, #tpu.memory_space<vmem>>, vector<16xf32>,
      %mul3A_143 = arith.mulf %get3A_142, %gather3A : vector<16xf32>
      %swap3A_144 = arith.index_cast %add3A_81 : i32 to index
      %swap3A_145 = arith.constant 128 : index
      %swap3A_146 = tpu.vector_load %arg11[%swap3A_144, %swap3A_145] {strides = array<i32>} : memref<80x144xf32, #tpu.memory_space<vmem>>, vector<16xf32>,
      tpu.vector_store %arg11[%swap3A_144, %swap3A_145], %mul3A_143 {strides = array<i32>} : memref<80x144xf32, #tpu.memory_space<vmem>>, vector<16xf32>,
    }
    %scan3A_50 = arith.constant 80 : i32
    %add3A_51 = arith.constant 9920 : i32
    %add3A_52 = arith.addi %mul3A_5, %add3A_51 : i32
    %dma_wait3A_53 = tpu.memref_slice %arg4[%add3A_52] : memref<320000xi32, #tpu.memory_space<hbm>> -> memref<80xi32, #tpu.memory_space<hbm>>
    %dma_wait3A_54 = tpu.memref_slice %arg4[%add3A_52] : memref<320000xi32, #tpu.memory_space<hbm>> -> memref<80xi32, #tpu.memory_space<hbm>>
    tpu.wait_dma2 semaphore(%arg13 : memref<!tpu.dma_semaphore, #tpu.memory_space<semaphore_mem>>) src(%dma_wait3A_54 : memref<80xi32, #tpu.memory_space<hbm>>) dst(%arg10 : memref<80xi32, #tpu.memory_space<vmem>>)
    %dma_start3A_55 = arith.constant 0 : i32
    %dma_start3A_56 = arith.constant 0 : i32
    %dma_start3A_57 = tpu.memref_slice %arg23[%dma_start3A_55, %dma_start3A_56] : memref<10112x144xf32, #tpu.memory_space<vmem_shared>> -> memref<10112x144xf32, #tpu.memory_space<vmem_shared>>
    tpu.enqueue_indirect_dma source(%arg11 : memref<80x144xf32, #tpu.memory_space<vmem>>) target(%dma_start3A_57 : memref<10112x144xf32, #tpu.memory_space<vmem_shared>>) offsets(%arg10 : memref<80xi32, #tpu.memory_space<vmem>>) semaphore(%arg15 : memref<!tpu.dma_semaphore, #tpu.memory_space<semaphore_mem>>) {add = true}
    %dma_wait3A_58 = arith.constant 0 : i32
    %dma_wait3A_59 = arith.constant 0 : i32
    %dma_wait3A_60 = tpu.memref_slice %arg2[%dma_wait3A_58, %dma_wait3A_59] : memref<10000x144xf32, #tpu.memory_space<hbm>> -> memref<80x144xf32, #tpu.memory_space<hbm>>
    %dma_wait3A_61 = arith.constant 0 : i32
    %dma_wait3A_62 = arith.constant 0 : i32
    %dma_wait3A_63 = tpu.memref_slice %arg2[%dma_wait3A_61, %dma_wait3A_62] : memref<10000x144xf32, #tpu.memory_space<hbm>> -> memref<80x144xf32, #tpu.memory_space<hbm>>
    tpu.wait_dma2 semaphore(%arg15 : memref<!tpu.dma_semaphore, #tpu.memory_space<semaphore_mem>>) src(%dma_wait3A_63 : memref<80x144xf32, #tpu.memory_space<hbm>>) dst(%arg11 : memref<80x144xf32, #tpu.memory_space<vmem>>)
    %dma_wait3A_64 = arith.constant 0 : i32
    %dma_wait3A_65 = arith.constant 0 : i32
    %dma_wait3A_66 = tpu.memref_slice %arg2[%dma_wait3A_64, %dma_wait3A_65] : memref<10000x144xf32, #tpu.memory_space<hbm>> -> memref<80x144xf32, #tpu.memory_space<hbm>>
    %dma_wait3A_67 = arith.constant 0 : i32
    %dma_wait3A_68 = arith.constant 0 : i32
    %dma_wait3A_69 = tpu.memref_slice %arg2[%dma_wait3A_67, %dma_wait3A_68] : memref<10000x144xf32, #tpu.memory_space<hbm>> -> memref<80x144xf32, #tpu.memory_space<hbm>>
    tpu.wait_dma2 semaphore(%arg22 : memref<!tpu.dma_semaphore, #tpu.memory_space<semaphore_mem>>) src(%dma_wait3A_69 : memref<80x144xf32, #tpu.memory_space<hbm>>) dst(%arg18 : memref<80x144xf32, #tpu.memory_space<vmem>>)
    %barrier3A_70 = arith.constant 0 : index
    tpu.barrier barrier_id(%barrier3A_70)
    %ne3A = arith.constant 15 : i32
    %ne3A_71 = arith.cmpi ne, %arg1, %ne3A : i32
    %convert_element_type3A = arith.extui %ne3A_71 : i1 to i32
    %cond3A = arith.constant 0 : i32
    %cond3A_72 = arith.cmpi ne, %convert_element_type3A, %cond3A : i32
    scf.if %cond3A_72 {
      %scan3A_77 = arith.constant 0 : i32
      %scan3A_78 = arith.constant 7 : i32
      %scan3A_79 = arith.addi %scan3A_77, %scan3A_78 : i32
      %scan3A_80 = arith.constant 1 : i32
      scf.for %scan3A_84 = %scan3A_77 to %scan3A_79 step %scan3A_80  : i32 {
        %mul3A_85 = arith.constant 1 : i32
        %mul3A_86 = arith.muli %scan3A_84, %mul3A_85 : i32
        %add3A_87 = arith.constant 0 : i32
        %add3A_88 = arith.addi %add3A_87, %mul3A_86 : i32
        %mul3A_89 = arith.constant 80 : i32
        %mul3A_90 = arith.muli %add3A_88, %mul3A_89 : i32
        %add3A_91 = arith.addi %mul3A_12, %mul3A_90 : i32
        "tpu.region"() ({
          %run_scoped3A = tpu.sem_alloc : memref<!tpu.dma_semaphore, #tpu.memory_space<semaphore_mem>>
          %dma_start3A_92 = arith.constant 0 : i32
          %dma_start3A_93 = arith.constant 0 : i32
          %dma_start3A_94 = tpu.memref_slice %arg6[%arg0, %dma_start3A_92, %dma_start3A_93] : memref<2x10000x144xf32, #tpu.memory_space<hbm>> -> memref<1x10000x144xf32, #tpu.memory_space<hbm>>
          %dma_start3A_95 = tpu.memref_squeeze %dma_start3A_94 : memref<1x10000x144xf32, #tpu.memory_space<hbm>> -> memref<10000x144xf32, #tpu.memory_space<hbm>>
          %dma_start3A_96 = arith.constant 0 : i32
          %dma_start3A_97 = tpu.memref_slice %dma_start3A_95[%add3A_91, %dma_start3A_96] : memref<10000x144xf32, #tpu.memory_space<hbm>> -> memref<80x144xf32, #tpu.memory_space<hbm>>
          %dma_start3A_98 = arith.constant 0 : i32
          %dma_start3A_99 = tpu.memref_slice %arg23[%add3A_91, %dma_start3A_98] : memref<10112x144xf32, #tpu.memory_space<vmem_shared>> -> memref<80x144xf32, #tpu.memory_space<vmem_shared>>
          tpu.enqueue_dma source(%dma_start3A_99 : memref<80x144xf32, #tpu.memory_space<vmem_shared>>) target(%dma_start3A_97 : memref<80x144xf32, #tpu.memory_space<hbm>>) target_semaphore(%run_scoped3A : memref<!tpu.dma_semaphore, #tpu.memory_space<semaphore_mem>>)
          %dma_wait3A_100 = arith.constant 0 : i32
          %dma_wait3A_101 = arith.constant 0 : i32
          %dma_wait3A_102 = tpu.memref_slice %arg6[%arg0, %dma_wait3A_100, %dma_wait3A_101] : memref<2x10000x144xf32, #tpu.memory_space<hbm>> -> memref<1x10000x144xf32, #tpu.memory_space<hbm>>
          %dma_wait3A_103 = tpu.memref_squeeze %dma_wait3A_102 : memref<1x10000x144xf32, #tpu.memory_space<hbm>> -> memref<10000x144xf32, #tpu.memory_space<hbm>>
          %dma_wait3A_104 = arith.constant 0 : i32
          %dma_wait3A_105 = tpu.memref_slice %dma_wait3A_103[%add3A_91, %dma_wait3A_104] : memref<10000x144xf32, #tpu.memory_space<hbm>> -> memref<80x144xf32, #tpu.memory_space<hbm>>
          %dma_wait3A_106 = arith.constant 0 : i32
          %dma_wait3A_107 = tpu.memref_slice %arg23[%add3A_91, %dma_wait3A_106] : memref<10112x144xf32, #tpu.memory_space<vmem_shared>> -> memref<80x144xf32, #tpu.memory_space<vmem_shared>>
          tpu.wait_dma2 semaphore(%run_scoped3A : memref<!tpu.dma_semaphore, #tpu.memory_space<semaphore_mem>>) src(%dma_wait3A_107 : memref<80x144xf32, #tpu.memory_space<vmem_shared>>) dst(%dma_wait3A_105 : memref<80x144xf32, #tpu.memory_space<hbm>>)
          tpu.yield
        }) : () -> ()
      }
      %scan3A_81 = arith.constant 7 : i32
      %add3A_82 = arith.constant 560 : i32
      %add3A_83 = arith.addi %mul3A_12, %add3A_82 : i32
      "tpu.region"() ({
        %run_scoped3A = tpu.sem_alloc : memref<!tpu.dma_semaphore, #tpu.memory_space<semaphore_mem>>
        %dma_start3A_84 = arith.constant 0 : i32
        %dma_start3A_85 = arith.constant 0 : i32
        %dma_start3A_86 = tpu.memref_slice %arg6[%arg0, %dma_start3A_84, %dma_start3A_85] : memref<2x10000x144xf32, #tpu.memory_space<hbm>> -> memref<1x10000x144xf32, #tpu.memory_space<hbm>>
        %dma_start3A_87 = tpu.memref_squeeze %dma_start3A_86 : memref<1x10000x144xf32, #tpu.memory_space<hbm>> -> memref<10000x144xf32, #tpu.memory_space<hbm>>
        %dma_start3A_88 = arith.constant 0 : i32
        %dma_start3A_89 = tpu.memref_slice %dma_start3A_87[%add3A_83, %dma_start3A_88] : memref<10000x144xf32, #tpu.memory_space<hbm>> -> memref<72x144xf32, #tpu.memory_space<hbm>>
        %dma_start3A_90 = arith.constant 0 : i32
        %dma_start3A_91 = tpu.memref_slice %arg23[%add3A_83, %dma_start3A_90] : memref<10112x144xf32, #tpu.memory_space<vmem_shared>> -> memref<72x144xf32, #tpu.memory_space<vmem_shared>>
        tpu.enqueue_dma source(%dma_start3A_91 : memref<72x144xf32, #tpu.memory_space<vmem_shared>>) target(%dma_start3A_89 : memref<72x144xf32, #tpu.memory_space<hbm>>) target_semaphore(%run_scoped3A : memref<!tpu.dma_semaphore, #tpu.memory_space<semaphore_mem>>)
        %dma_wait3A_92 = arith.constant 0 : i32
        %dma_wait3A_93 = arith.constant 0 : i32
        %dma_wait3A_94 = tpu.memref_slice %arg6[%arg0, %dma_wait3A_92, %dma_wait3A_93] : memref<2x10000x144xf32, #tpu.memory_space<hbm>> -> memref<1x10000x144xf32, #tpu.memory_space<hbm>>
        %dma_wait3A_95 = tpu.memref_squeeze %dma_wait3A_94 : memref<1x10000x144xf32, #tpu.memory_space<hbm>> -> memref<10000x144xf32, #tpu.memory_space<hbm>>
        %dma_wait3A_96 = arith.constant 0 : i32
        %dma_wait3A_97 = tpu.memref_slice %dma_wait3A_95[%add3A_83, %dma_wait3A_96] : memref<10000x144xf32, #tpu.memory_space<hbm>> -> memref<72x144xf32, #tpu.memory_space<hbm>>
        %dma_wait3A_98 = arith.constant 0 : i32
        %dma_wait3A_99 = tpu.memref_slice %arg23[%add3A_83, %dma_wait3A_98] : memref<10112x144xf32, #tpu.memory_space<vmem_shared>> -> memref<72x144xf32, #tpu.memory_space<vmem_shared>>
        tpu.wait_dma2 semaphore(%run_scoped3A : memref<!tpu.dma_semaphore, #tpu.memory_space<semaphore_mem>>) src(%dma_wait3A_99 : memref<72x144xf32, #tpu.memory_space<vmem_shared>>) dst(%dma_wait3A_97 : memref<72x144xf32, #tpu.memory_space<hbm>>)
        tpu.yield
      }) : () -> ()
    } else {
    }
    %eq3A = arith.constant 15 : i32
    %eq3A_73 = arith.cmpi eq, %arg1, %eq3A : i32
    %convert_element_type3A_74 = arith.extui %eq3A_73 : i1 to i32
    %cond3A_75 = arith.constant 0 : i32
    %cond3A_76 = arith.cmpi ne, %convert_element_type3A_74, %cond3A_75 : i32
    scf.if %cond3A_76 {
      %scan3A_77 = arith.constant 0 : i32
      %scan3A_78 = arith.constant 6 : i32
      %scan3A_79 = arith.addi %scan3A_77, %scan3A_78 : i32
      %scan3A_80 = arith.constant 1 : i32
      scf.for %scan3A_84 = %scan3A_77 to %scan3A_79 step %scan3A_80  : i32 {
        %mul3A_85 = arith.constant 1 : i32
        %mul3A_86 = arith.muli %scan3A_84, %mul3A_85 : i32
        %add3A_87 = arith.constant 0 : i32
        %add3A_88 = arith.addi %add3A_87, %mul3A_86 : i32
        %mul3A_89 = arith.constant 80 : i32
        %mul3A_90 = arith.muli %add3A_88, %mul3A_89 : i32
        %add3A_91 = arith.addi %mul3A_12, %mul3A_90 : i32
        "tpu.region"() ({
          %run_scoped3A = tpu.sem_alloc : memref<!tpu.dma_semaphore, #tpu.memory_space<semaphore_mem>>
          %dma_start3A_92 = arith.constant 0 : i32
          %dma_start3A_93 = arith.constant 0 : i32
          %dma_start3A_94 = tpu.memref_slice %arg6[%arg0, %dma_start3A_92, %dma_start3A_93] : memref<2x10000x144xf32, #tpu.memory_space<hbm>> -> memref<1x10000x144xf32, #tpu.memory_space<hbm>>
          %dma_start3A_95 = tpu.memref_squeeze %dma_start3A_94 : memref<1x10000x144xf32, #tpu.memory_space<hbm>> -> memref<10000x144xf32, #tpu.memory_space<hbm>>
          %dma_start3A_96 = arith.constant 0 : i32
          %dma_start3A_97 = tpu.memref_slice %dma_start3A_95[%add3A_91, %dma_start3A_96] : memref<10000x144xf32, #tpu.memory_space<hbm>> -> memref<80x144xf32, #tpu.memory_space<hbm>>
          %dma_start3A_98 = arith.constant 0 : i32
          %dma_start3A_99 = tpu.memref_slice %arg23[%add3A_91, %dma_start3A_98] : memref<10112x144xf32, #tpu.memory_space<vmem_shared>> -> memref<80x144xf32, #tpu.memory_space<vmem_shared>>
          tpu.enqueue_dma source(%dma_start3A_99 : memref<80x144xf32, #tpu.memory_space<vmem_shared>>) target(%dma_start3A_97 : memref<80x144xf32, #tpu.memory_space<hbm>>) target_semaphore(%run_scoped3A : memref<!tpu.dma_semaphore, #tpu.memory_space<semaphore_mem>>)
          %dma_wait3A_100 = arith.constant 0 : i32
          %dma_wait3A_101 = arith.constant 0 : i32
          %dma_wait3A_102 = tpu.memref_slice %arg6[%arg0, %dma_wait3A_100, %dma_wait3A_101] : memref<2x10000x144xf32, #tpu.memory_space<hbm>> -> memref<1x10000x144xf32, #tpu.memory_space<hbm>>
          %dma_wait3A_103 = tpu.memref_squeeze %dma_wait3A_102 : memref<1x10000x144xf32, #tpu.memory_space<hbm>> -> memref<10000x144xf32, #tpu.memory_space<hbm>>
          %dma_wait3A_104 = arith.constant 0 : i32
          %dma_wait3A_105 = tpu.memref_slice %dma_wait3A_103[%add3A_91, %dma_wait3A_104] : memref<10000x144xf32, #tpu.memory_space<hbm>> -> memref<80x144xf32, #tpu.memory_space<hbm>>
          %dma_wait3A_106 = arith.constant 0 : i32
          %dma_wait3A_107 = tpu.memref_slice %arg23[%add3A_91, %dma_wait3A_106] : memref<10112x144xf32, #tpu.memory_space<vmem_shared>> -> memref<80x144xf32, #tpu.memory_space<vmem_shared>>
          tpu.wait_dma2 semaphore(%run_scoped3A : memref<!tpu.dma_semaphore, #tpu.memory_space<semaphore_mem>>) src(%dma_wait3A_107 : memref<80x144xf32, #tpu.memory_space<vmem_shared>>) dst(%dma_wait3A_105 : memref<80x144xf32, #tpu.memory_space<hbm>>)
          tpu.yield
        }) : () -> ()
      }
      %scan3A_81 = arith.constant 6 : i32
      %add3A_82 = arith.constant 480 : i32
      %add3A_83 = arith.addi %mul3A_12, %add3A_82 : i32
      "tpu.region"() ({
        %run_scoped3A = tpu.sem_alloc : memref<!tpu.dma_semaphore, #tpu.memory_space<semaphore_mem>>
        %dma_start3A_84 = arith.constant 0 : i32
        %dma_start3A_85 = arith.constant 0 : i32
        %dma_start3A_86 = tpu.memref_slice %arg6[%arg0, %dma_start3A_84, %dma_start3A_85] : memref<2x10000x144xf32, #tpu.memory_space<hbm>> -> memref<1x10000x144xf32, #tpu.memory_space<hbm>>
        %dma_start3A_87 = tpu.memref_squeeze %dma_start3A_86 : memref<1x10000x144xf32, #tpu.memory_space<hbm>> -> memref<10000x144xf32, #tpu.memory_space<hbm>>
        %dma_start3A_88 = arith.constant 0 : i32
        %dma_start3A_89 = tpu.memref_slice %dma_start3A_87[%add3A_83, %dma_start3A_88] : memref<10000x144xf32, #tpu.memory_space<hbm>> -> memref<40x144xf32, #tpu.memory_space<hbm>>
        %dma_start3A_90 = arith.constant 0 : i32
        %dma_start3A_91 = tpu.memref_slice %arg23[%add3A_83, %dma_start3A_90] : memref<10112x144xf32, #tpu.memory_space<vmem_shared>> -> memref<40x144xf32, #tpu.memory_space<vmem_shared>>
        tpu.enqueue_dma source(%dma_start3A_91 : memref<40x144xf32, #tpu.memory_space<vmem_shared>>) target(%dma_start3A_89 : memref<40x144xf32, #tpu.memory_space<hbm>>) target_semaphore(%run_scoped3A : memref<!tpu.dma_semaphore, #tpu.memory_space<semaphore_mem>>)
        %dma_wait3A_92 = arith.constant 0 : i32
        %dma_wait3A_93 = arith.constant 0 : i32
        %dma_wait3A_94 = tpu.memref_slice %arg6[%arg0, %dma_wait3A_92, %dma_wait3A_93] : memref<2x10000x144xf32, #tpu.memory_space<hbm>> -> memref<1x10000x144xf32, #tpu.memory_space<hbm>>
        %dma_wait3A_95 = tpu.memref_squeeze %dma_wait3A_94 : memref<1x10000x144xf32, #tpu.memory_space<hbm>> -> memref<10000x144xf32, #tpu.memory_space<hbm>>
        %dma_wait3A_96 = arith.constant 0 : i32
        %dma_wait3A_97 = tpu.memref_slice %dma_wait3A_95[%add3A_83, %dma_wait3A_96] : memref<10000x144xf32, #tpu.memory_space<hbm>> -> memref<40x144xf32, #tpu.memory_space<hbm>>
        %dma_wait3A_98 = arith.constant 0 : i32
        %dma_wait3A_99 = tpu.memref_slice %arg23[%add3A_83, %dma_wait3A_98] : memref<10112x144xf32, #tpu.memory_space<vmem_shared>> -> memref<40x144xf32, #tpu.memory_space<vmem_shared>>
        tpu.wait_dma2 semaphore(%run_scoped3A : memref<!tpu.dma_semaphore, #tpu.memory_space<semaphore_mem>>) src(%dma_wait3A_99 : memref<40x144xf32, #tpu.memory_space<vmem_shared>>) dst(%dma_wait3A_97 : memref<40x144xf32, #tpu.memory_space<hbm>>)
        tpu.yield
      }) : () -> ()
    } else {
    }
    return
  }
}

module attributes {stable_mosaic.version = 14 : i64} {
  func.func @_mm1_body(%arg0: i32, %arg1: memref<1000x128xf32, #tpu.memory_space<vmem>>, %arg2: memref<128x128xf32, #tpu.memory_space<vmem>>, %arg3: memref<1000x144xf32, #tpu.memory_space<vmem>>) attributes {dimension_semantics = [#tpu.dimension_semantics<arbitrary>], iteration_bounds = array<i64: 10>, scalar_prefetch = 0 : i64, scratch_operands = 0 : i64, tpu.core_type = #tpu.core_type<tc>, window_params = [{transform_indices = @transform_0, window_bounds = array<i64: 1000, 128>}, {pipeline_mode = #tpu.pipeline_mode<synchronous>, transform_indices = @transform_1, window_bounds = array<i64: 128, 128>}, {transform_indices = @transform_2, window_bounds = array<i64: 1000, 144>}]} {
    %get3A = arith.constant 0 : index
    %get3A_0 = arith.constant 0 : index
    %get3A_1 = vector.load %arg1[%get3A, %get3A_0] : memref<1000x128xf32, #tpu.memory_space<vmem>>, vector<1000x128xf32>
    %get3A_2 = arith.constant 0 : index
    %get3A_3 = arith.constant 0 : index
    %get3A_4 = vector.load %arg2[%get3A_2, %get3A_3] : memref<128x128xf32, #tpu.memory_space<vmem>>, vector<128x128xf32>
    %dot_general3A = arith.constant dense<0.000000e+00> : vector<1000x128xf32>
    %dot_general3A_5 = tpu.matmul %get3A_1, %get3A_4, %dot_general3A {dimension_numbers = #tpu.dot_dimension_numbers<[1], [0], [0], [1], [0, 0, 1, 1], [], []>, precision = #tpu.contract_precision<fp32>, transpose_lhs_hint = false} : vector<1000x128xf32>, vector<128x128xf32>, vector<1000x128xf32> -> vector<1000x128xf32>
    %iota3A = tpu.iota {dimensions = array<i32: 1>} : vector<1000x16xi32>
    %eq3A = arith.constant 0 : i32
    %eq3A_6 = vector.broadcast %eq3A : i32 to vector<1000x16xi32>
    %eq3A_7 = arith.cmpi eq, %iota3A, %eq3A_6 : vector<1000x16xi32>
    %jit3A = arith.constant 1.000000e+00 : f32
    %jit3A_8 = arith.constant 0.000000e+00 : f32
    %broadcast_in_dim3A = vector.broadcast %jit3A : f32 to vector<1000x16xf32>
    %broadcast_in_dim3A_9 = vector.broadcast %jit3A_8 : f32 to vector<1000x16xf32>
    %select_n3A = arith.select %eq3A_7, %broadcast_in_dim3A, %broadcast_in_dim3A_9 : vector<1000x16xi1>, vector<1000x16xf32>
    %concatenate3A = tpu.concatenate %dot_general3A_5, %select_n3A in 1 : vector<1000x128xf32>, vector<1000x16xf32> -> vector<1000x144xf32>
    %swap3A = arith.constant 0 : index
    %swap3A_10 = arith.constant 0 : index
    %swap3A_11 = vector.load %arg3[%swap3A, %swap3A_10] : memref<1000x144xf32, #tpu.memory_space<vmem>>, vector<1000x144xf32>
    tpu.vector_store %arg3[%swap3A, %swap3A_10], %concatenate3A {strides = array<i32>} : memref<1000x144xf32, #tpu.memory_space<vmem>>, vector<1000x144xf32>,
    return
  }
  func.func @transform_0(%arg0: i32) -> (i32, i32) {
    %c0_i32 = arith.constant 0 : i32
    %c0_i32_0 = arith.constant 0 : i32
    return %arg0, %c0_i32 : i32, i32
  }
  func.func @transform_1(%arg0: i32) -> (i32, i32) {
    %c0_i32 = arith.constant 0 : i32
    %c0_i32_0 = arith.constant 0 : i32
    %c0_i32_1 = arith.constant 0 : i32
    return %c0_i32, %c0_i32_0 : i32, i32
  }
  func.func @transform_2(%arg0: i32) -> (i32, i32) {
    %c0_i32 = arith.constant 0 : i32
    %c0_i32_0 = arith.constant 0 : i32
    return %arg0, %c0_i32 : i32, i32
  }
}

module attributes {stable_mosaic.version = 14 : i64} {
  func.func @_mid_body(%arg0: i32, %arg1: memref<1000x144xf32, #tpu.memory_space<vmem>>, %arg2: memref<1000x144xf32, #tpu.memory_space<vmem>>, %arg3: memref<1x128xf32, #tpu.memory_space<vmem>>, %arg4: memref<128x48xf32, #tpu.memory_space<vmem>>, %arg5: memref<1000x48xf32, #tpu.memory_space<vmem>>) attributes {dimension_semantics = [#tpu.dimension_semantics<arbitrary>], iteration_bounds = array<i64: 10>, scalar_prefetch = 0 : i64, scratch_operands = 0 : i64, tpu.core_type = #tpu.core_type<tc>, window_params = [{transform_indices = @transform_0, window_bounds = array<i64: 1000, 144>}, {transform_indices = @transform_1, window_bounds = array<i64: 1000, 144>}, {pipeline_mode = #tpu.pipeline_mode<synchronous>, transform_indices = @transform_2, window_bounds = array<i64: 1, 128>}, {pipeline_mode = #tpu.pipeline_mode<synchronous>, transform_indices = @transform_3, window_bounds = array<i64: 128, 48>}, {transform_indices = @transform_4, window_bounds = array<i64: 1000, 48>}]} {
    %get3A = arith.constant 0 : index
    %get3A_0 = arith.constant 0 : index
    %get3A_1 = vector.load %arg1[%get3A, %get3A_0] : memref<1000x144xf32, #tpu.memory_space<vmem>>, vector<1000x144xf32>
    %get3A_2 = arith.constant 0 : index
    %get3A_3 = arith.constant 0 : index
    %get3A_4 = vector.load %arg2[%get3A_2, %get3A_3] : memref<1000x144xf32, #tpu.memory_space<vmem>>, vector<1000x144xf32>
    %add3A = arith.addf %get3A_1, %get3A_4 : vector<1000x144xf32>
    %slice3A = vector.extract_strided_slice %add3A {offsets = [0, 0], sizes = [1000, 128], strides = [1, 1]} : vector<1000x144xf32> to vector<1000x128xf32>
    %slice3A_5 = vector.extract_strided_slice %add3A {offsets = [0, 128], sizes = [1000, 1], strides = [1, 1]} : vector<1000x144xf32> to vector<1000x1xf32>
    %max3A = arith.constant 1.000000e+00 : f32
    %max3A_6 = vector.broadcast %max3A : f32 to vector<1000x1xf32>
    %max3A_7 = arith.maximumf %slice3A_5, %max3A_6 : vector<1000x1xf32>
    %div3A = vector.broadcast %max3A_7 : vector<1000x1xf32> to vector<1000x128xf32>
    %div3A_8 = arith.divf %slice3A, %div3A : vector<1000x128xf32>
    %get3A_9 = arith.constant 0 : index
    %get3A_10 = arith.constant 0 : index
    %get3A_11 = vector.load %arg3[%get3A_9, %get3A_10] : memref<1x128xf32, #tpu.memory_space<vmem>>, vector<1x128xf32>
    %add3A_12 = vector.broadcast %get3A_11 : vector<1x128xf32> to vector<1000x128xf32>
    %add3A_13 = arith.addf %div3A_8, %add3A_12 : vector<1000x128xf32>
    %max3A_14 = arith.constant 0.000000e+00 : f32
    %max3A_15 = vector.broadcast %max3A_14 : f32 to vector<1000x128xf32>
    %max3A_16 = arith.maximumf %add3A_13, %max3A_15 : vector<1000x128xf32>
    %get3A_17 = arith.constant 0 : index
    %get3A_18 = arith.constant 0 : index
    %get3A_19 = vector.load %arg4[%get3A_17, %get3A_18] : memref<128x48xf32, #tpu.memory_space<vmem>>, vector<128x48xf32>
    %dot_general3A = arith.constant dense<0.000000e+00> : vector<1000x48xf32>
    %dot_general3A_20 = tpu.matmul %max3A_16, %get3A_19, %dot_general3A {dimension_numbers = #tpu.dot_dimension_numbers<[1], [0], [0], [1], [0, 0, 1, 1], [], []>, precision = #tpu.contract_precision<fp32>, transpose_lhs_hint = false} : vector<1000x128xf32>, vector<128x48xf32>, vector<1000x48xf32> -> vector<1000x48xf32>
    %iota3A = tpu.iota {dimensions = array<i32: 1>} : vector<1000x48xi32>
    %eq3A = arith.constant 40 : i32
    %eq3A_21 = vector.broadcast %eq3A : i32 to vector<1000x48xi32>
    %eq3A_22 = arith.cmpi eq, %iota3A, %eq3A_21 : vector<1000x48xi32>
    %jit3A = arith.constant 1.000000e+00 : f32
    %broadcast_in_dim3A = vector.broadcast %jit3A : f32 to vector<1000x48xf32>
    %select_n3A = arith.select %eq3A_22, %broadcast_in_dim3A, %dot_general3A_20 : vector<1000x48xi1>, vector<1000x48xf32>
    %swap3A = arith.constant 0 : index
    %swap3A_23 = arith.constant 0 : index
    %swap3A_24 = vector.load %arg5[%swap3A, %swap3A_23] : memref<1000x48xf32, #tpu.memory_space<vmem>>, vector<1000x48xf32>
    tpu.vector_store %arg5[%swap3A, %swap3A_23], %select_n3A {strides = array<i32>} : memref<1000x48xf32, #tpu.memory_space<vmem>>, vector<1000x48xf32>,
    return
  }
  func.func @transform_0(%arg0: i32) -> (i32, i32) {
    %c0_i32 = arith.constant 0 : i32
    %c0_i32_0 = arith.constant 0 : i32
    return %arg0, %c0_i32 : i32, i32
  }
  func.func @transform_1(%arg0: i32) -> (i32, i32) {
    %c0_i32 = arith.constant 0 : i32
    %c0_i32_0 = arith.constant 0 : i32
    return %arg0, %c0_i32 : i32, i32
  }
  func.func @transform_2(%arg0: i32) -> (i32, i32) {
    %c0_i32 = arith.constant 0 : i32
    %c0_i32_0 = arith.constant 0 : i32
    %c0_i32_1 = arith.constant 0 : i32
    return %c0_i32, %c0_i32_0 : i32, i32
  }
  func.func @transform_3(%arg0: i32) -> (i32, i32) {
    %c0_i32 = arith.constant 0 : i32
    %c0_i32_0 = arith.constant 0 : i32
    %c0_i32_1 = arith.constant 0 : i32
    return %c0_i32, %c0_i32_0 : i32, i32
  }
  func.func @transform_4(%arg0: i32) -> (i32, i32) {
    %c0_i32 = arith.constant 0 : i32
    %c0_i32_0 = arith.constant 0 : i32
    return %arg0, %c0_i32 : i32, i32
  }
}

module attributes {stable_mosaic.version = 14 : i64} {
  func.func @_loss_body(%arg0: memref<1024x48xf32, #tpu.memory_space<vmem>>, %arg1: memref<1024x48xf32, #tpu.memory_space<vmem>>, %arg2: memref<1024x40xf32, #tpu.memory_space<vmem>>, %arg3: memref<1x40xf32, #tpu.memory_space<vmem>>, %arg4: memref<1024x40xf32, #tpu.memory_space<vmem>>, %arg5: memref<1x1xf32, #tpu.memory_space<vmem>>) attributes {dimension_semantics = [], scalar_prefetch = 0 : i64, scratch_operands = 0 : i64, tpu.core_type = #tpu.core_type<tc>} {
    %get3A = arith.constant 0 : index
    %get3A_0 = arith.constant 0 : index
    %get3A_1 = vector.load %arg0[%get3A, %get3A_0] : memref<1024x48xf32, #tpu.memory_space<vmem>>, vector<1024x48xf32>
    %get3A_2 = arith.constant 0 : index
    %get3A_3 = arith.constant 0 : index
    %get3A_4 = vector.load %arg1[%get3A_2, %get3A_3] : memref<1024x48xf32, #tpu.memory_space<vmem>>, vector<1024x48xf32>
    %add3A = arith.addf %get3A_1, %get3A_4 : vector<1024x48xf32>
    %slice3A = vector.extract_strided_slice %add3A {offsets = [0, 40], sizes = [1024, 1], strides = [1, 1]} : vector<1024x48xf32> to vector<1024x1xf32>
    %slice3A_5 = vector.extract_strided_slice %add3A {offsets = [0, 0], sizes = [1024, 40], strides = [1, 1]} : vector<1024x48xf32> to vector<1024x40xf32>
    %max3A = arith.constant 1.000000e+00 : f32
    %max3A_6 = vector.broadcast %max3A : f32 to vector<1024x1xf32>
    %max3A_7 = arith.maximumf %slice3A, %max3A_6 : vector<1024x1xf32>
    %div3A = vector.broadcast %max3A_7 : vector<1024x1xf32> to vector<1024x40xf32>
    %div3A_8 = arith.divf %slice3A_5, %div3A : vector<1024x40xf32>
    %get3A_9 = arith.constant 0 : index
    %get3A_10 = arith.constant 0 : index
    %get3A_11 = vector.load %arg3[%get3A_9, %get3A_10] : memref<1x40xf32, #tpu.memory_space<vmem>>, vector<1x40xf32>
    %add3A_12 = vector.broadcast %get3A_11 : vector<1x40xf32> to vector<1024x40xf32>
    %add3A_13 = arith.addf %div3A_8, %add3A_12 : vector<1024x40xf32>
    %reduce_max3A = arith.constant dense<0xFF800000> : vector<1024xf32>
    %reduce_max3A_14 = vector.multi_reduction <maximumf>, %add3A_13, %reduce_max3A [1] : vector<1024x40xf32> to vector<1024xf32>
    %broadcast_in_dim3A = vector.shape_cast %reduce_max3A_14 : vector<1024xf32> to vector<1024x1xf32>
    %sub3A = vector.broadcast %broadcast_in_dim3A : vector<1024x1xf32> to vector<1024x40xf32>
    %sub3A_15 = arith.subf %add3A_13, %sub3A : vector<1024x40xf32>
    %exp3A = math.exp %sub3A_15 : vector<1024x40xf32>
    %reduce_sum3A = arith.constant dense<0.000000e+00> : vector<1024xf32>
    %reduce_sum3A_16 = vector.multi_reduction <add>, %exp3A, %reduce_sum3A [1] : vector<1024x40xf32> to vector<1024xf32>
    %broadcast_in_dim3A_17 = vector.shape_cast %reduce_sum3A_16 : vector<1024xf32> to vector<1024x1xf32>
    %log3A = math.log %broadcast_in_dim3A_17 : vector<1024x1xf32>
    %add3A_18 = arith.addf %broadcast_in_dim3A, %log3A : vector<1024x1xf32>
    %sub3A_19 = vector.broadcast %add3A_18 : vector<1024x1xf32> to vector<1024x40xf32>
    %sub3A_20 = arith.subf %add3A_13, %sub3A_19 : vector<1024x40xf32>
    %get3A_21 = arith.constant 0 : index
    %get3A_22 = arith.constant 0 : index
    %get3A_23 = vector.load %arg2[%get3A_21, %get3A_22] : memref<1024x40xf32, #tpu.memory_space<vmem>>, vector<1024x40xf32>
    %mul3A = arith.mulf %get3A_23, %sub3A_20 : vector<1024x40xf32>
    %reduce_sum3A_24 = arith.constant dense<0.000000e+00> : vector<1024xf32>
    %reduce_sum3A_25 = vector.multi_reduction <add>, %mul3A, %reduce_sum3A_24 [1] : vector<1024x40xf32> to vector<1024xf32>
    %broadcast_in_dim3A_26 = vector.shape_cast %reduce_sum3A_25 : vector<1024xf32> to vector<1024x1xf32>
    %neg3A = arith.constant 0.000000e+00 : f32
    %neg3A_27 = vector.broadcast %neg3A : f32 to vector<1024x1xf32>
    %neg3A_28 = arith.subf %neg3A_27, %broadcast_in_dim3A_26 : vector<1024x1xf32>
    %swap3A = arith.constant 0 : index
    %swap3A_29 = arith.constant 0 : index
    %swap3A_30 = vector.load %arg4[%swap3A, %swap3A_29] : memref<1024x40xf32, #tpu.memory_space<vmem>>, vector<1024x40xf32>
    tpu.vector_store %arg4[%swap3A, %swap3A_29], %add3A_13 {strides = array<i32>} : memref<1024x40xf32, #tpu.memory_space<vmem>>, vector<1024x40xf32>,
    %reduce_sum3A_31 = vector.shape_cast %neg3A_28 : vector<1024x1xf32> to vector<1x1024x1xf32>
    %reduce_sum3A_32 = arith.constant dense<0.000000e+00> : vector<1xf32>
    %reduce_sum3A_33 = vector.multi_reduction <add>, %reduce_sum3A_31, %reduce_sum3A_32 [1, 2] : vector<1x1024x1xf32> to vector<1xf32>
    %reduce_sum3A_34 = vector.shape_cast %reduce_sum3A_33 : vector<1xf32> to vector<1x1x1xf32>
    %reduce_sum3A_35 = vector.extract %reduce_sum3A_34[0, 0, 0] : f32 from vector<1x1x1xf32>
    %div3A_36 = arith.constant 1.024000e+03 : f32
    %div3A_37 = arith.divf %reduce_sum3A_35, %div3A_36 : f32
    %reshape3A = vector.broadcast %div3A_37 : f32 to vector<1x1xf32>
    %swap3A_38 = arith.constant 0 : index
    %swap3A_39 = arith.constant 0 : index
    %swap3A_40 = vector.load %arg5[%swap3A_38, %swap3A_39] : memref<1x1xf32, #tpu.memory_space<vmem>>, vector<1x1xf32>
    tpu.vector_store %arg5[%swap3A_38, %swap3A_39], %reshape3A {strides = array<i32>} : memref<1x1xf32, #tpu.memory_space<vmem>>, vector<1x1xf32>,
    return
  }
}

</mosaic_0001>

<sc_bundles>
// kernel: kernel.10.cloned.1.call-start
scs
__scs_entry_jumppad:
0x0: {  	(pc) =	sbr.rel $0x88, $3  }
0x1: {  	(tag) =	ssettag $0x0;
	lr =	simm.s32 $0x1  }
0x2: {  	[smem:$0x3F97] =	sst lr;
	_ =	strace $0xD0000000  }
0x3: {  	_ = 	snop  }
0x4: {  	_ = 	snop  }
0x5: {  	_ = 	snop  }
0x6: {  	_ = 	snop  }
0x7: {  	_ = 	snop  }
__scs_overlays_trampoline_lowered:
0x8: {  	[smem:$0x3FA6] =	sst s0  }
0x9: {  	[smem:$0x3FA7] =	sst s1  }
0xa: {  	[smem:$0x3FA8] =	sst s2  }
0xb: {  	[smem:$0x3FA9] =	sst s3  }
0xc: {  	[smem:$0x3FAA] =	sst s4  }
0xd: {  	[smem:$0x3FAB] =	sst s5  }
0xe: {  	[smem:$0x3FAC] =	sst s6  }
0xf: {  	[smem:$0x3FAD] =	sst s7  }
0x10: {  	[smem:$0x3FAE] =	sst s8  }
0x11: {  	[smem:$0x3FAF] =	sst s9;
	s0 =	simm.s32 @!p0 $0x0  }
0x12: {  	s1 =	sld [smem:$0x3F95];
	s0 =	simm.s32 @p0 $0x1  }
0x13: {  	[smem:$0x3FB0] =	sst s0;
	s0 =	simm.s32 @!p1 $0x0  }
0x14: {  	s2 =	sld [smem:$0x3F94];
	s0 =	simm.s32 @p1 $0x1  }
0x15: {  	[smem:$0x3FB1] =	sst s0;
	s0 =	simm.s32 @!p2 $0x0  }
0x16: {  	s3 =	sld [smem:$0x3FDB];
	s0 =	simm.s32 @p2 $0x1  }
0x17: {  	s4 =	simm.s32 $0x1BF5;
	[smem:$0x3FB3] =	sst s0  }
0x18: {  	s0 =	sld [smem:$0x3F96];
	_ =	swait.ge [sflag:s4], $0x0  }
0x19: {  	s7 =	sld [smem:$0x3F97]  }
0x1a: {  	s8 =	sadd.s32 $0xFFFFE003, lr  }
0x1b: {  	s9 =	sadd.s32 $0xFFFFFEF7, lr;
	s5 =	simm.s32 $0xFFFFFFFF;
	p2 =	slt.u32 s8, $0xFFFFF086  }
0x1c: {  	p1 =	slt.u32 s9, $0xF7A;
	s5 =	simm.s32 @!p2 $0x0  }
0x1d: {  	s5 =	simm.s32 @p1 $0x1;
	p0 =	seq.s32 s7, s2  }
0x1e: {  	s7 =	smul.u32 @!p0 $0xF7A, s2;
	p2 =	seq.s32 @!p0 s5, $0x0  }
0x1f: {  	s9 =	smul.u32 $0xF7A, s1;
	s8 =	simm.s32 @!p0 $0x1BF5;
	p2 =	por !p2, p0  }
0x20: {  	[sflag:s8] =	ssyncset.s32 @!p0 $0xFFFFF086;
	s6 =	sadd.s32 @!p0 s3, s7;
	s7 =	simm.s32 @!p0 $0x108  }
0x21: {  	s3 =	sadd.s32 s3, s9;
	s6 =	sadd.s32 @!p0 $0x88, s6;
	s7 =	simm.s32 @p2 $0x1082  }
0x22: {  	[simem:s7], [sflag:s8] =	dma.local @!p0 [hbm:s6], $0xF7A  }
0x23: {  	s9 =	sor.u32 $0xD0000000, s2;
	s6 =	simm.s32 $0x108;
	_ =	swait.ge @!p0 [sflag:s8], $0x0  }
0x24: {  	s3 =	sadd.s32 $0x88, s3;
	s6 =	simm.s32 @!p1 $0x1082;
	[sflag:s4] =	ssyncset.s32 $0xFFFFF086  }
0x25: {  	[simem:s6], [sflag:s4] =	dma.local [hbm:s3], $0xF7A  }
0x26: {  	[smem:$0x3F97] =	sst s1;
	(tag) =	ssettag s2;
	_ =	strace s9  }
0x27: {  	s1 =	sld [smem:$0x3FA7]  }
0x28: {  	s2 =	sld [smem:$0x3FA8]  }
0x29: {  	s4 =	sld [smem:$0x3FAA]  }
0x2a: {  	p0 =	seq.s32 s5, $0x0;
	s5 =	sld [smem:$0x3FAB]  }
0x2b: {  	s6 =	sld [smem:$0x3FAC]  }
0x2c: {  	s7 =	sld [smem:$0x3FAD]  }
0x2d: {  	s3 =	simm.s32 $0x108;
	s8 =	sld [smem:$0x3FAE]  }
0x2e: {  	s3 =	simm.s32 @!p0 $0x1082;
	s9 =	sld [smem:$0x3FAF]  }
0x2f: {  	lr =	sadd.s32 s0, s3;
	s0 =	sld [smem:$0x3FA6]  }
0x30: {  	s3 =	sld [smem:$0x3FA9]  }
0x31: {  	[smem:$0x3FB2] =	sst s10  }
0x32: {  	s10 =	sld [smem:$0x3FB0];
	_ =	sdelay $0x3  }
0x33: {  	p0 =	seq.s32 s10, $0x1;
	s10 =	sld [smem:$0x3FB2];
	_ =	sdelay $0x3  }
0x34: {  	[smem:$0x3FB2] =	sst s10  }
0x35: {  	s10 =	sld [smem:$0x3FB1];
	_ =	sdelay $0x3  }
0x36: {  	p1 =	seq.s32 s10, $0x1;
	s10 =	sld [smem:$0x3FB2];
	_ =	sdelay $0x3  }
0x37: {  	[smem:$0x3FB2] =	sst s10  }
0x38: {  	s10 =	sld [smem:$0x3FB3]  }
0x39: {  	_ = 	snop;
	(pc) =	sbr.ind lr, $3  }
0x3a: {  	_ = 	snop  }
0x3b: {  	_ = 	snop  }
0x3c: {  	p2 =	seq.s32 s10, $0x1;
	s10 =	sld [smem:$0x3FB2]  }
0x3d: {  	_ =	shalt  }
0x3e: {  	_ =	shalt  }
0x3f: {  	_ =	shalt  }
0x40: {  	_ =	shalt  }
0x41: {  	_ =	shalt  }
0x42: {  	_ =	shalt  }
0x43: {  	_ =	shalt  }
0x44: {  	_ =	shalt  }
0x45: {  	_ =	shalt  }
0x46: {  	_ =	shalt  }
0x47: {  	_ =	shalt  }
0x48: {  	_ =	shalt  }
0x49: {  	_ =	shalt  }
0x4a: {  	_ =	shalt  }
0x4b: {  	_ =	shalt  }
0x4c: {  	_ =	shalt  }
0x4d: {  	_ =	shalt  }
0x4e: {  	_ =	shalt  }
0x4f: {  	_ =	shalt  }
0x50: {  	_ =	shalt  }
0x51: {  	_ =	shalt  }
0x52: {  	_ =	shalt  }
0x53: {  	_ =	shalt  }
0x54: {  	_ =	shalt  }
0x55: {  	_ =	shalt  }
0x56: {  	_ =	shalt  }
0x57: {  	_ =	shalt  }
0x58: {  	_ =	shalt  }
0x59: {  	_ =	shalt  }
0x5a: {  	_ =	shalt  }
0x5b: {  	_ =	shalt  }
0x5c: {  	_ =	shalt  }
0x5d: {  	_ =	shalt  }
0x5e: {  	_ =	shalt  }
0x5f: {  	_ =	shalt  }
0x60: {  	_ =	shalt  }
0x61: {  	_ =	shalt  }
0x62: {  	_ =	shalt  }
0x63: {  	_ =	shalt  }
0x64: {  	_ =	shalt  }
0x65: {  	_ =	shalt  }
0x66: {  	_ =	shalt  }
0x67: {  	_ =	shalt  }
0x68: {  	_ =	shalt  }
0x69: {  	_ =	shalt  }
0x6a: {  	_ =	shalt  }
0x6b: {  	_ =	shalt  }
0x6c: {  	_ =	shalt  }
0x6d: {  	_ =	shalt  }
0x6e: {  	_ =	shalt  }
0x6f: {  	_ =	shalt  }
0x70: {  	_ =	shalt  }
0x71: {  	_ =	shalt  }
0x72: {  	_ =	shalt  }
0x73: {  	_ =	shalt  }
0x74: {  	_ =	shalt  }
0x75: {  	_ =	shalt  }
0x76: {  	_ =	shalt  }
0x77: {  	_ =	shalt  }
0x78: {  	_ =	shalt  }
0x79: {  	_ =	shalt  }
0x7a: {  	_ =	shalt  }
0x7b: {  	_ =	shalt  }
0x7c: {  	_ =	shalt  }
0x7d: {  	_ =	shalt  }
0x7e: {  	_ =	shalt  }
0x7f: {  	_ =	shalt  }
0x80: {  	_ =	shalt  }
0x81: {  	_ =	shalt  }
0x82: {  	_ =	shalt  }
0x83: {  	_ =	shalt  }
0x84: {  	_ =	shalt  }
0x85: {  	_ =	shalt  }
0x86: {  	_ =	shalt  }
0x87: {  	_ =	shalt  }
.Lfunc_end0:
.L_simem_size_0:
called_computation.1_lowered:
.L_overlay_start_0:
0x88: {  	s2 =	sld [smem:$0x3FD9]  }
0x89: {  	s3 =	sld [smem:$0x3FFE];
	_ =	sdelay $0x1  }
0x8a: {  	s1 =	srdreg.scid  }
0x8b: {  	s0 =	sand.u32 $0x1, s1  }
0x8c: {  	s17 =	sshll.u32 s0, $0xA;
	s2 =	sadd.s32 s3, s2  }
0x8d: {  	s2 =	sadd.s32 s2, s17  }
0x8e: {  	[smem:$0x3FBE] =	sst s2  }
0x8f: {  	_ = 	snop  }
0x90: {  	s2 =	sld [smem:$0x3FC8]  }
0x91: {  	s18 =	sld [smem:$0x3FC7]  }
0x92: {  	s4 =	sld [smem:$0x3FC6]  }
0x93: {  	s5 =	sld [smem:$0x3FC5];
	(tm) =	ssettm $0x1  }
0x94: {  	s6 =	sld [smem:$0x3FFB];
	_ =	sdelay $0x3  }
0x95: {  	_ =	strace s6  }
0x96: {  	s6 =	sld [smem:$0x3FFC];
	_ =	sdelay $0x3  }
0x97: {  	_ =	strace s6  }
0x98: {  	s6 =	sld [smem:$0x3FFD];
	_ =	sdelay $0x3  }
0x99: {  	_ =	strace s6  }
0x9a: {  	_ =	strace $0x8FFFFFFF  }
0x9b: {  	s19 =	sld [smem:$0x3FDB];
	_ =	sdelay $0x1  }
0x9c: {  	s7 =	simm.s32 $_scs_section_size  }
0x9d: {  	s8 =	simm.s32 $_size__tile_overlayer_lowered;
	s9 =	simm.s32 $_tile_overlayer_lowered  }
0x9e: {  	s22 =	simm.s32 $0x1BFF;
	s21 =	sshll.u32 s9, $0x1;
	s6 =	sadd.s32 s7, s19  }
0x9f: {  	s10 =	simm.s32 $0x0;
	s20 =	sshll.u32 s8, $0x1;
	s8 =	sadd.s32 s21, s6  }
0xa0: {  	[timem:s10], [sflag:s22] =	dma.local [hbm:s8], s20  }
0xa1: {  	_ =	swait.ge [sflag:s22], s20  }
0xa2: {  	s7 =	ssub.s32 $0x0, s20;
	[sflag:s22] =	ssyncset.done $0x0  }
0xa3: {  	[sflag:s22] =	ssyncadd.s32 s7;
	_ =	sdelay $0x1  }
0xa4: {  	s23 =	simm.s32 $0x1B8B  }
0xa5: {  	_ =	swait.ge [sflag:s23], $0x1  }
0xa6: {  	[sflag:s23] =	ssyncset.done $0x0  }
0xa7: {  	s25 =	simm.s32 $0x1B8E;
	s24 =	sld [smem:$0x3FFE];
	[sflag:s23] =	ssyncadd.s32 $0xFFFFFFFF  }
0xa8: {  	s26 =	simm.s32 $execute0_lowered;
	[smem:$0x3FD2] =	sst s25  }
0xa9: {  	s8 =	sshll.u32 s26, $0x1;
	_ =	strace $0x80000049;
	[dreg:$0x1] =	wrdreg $0xFFFFFFFF  }
0xaa: {  	s28 =	simm.s32 $_size_execute0_lowered;
	s6 =	sadd.s32 s6, s8;
	[dreg:$0x0] =	wrdreg $0x0  }
0xab: {  	s8 =	sshll.u32 s28, $0x1;
	[dreg:$0x2] =	wrdreg s6  }
0xac: {  	[dreg:$0x3] =	wrdreg s8  }
0xad: {  	[dreg:$0x4] =	wrdreg $0xC0  }
0xae: {  	_ =	task [dreg:s10], $0x5FFFF  }
0xaf: {  	[dreg:$0x1] =	wrdreg $0xFFFFFFFF  }
0xb0: {  	[dreg:$0x0] =	wrdreg $0x60  }
0xb1: {  	[dreg:$0x2] =	wrdreg s24  }
0xb2: {  	[dreg:$0x3] =	wrdreg s18  }
0xb3: {  	[dreg:$0x4] =	wrdreg s2  }
0xb4: {  	[dreg:$0x5] =	wrdreg s4  }
0xb5: {  	[dreg:$0x6] =	wrdreg s5  }
0xb6: {  	[dreg:$0x7] =	wrdreg $0x46500  }
0xb7: {  	[dreg:$0x8] =	wrdreg $0x9  }
0xb8: {  	_ =	task.clear_ibuf [dreg:s10], $0x9FFFF;
	_ =	strace $0x90000049  }
0xb9: {  	s29 =	simm.s32 $0x9;
	_ =	strace $0x8000004B  }
0xba: {  	_ =	swait.ge [sflag:s29], $0x1  }
0xbb: {  	[sflag:s29] =	ssyncadd.s32 $0xFFFFFFFF  }
0xbc: {  	_ =	strace $0x9000004B  }
0xbd: {  	_ =	sfence  }
0xbe: {  	s30 =	sld [smem:$0x0];
	_ =	sdelay $0x2  }
0xbf: {  	s31 =	sshll.u32 s1, $0xD;
	s1 =	sshrl.u32 s1, $0x2  }
0xc0: {  	s3 =	sand.u32 $0x4000, s31;
	s1 =	sadd.s32 s1, s30  }
0xc1: {  	s0 =	sor.u32 s3, s0;
	s1 =	sshll.u32 s1, $0x11  }
0xc2: {  	s0 =	sor.u32 s1, s0  }
0xc3: {  	s0 =	sadd.s32 $0x8F2B, s0  }
0xc4: {  	[sflag:s0] =	ssyncadd.remote.s32 $0x1  }
0xc5: {  	_ =	sfence.sel $0xFFFF  }
0xc6: {  	[dreg:$0x0] =	wrdreg $0xFFFFFFFF;
	(pc) =	sbr.abs _section_cstart, $3  }
0xc7: {  	[dreg:$0x1] =	wrdreg $0xFFFFFFFF  }
0xc8: {  	_ =	task.clear_ibuf [dreg:s10], $0x2FFFF;
	_ =	strace $0x9FFFFFFF  }
0xc9: {  	(tm) =	ssettm $0x7FFFFFFF  }
tec
execute0_lowered:
.L_overlay_start_1:
0x0: {  	(tag) =	ssettag $0x1  }
0x1: {  	s0 =	rddreg [dreg:$0x0]  }
0x2: {  	s1 =	rddreg [dreg:$0x1]  }
0x3: {  	s2 =	rddreg [dreg:$0x2]  }
0x4: {  	s4 =	rddreg [dreg:$0x3]  }
0x5: {  	s7 =	rddreg [dreg:$0x4]  }
0x6: {  	s3 =	rddreg [dreg:$0x5]  }
0x7: {  	s6 =	srdreg.scid;
	s5 =	simm.s32 $0x0;
	s22 =	stileid.u32  }
0x8: {  	s29 =	simm.s32 $0x27B0;
	s28 =	simm.s32 $0x5;
	s31 =	simm.s32 $0x7  }
0x9: {  	s8 =	sand.u32 $0x1, s6;
	[smem:$0x7FF] =	sst s5;
	s14 =	smul.u32 $0x7680, s22  }
0xa: {  	s19 =	sshll.u32 s22, $0x1;
	s6 =	sadd.s32 $0x1E00, s0;
	s23 =	smul.u32 $0x278, s22  }
0xb: {  	s16 =	sshll.u32 s22, $0x3;
	p0 =	seq.s32 s22, $0xF;
	s9 =	smul.u32 $0xEA60, s8  }
0xc: {  	_ =	strace $0x8000004A;
	s10 =	smul.u32 $0x1800, s8;
	s11 =	sor.u32 s8, s19  }
0xd: {  	s8 =	ssub.s32 $0x2, s8;
	s7 =	sadd.s32 s7, s16;
	s16 =	smul.u32 $0x180, s22  }
0xe: {  	s13 =	smul.u32 $0x2710, s11;
	s20 =	sshrl.u32 s8, $0x1;
	s15 =	sadd.s32 $0x6900, s14  }
0xf: {  	[dreg:$0xd] =	wrdreg s7;
	s9 =	sadd.s32 s9, s0;
	s0 =	sadd.s32 s10, s0  }
0x10: {  	s8 =	ssub.s32 s8, s20;
	s30 =	sadd.s32 s15, s3;
	s15 =	sshrl.u32 s15, $0x3  }
0x11: {  	s21 =	sshrl.u32 s13, $0x3;
	s8 =	smax.u32 s8, $0x1;
	[dreg:$0x8] =	wrdreg s30  }
0x12: {  	s11 =	sadd.s32 $0x50, s13;
	s24 =	sadd.s32 $0x10A00, s9;
	[dreg:$0xe] =	wrdreg s8  }
0x13: {  	s12 =	sadd.s32 $0xA0, s13;
	s4 =	sadd.s32 s4, s21;
	[dreg:$0xb] =	wrdreg s24  }
0x14: {  	s0 =	sadd.s32 $0x2E000, s0;
	s25 =	sadd.s32 s1, s21;
	[dreg:$0x7] =	wrdreg s4  }
0x15: {  	s10 =	sadd.s32 s2, s21;
	s0 =	sadd.s32 s16, s0;
	[dreg:$0x9] =	wrdreg s25  }
0x16: {  	[dreg:$0xa] =	wrdreg s10;
	s10 =	smul.u32 $0x1DA00, s22;
	s4 =	sadd.s32 $0x50, s23  }
0x17: {  	s13 =	sadd.s32 $0xF0, s13;
	[dreg:$0x10] =	wrdreg s0;
	s17 =	smul.u32 $0xC0, s4  }
0x18: {  	s4 =	smul.u32 $0x30, s4;
	s26 =	sshrl.u32 s10, $0x2;
	s20 =	sadd.s32 $0x7800, s10  }
0x19: {  	s21 =	sadd.s32 $0xB400, s10;
	s9 =	sadd.s32 $0x12C00, s10;
	s16 =	sadd.s32 $0x16800, s10  }
0x1a: {  	s23 =	sadd.s32 s26, s3;
	s18 =	sshrl.u32 s17, $0x2;
	s8 =	sshrl.u32 s20, $0x2  }
0x1b: {  	s0 =	sshrl.u32 s21, $0x2;
	s26 =	sadd.s32 $0xF000, s10;
	s7 =	sshrl.u32 s9, $0x2  }
0x1c: {  	s20 =	sadd.s32 $0x2D00, s14;
	s21 =	sadd.s32 $0x3C00, s14;
	s19 =	sadd.s32 s18, s3  }
0x1d: {  	s25 =	sadd.s32 s8, s3;
	s0 =	sadd.s32 s0, s3;
	s8 =	sshrl.u32 s26, $0x2  }
0x1e: {  	s17 =	sadd.s32 s7, s3;
	s18 =	sshrl.u32 s16, $0x2;
	[dreg:$0xc] =	wrdreg s23  }
0x1f: {  	s10 =	sshrl.u32 s20, $0x3;
	s9 =	sadd.s32 s20, s3;
	[dreg:$0xf] =	wrdreg s19  }
0x20: {  	s16 =	sadd.s32 s21, s3;
	s20 =	sshrl.u32 s14, $0x3;
	[dreg:$0x11] =	wrdreg s25  }
0x21: {  	s22 =	sadd.s32 $0x5A00, s23;
	s26 =	sshrl.u32 s11, $0x3;
	[dreg:$0x12] =	wrdreg s0  }
0x22: {  	s0 =	sadd.s32 s8, s3;
	[dreg:$0x14] =	wrdreg s17;
	s19 =	sadd.s32 $0x1E00, s14  }
0x23: {  	s17 =	sshrl.u32 s21, $0x3;
	s21 =	sadd.s32 s14, s3;
	s22 =	sshrl.u32 @p0 s22, $0x3  }
0x24: {  	s20 =	sadd.s32 @!p0 s20, s24;
	s25 =	sadd.s32 s1, s26;
	[dreg:$0x13] =	wrdreg s0  }
0x25: {  	s0 =	sadd.s32 s18, s3;
	s8 =	sshrl.u32 s19, $0x3;
	[dreg:$0x16] =	wrdreg s22  }
0x26: {  	s7 =	sadd.s32 s19, s3;
	s18 =	sadd.s32 $0x4B00, s14;
	[dreg:$0x17] =	wrdreg s20  }
0x27: {  	s14 =	sadd.s32 $0x5A00, s14;
	s20 =	sshrl.u32 @!p0 s21, $0x3;
	[smem:$0x7FD] =	sst s25  }
0x28: {  	s25 =	simm.s32 $0x8;
	[dreg:$0x15] =	wrdreg s0;
	s0 =	sshrl.u32 s4, $0x3  }
0x29: {  	s4 =	sadd.s32 s4, s3;
	[dreg:$0x18] =	wrdreg s20;
	s0 =	sadd.s32 @!p0 s0, s24  }
0x2a: {  	s19 =	sshrl.u32 s18, $0x3;
	[dreg:$0x19] =	wrdreg s0;
	s0 =	sshrl.u32 @!p0 s4, $0x3  }
0x2b: {  	s18 =	sadd.s32 s18, s3;
	[dreg:$0x1a] =	wrdreg s0;
	s0 =	sadd.s32 @!p0 s8, s24  }
0x2c: {  	s23 =	sshrl.u32 s14, $0x3;
	[dreg:$0x1b] =	wrdreg s0;
	s0 =	sshrl.u32 @!p0 s7, $0x3  }
0x2d: {  	s14 =	sadd.s32 s14, s3;
	[dreg:$0x1c] =	wrdreg s0;
	s0 =	sadd.s32 @!p0 s10, s24  }
0x2e: {  	s4 =	simm.s32 $0x2;
	[dreg:$0x1d] =	wrdreg s0;
	s0 =	sshrl.u32 @!p0 s9, $0x3  }
0x2f: {  	s7 =	simm.s32 $0x2760;
	[dreg:$0x1e] =	wrdreg s0;
	s0 =	sadd.s32 @!p0 s17, s24  }
0x30: {  	s10 =	simm.s32 $0x4;
	[dreg:$0x1f] =	wrdreg s0;
	s0 =	sshrl.u32 @!p0 s16, $0x3  }
0x31: {  	s9 =	simm.s32 $0x0;
	[smem:$0x7F7] =	sst s0;
	s0 =	sadd.s32 @!p0 s19, s24  }
0x32: {  	s17 =	simm.s32 $0x50;
	[smem:$0x7F8] =	sst s0;
	s0 =	sshrl.u32 @!p0 s18, $0x3  }
0x33: {  	s16 =	simm.s32 $0x3700;
	[smem:$0x7F9] =	sst s0;
	s0 =	sadd.s32 @!p0 s23, s24  }
0x34: {  	s19 =	simm.s32 $0x3750;
	[smem:$0x7FA] =	sst s0;
	s0 =	sshrl.u32 @!p0 s14, $0x3  }
0x35: {  	[smem:$0x7FB] =	sst s0;
	s0 =	sadd.s32 @!p0 s15, s24;
	s15 =	simm.s32 $0xA  }
0x36: {  	v0 =	vimm.f32 $0.0e+00;
	s24 =	simm.s32 $0x3;
	[smem:$0x7FC] =	sst s0;
	s0 =	simm.s32 $0x2710  }
.LBB2_1:
0x37: {  	s8 =	rddreg [dreg:$0x7]  }
0x38: {  	[tilespmem:s5], [sflag:$0x1] =	stream.linear.gather [hbm4b:s8+s5], $0x2710, $0x38;
	[tilespmem:$0xC910] =	vst v63  }
0x39: {  	[smem:$0x7F6] =	sst s9;
	s14 =	simm.s32 $0x0;
	s8 =	simm.s32 $0xC0  }
.LBB2_2:
0x3a: {  	p1 =	sne.s32 s8, $0x3B40;
	[tilespmem:s14+$0x27D0] =	vst v0;
	s9 =	smov.u32 s8;
	s8 =	sadd.s32 $0xC0, s8  }
.Ltmp0:
0x3b: {  	[tilespmem:s14+$0x27B0] =	vst v0;
	(pc) =	sbr.rel @p1 .LBB2_2-.Ltmp0, $2  }
0x3c: {  	[tilespmem:s14+$0x27C0] =	vst v0;
	_ =	sdelay $0x2  }
0x3d: {  	s14 =	sshra.s32 s9, $0x2  }
0x3e: {  	[tilespmem:s14+$0x27D0] =	vst v0  }
0x3f: {  	[tilespmem:s14+$0x27B0] =	vst v0  }
0x40: {  	[tilespmem:s14+$0x27C0] =	vst v0;
	s8 =	rddreg [dreg:$0xc]  }
0x41: {  	[spmem:s8] =	stream.linear.scatter [tilespmem:s29], [sflag:$0xA], $0xF00, $0x38;
	[tilespmem:$0xC910] =	vst v63  }
0x42: {  	_ =	swait.ge [sflag:s15], $0xF00  }
0x43: {  	[sflag:s15] =	ssyncset.done $0x0  }
0x44: {  	s22 =	rddreg [dreg:$0xf];
	[sflag:s15] =	ssyncadd.s32 $0xFFFFF100  }
0x45: {  	[spmem:s22] =	stream.linear.scatter [tilespmem:s29], [sflag:$0xA], $0xF00, $0x38;
	[tilespmem:$0xC910] =	vst v63  }
0x46: {  	_ =	swait.ge [sflag:s15], $0xF00  }
0x47: {  	[sflag:s15] =	ssyncset.done $0x0  }
0x48: {  	s23 =	rddreg [dreg:$0x11];
	[sflag:s15] =	ssyncadd.s32 $0xFFFFF100  }
0x49: {  	[spmem:s23] =	stream.linear.scatter [tilespmem:s29], [sflag:$0xA], $0xF00, $0x38;
	[tilespmem:$0xC910] =	vst v63  }
0x4a: {  	_ =	swait.ge [sflag:s15], $0xF00  }
0x4b: {  	[sflag:s15] =	ssyncset.done $0x0  }
0x4c: {  	s9 =	rddreg [dreg:$0x12];
	[sflag:s15] =	ssyncadd.s32 $0xFFFFF100  }
0x4d: {  	[spmem:s9] =	stream.linear.scatter [tilespmem:s29], [sflag:$0xA], $0xF00, $0x38;
	[tilespmem:$0xC910] =	vst v63  }
0x4e: {  	_ =	swait.ge [sflag:s15], $0xF00  }
0x4f: {  	[sflag:s15] =	ssyncset.done $0x0  }
0x50: {  	s14 =	rddreg [dreg:$0x13];
	[sflag:s15] =	ssyncadd.s32 $0xFFFFF100  }
0x51: {  	[spmem:s14] =	stream.linear.scatter [tilespmem:s29], [sflag:$0xA], $0xF00, $0x38;
	[tilespmem:$0xC910] =	vst v63  }
0x52: {  	_ =	swait.ge [sflag:s15], $0xF00  }
0x53: {  	[sflag:s15] =	ssyncset.done $0x0  }
0x54: {  	s18 =	rddreg [dreg:$0x14];
	[sflag:s15] =	ssyncadd.s32 $0xFFFFF100  }
0x55: {  	[spmem:s18] =	stream.linear.scatter [tilespmem:s29], [sflag:$0xA], $0xF00, $0x38;
	[tilespmem:$0xC910] =	vst v63  }
0x56: {  	_ =	swait.ge [sflag:s15], $0xF00  }
0x57: {  	[sflag:s15] =	ssyncset.done $0x0  }
0x58: {  	s20 =	rddreg [dreg:$0x15];
	[sflag:s15] =	ssyncadd.s32 $0xFFFFF100  }
0x59: {  	[spmem:s20] =	stream.linear.scatter [tilespmem:s29], [sflag:$0xA], $0xF00, $0x38;
	[tilespmem:$0xC910] =	vst v63  }
0x5a: {  	_ =	swait.ge [sflag:s15], $0xF00  }
0x5b: {  	[sflag:s15] =	ssyncset.done $0x0  }
0x5c: {  	[sflag:s15] =	ssyncadd.s32 $0xFFFFF100  }
0x5d: {  	[spmem:s30] =	stream.linear.scatter [tilespmem:s29], [sflag:$0xA], $0xD80, $0x38;
	[tilespmem:$0xC910] =	vst v63  }
0x5e: {  	_ =	swait.ge [sflag:s15], $0xD80  }
0x5f: {  	[sflag:s15] =	ssyncset.done $0x0  }
0x60: {  	s21 =	simm.s32 $0x1;
	[sflag:s15] =	ssyncadd.s32 $0xFFFFF280  }
0x61: {  	_ =	swait.ge [sflag:s21], $0x2710  }
0x62: {  	[sflag:s21] =	ssyncset.done $0x0  }
0x63: {  	[sflag:s21] =	ssyncadd.s32 $0xFFFFD8F0  }
0x64: {  	[bflag:$0x0] =	sbarrier.arrive $0xFFFF  }
0x65: {  	s18 =	simm.s32 $0x0;
	s22 =	rddreg [dreg:$0x9]  }
0x66: {  	[tilespmem:s0], [sflag:$0x2] =	stream.linear.gather [hbm4b:s22+s18], $0x50, $0x38;
	[tilespmem:$0xC910] =	vst v63  }
0x67: {  	_ =	swait.ge [sflag:s4], $0x50  }
0x68: {  	[sflag:s4] =	ssyncset.done $0x0  }
0x69: {  	s23 =	rddreg [dreg:$0xa];
	[sflag:s4] =	ssyncadd.s32 $0xFFFFFFB0  }
0x6a: {  	[tilespmem:s7], [sflag:$0x3] =	stream.linear.gather [hbm4b:s23+s18], $0x50, $0x38;
	[tilespmem:$0xC910] =	vst v63  }
0x6b: {  	s15 =	simm.s32 $0x50;
	s30 =	sld [smem:$0x7FD]  }
0x6c: {  	[tilespmem:s29], [sflag:$0x4] =	stream.indirect.gather [hbm4b:s6+s15], $0x30, s0, s15, $0xb8;
	[tilespmem:$0xC910] =	vst v63  }
0x6d: {  	s9 =	simm.s32 $0x36B0;
	s20 =	simm.s32 $0x0;
	s21 =	simm.s32 $0x0  }
0x6e: {  	[tilespmem:s9], [sflag:$0x6] =	stream.linear.gather [hbm4b:s30+s18], $0x50, $0x38;
	[tilespmem:$0xC910] =	vst v63  }
.LBB2_4:
0x6f: {  	s23 =	smul.u32 $0xA0, s21;
	_ =	sdelay $0x1  }
0x70: {  	_ =	swait.ge [sflag:s10], $0xF00;
	s8 =	sadd.s32 s23, s12  }
0x71: {  	[sflag:s10] =	ssyncset.done $0x0;
	s22 =	sshrl.u32 s8, $0x3  }
0x72: {  	p1 =	sne.s32 s21, $0x0;
	[sflag:s10] =	ssyncadd.s32 $0xFFFFF100;
	s8 =	sadd.s32 s1, s22  }
0x73: {  	[tilespmem:s0], [sflag:$0x2] =	stream.linear.gather [hbm4b:s8+s5], $0x50, $0x38;
	[tilespmem:$0xC910] =	vst v63  }
0x74: {  	s8 =	simm.s32 @p1 $0x9  }
0x75: {  	_ =	swait.ge @p1 [sflag:s8], $0xF00  }
0x76: {  	[sflag:s8] =	ssyncset.done @p1 $0x0  }
0x77: {  	[sflag:s8] =	ssyncadd.s32 @p1 $0xFFFFF100;
	s8 =	simm.s32 @p1 $0x6  }
0x78: {  	_ =	swait.ge @p1 [sflag:s8], $0x50  }
0x79: {  	[sflag:s8] =	ssyncset.done @p1 $0x0  }
0x7a: {  	s9 =	simm.s32 @!p1 $0x6;
	[sflag:s8] =	ssyncadd.s32 @p1 $0xFFFFFFB0;
	s8 =	sadd.s32 @p1 s23, s11  }
0x7b: {  	s14 =	smov.u32 s26;
	s8 =	sshrl.u32 @p1 s8, $0x3;
	_ =	swait.ge @!p1 [sflag:s9], $0x50  }
0x7c: {  	[sflag:s9] =	ssyncset.done @!p1 $0x0;
	s14 =	smov.u32 @p1 s8  }
0x7d: {  	[sflag:s9] =	ssyncadd.s32 @!p1 $0xFFFFFFB0;
	s8 =	sadd.s32 s2, s14;
	s14 =	sadd.s32 $0x0, s20  }
0x7e: {  	[tilespmem:s16], [sflag:$0x7] =	stream.linear.gather [hbm4b:s8+s18], $0x50, $0x38;
	[tilespmem:$0xC910] =	vst v63  }
0x7f: {  	v2 =	vmov s14;
	s14 =	simm.s32 $0x36B0  }
0x80: {  	[tilespmem:s19], [sflag:$0x8] =	stream.indirect.gather [hbm4b:s6+s17], $0x30, s14, s17, $0xb8;
	[tilespmem:$0xC910] =	vst v63  }
0x81: {  	s14 =	simm.s32 $0x27D0  }
0x82: {  	v1 =	vld [tilespmem:s14+$0xFFFFFFF0]  }
0x83: {  	v4 =	vld [tilespmem:s14+$0xFFFFFFE0]  }
0x84: {  	v2 =	vld.idx.msk [tilespmem:v2+s5+$0x0], $0xffff  }
0x85: {  	v3 =	vld [tilespmem:s14+$0x0];
	_ =	sdelay $0x2  }
0x86: {  	s30 =	simm.s32 $0x2;
	s9 =	sadd.s32 $0x1, s20;
	s8 =	simm.s32 $0x27D0  }
.LBB2_5:
0x87: {  	p1 =	sne.s32 s30, $0x4F;
	v5 =	vmov s9;
	v4 =	vmul.f32 v4, v2;
	v1 =	vmul.f32 v1, v2  }
0x88: {  	v2 =	vmul.f32 v3, v2  }
0x89: {  	[tilespmem:s14+$0xFFFFFFE0] =	vst v4  }
0x8a: {  	s14 =	sadd.s32 $0x30, s14;
	[tilespmem:s8+$0xFFFFFFF0] =	vst v1  }
0x8b: {  	v1 =	vld [tilespmem:s14+$0xFFFFFFF0];
	[tilespmem:s8+$0x0] =	vst v2;
	s8 =	smov.u32 s14  }
0x8c: {  	v2 =	vld.idx.msk [tilespmem:v5+s5+$0x0], $0xffff  }
.Ltmp1:
0x8d: {  	v4 =	vld [tilespmem:s14+$0xFFFFFFE0];
	(pc) =	sbr.rel @p1 .LBB2_5-.Ltmp1, $2  }
0x8e: {  	v3 =	vld [tilespmem:s14+$0x0];
	_ =	sdelay $0x2  }
0x8f: {  	s9 =	sadd.s32 s30, s20;
	s30 =	sadd.s32 $0x1, s30  }
0x90: {  	v4 =	vmul.f32 v4, v2;
	v5 =	vmov s9  }
0x91: {  	v1 =	vmul.f32 v1, v2  }
0x92: {  	v2 =	vmul.f32 v3, v2;
	[tilespmem:s14+$0xFFFFFFE0] =	vst v4  }
0x93: {  	s14 =	sadd.s32 $0x30, s14;
	[tilespmem:s8+$0xFFFFFFF0] =	vst v1  }
0x94: {  	v1 =	vld [tilespmem:s14+$0xFFFFFFF0];
	[tilespmem:s8+$0x0] =	vst v2  }
0x95: {  	v2 =	vld.idx.msk [tilespmem:v5+s5+$0x0], $0xffff  }
0x96: {  	v3 =	vld [tilespmem:s14+$0xFFFFFFE0];
	_ =	sdelay $0x1  }
0x97: {  	v4 =	vld [tilespmem:s14+$0x0];
	_ =	sdelay $0x2  }
0x98: {  	v3 =	vmul.f32 v3, v2  }
0x99: {  	v1 =	vmul.f32 v1, v2  }
0x9a: {  	v2 =	vmul.f32 v4, v2;
	[tilespmem:s14+$0xFFFFFFE0] =	vst v3  }
0x9b: {  	[tilespmem:s14+$0xFFFFFFF0] =	vst v1  }
0x9c: {  	[tilespmem:s14+$0x0] =	vst v2  }
0x9d: {  	_ =	swait.ge [sflag:s24], $0x50  }
0x9e: {  	[sflag:s24] =	ssyncset.done $0x0  }
0x9f: {  	p1 =	seq.s32 s21, $0x3D;
	[sflag:s24] =	ssyncadd.s32 $0xFFFFFFB0  }
0xa0: {  	[spmem:s3] =	stream.indirect.scatter.add.f32 [tilespmem:s29], [sflag:$0x5], $0x30, s7, s17, $0xb8;
	[tilespmem:$0xC910] =	vst v63  }
0xa1: {  	s8 =	sadd.s32 @!p1 s23, s13;
	_ =	swait.ge [sflag:s25], $0xF00  }
0xa2: {  	s9 =	simm.s32 @!p1 $0x0;
	s8 =	sshrl.u32 @!p1 s8, $0x3;
	[sflag:s25] =	ssyncset.done $0x0  }
0xa3: {  	s8 =	sadd.s32 @!p1 s1, s8;
	s14 =	simm.s32 @!p1 $0x36B0;
	[sflag:s25] =	ssyncadd.s32 $0xFFFFF100  }
0xa4: {  	[tilespmem:s14], [sflag:$0x6] =	stream.linear.gather @!p1 [hbm4b:s8+s9], $0x50, $0x38;
	[tilespmem:$0xC910] =	vst v63  }
0xa5: {  	_ =	swait.ge [sflag:s28], $0xF00  }
0xa6: {  	[sflag:s28] =	ssyncset.done $0x0  }
0xa7: {  	[sflag:s28] =	ssyncadd.s32 $0xFFFFF100  }
0xa8: {  	_ =	swait.ge [sflag:s4], $0x50  }
0xa9: {  	s30 =	sadd.s32 $0x0, s15;
	[sflag:s4] =	ssyncset.done $0x0  }
0xaa: {  	s22 =	sadd.s32 s2, s22;
	s23 =	simm.s32 $0x0;
	v2 =	vmov s30;
	[sflag:s4] =	ssyncadd.s32 $0xFFFFFFB0  }
0xab: {  	[tilespmem:s7], [sflag:$0x3] =	stream.linear.gather [hbm4b:s22+s23], $0x50, $0x38;
	[tilespmem:$0xC910] =	vst v63  }
0xac: {  	s14 =	simm.s32 $0x3770  }
0xad: {  	[tilespmem:s29], [sflag:$0x4] =	stream.indirect.gather [hbm4b:s6+s17], $0x30, s0, s17, $0xb8;
	[tilespmem:$0xC910] =	vst v63  }
0xae: {  	v1 =	vld [tilespmem:s14+$0xFFFFFFF0]  }
0xaf: {  	v2 =	vld.idx.msk [tilespmem:v2+s5+$0x0], $0xffff  }
0xb0: {  	v4 =	vld [tilespmem:s14+$0xFFFFFFE0]  }
0xb1: {  	v3 =	vld [tilespmem:s14+$0x0];
	_ =	sdelay $0x2  }
0xb2: {  	s9 =	sadd.s32 $0x1, s15;
	s8 =	simm.s32 $0x3770;
	s22 =	simm.s32 $0x2  }
.LBB2_7:
0xb3: {  	p1 =	sne.s32 s22, $0x4F;
	v5 =	vmov s9;
	v4 =	vmul.f32 v4, v2;
	v1 =	vmul.f32 v1, v2  }
0xb4: {  	v2 =	vmul.f32 v3, v2  }
0xb5: {  	[tilespmem:s14+$0xFFFFFFE0] =	vst v4  }
0xb6: {  	s14 =	sadd.s32 $0x30, s14;
	[tilespmem:s8+$0xFFFFFFF0] =	vst v1  }
0xb7: {  	v1 =	vld [tilespmem:s14+$0xFFFFFFF0];
	[tilespmem:s8+$0x0] =	vst v2;
	s8 =	smov.u32 s14  }
0xb8: {  	v2 =	vld.idx.msk [tilespmem:v5+s5+$0x0], $0xffff  }
.Ltmp2:
0xb9: {  	v4 =	vld [tilespmem:s14+$0xFFFFFFE0];
	(pc) =	sbr.rel @p1 .LBB2_7-.Ltmp2, $2  }
0xba: {  	v3 =	vld [tilespmem:s14+$0x0];
	_ =	sdelay $0x2  }
0xbb: {  	s9 =	sadd.s32 s22, s15;
	s22 =	sadd.s32 $0x1, s22  }
0xbc: {  	v4 =	vmul.f32 v4, v2;
	v5 =	vmov s9  }
0xbd: {  	v1 =	vmul.f32 v1, v2  }
0xbe: {  	v2 =	vmul.f32 v3, v2;
	[tilespmem:s14+$0xFFFFFFE0] =	vst v4  }
0xbf: {  	s30 =	sadd.s32 $0x30, s14;
	[tilespmem:s8+$0xFFFFFFF0] =	vst v1  }
0xc0: {  	v1 =	vld [tilespmem:s30+$0xFFFFFFF0];
	[tilespmem:s8+$0x0] =	vst v2  }
0xc1: {  	v2 =	vld.idx.msk [tilespmem:v5+s5+$0x0], $0xffff  }
0xc2: {  	v3 =	vld [tilespmem:s30+$0xFFFFFFE0];
	_ =	sdelay $0x1  }
0xc3: {  	v4 =	vld [tilespmem:s30+$0x0];
	_ =	sdelay $0x2  }
0xc4: {  	v3 =	vmul.f32 v3, v2  }
0xc5: {  	v1 =	vmul.f32 v1, v2  }
0xc6: {  	s21 =	sadd.s32 $0x1, s21;
	v2 =	vmul.f32 v4, v2;
	[tilespmem:s30+$0xFFFFFFE0] =	vst v3  }
0xc7: {  	p1 =	sne.s32 s21, $0x3E;
	[tilespmem:s30+$0xFFFFFFF0] =	vst v1  }
.Ltmp3:
0xc8: {  	[tilespmem:s30+$0x0] =	vst v2;
	(pc) =	sbr.rel @p1 .LBB2_4-.Ltmp3, $4  }
0xc9: {  	_ =	swait.ge [sflag:s31], $0x50  }
0xca: {  	[sflag:s31] =	ssyncset.done $0x0  }
0xcb: {  	s20 =	sadd.s32 $0xA0, s20;
	s15 =	sadd.s32 $0xA0, s15;
	[sflag:s31] =	ssyncadd.s32 $0xFFFFFFB0  }
0xcc: {  	[spmem:s3] =	stream.indirect.scatter.add.f32 [tilespmem:s19], [sflag:$0x9], $0x30, s16, s17, $0xb8;
	[tilespmem:$0xC910] =	vst v63  }
0xcd: {  	s8 =	simm.s32 $0x26C0  }
0xce: {  	_ =	swait.ge [sflag:s10], $0xF00;
	v1 =	vmov s8  }
0xcf: {  	[sflag:s10] =	ssyncset.done $0x0  }
0xd0: {  	s14 =	simm.s32 $0x27D0;
	[sflag:s10] =	ssyncadd.s32 $0xFFFFF100  }
0xd1: {  	v4 =	vld [tilespmem:s14+$0xFFFFFFF0]  }
0xd2: {  	v5 =	vld [tilespmem:s14+$0xFFFFFFE0]  }
0xd3: {  	v2 =	vld.idx.msk [tilespmem:v1+s5+$0x0], $0xffff  }
0xd4: {  	v3 =	vld [tilespmem:s14+$0x0];
	_ =	sdelay $0x2  }
0xd5: {  	s30 =	simm.s32 $0x26C1  }
0xd6: {  	s15 =	simm.s32 $0x26C2;
	s8 =	simm.s32 $0x27D0;
	v1 =	vmov s30;
	v5 =	vmul.f32 v5, v2;
	v4 =	vmul.f32 v4, v2  }
.LBB2_10:
0xd7: {  	p1 =	sne.s32 s15, $0x270F;
	v2 =	vmul.f32 v3, v2  }
0xd8: {  	[tilespmem:s14+$0xFFFFFFE0] =	vst v5  }
0xd9: {  	s14 =	sadd.s32 $0x30, s14;
	[tilespmem:s8+$0xFFFFFFF0] =	vst v4  }
0xda: {  	v4 =	vld [tilespmem:s14+$0xFFFFFFF0];
	[tilespmem:s8+$0x0] =	vst v2;
	s8 =	smov.u32 s14  }
0xdb: {  	v2 =	vld.idx.msk [tilespmem:v1+s5+$0x0], $0xffff  }
0xdc: {  	v5 =	vld [tilespmem:s14+$0xFFFFFFE0]  }
.Ltmp4:
0xdd: {  	v3 =	vld [tilespmem:s14+$0x0];
	(pc) =	sbr.rel @p1 .LBB2_10-.Ltmp4, $2  }
0xde: {  	_ =	sdelay $0x2  }
0xdf: {  	v1 =	vmov s15;
	s15 =	sadd.s32 $0x1, s15;
	v4 =	vmul.f32 v4, v2;
	v5 =	vmul.f32 v5, v2  }
0xe0: {  	_ = 	snop  }
0xe1: {  	v2 =	vmul.f32 v3, v2;
	[tilespmem:s14+$0xFFFFFFE0] =	vst v5  }
0xe2: {  	s9 =	sadd.s32 $0x30, s14;
	[tilespmem:s8+$0xFFFFFFF0] =	vst v4  }
0xe3: {  	v3 =	vld [tilespmem:s9+$0xFFFFFFF0];
	[tilespmem:s8+$0x0] =	vst v2  }
0xe4: {  	v1 =	vld.idx.msk [tilespmem:v1+s5+$0x0], $0xffff  }
0xe5: {  	v2 =	vld [tilespmem:s9+$0xFFFFFFE0];
	_ =	sdelay $0x1  }
0xe6: {  	v4 =	vld [tilespmem:s9+$0x0];
	_ =	sdelay $0x2  }
0xe7: {  	v2 =	vmul.f32 v2, v1  }
0xe8: {  	v3 =	vmul.f32 v3, v1  }
0xe9: {  	v1 =	vmul.f32 v4, v1;
	[tilespmem:s9+$0xFFFFFFE0] =	vst v2  }
0xea: {  	[tilespmem:s9+$0xFFFFFFF0] =	vst v3  }
0xeb: {  	[tilespmem:s9+$0x0] =	vst v1  }
0xec: {  	_ =	swait.ge [sflag:s24], $0x50  }
0xed: {  	[sflag:s24] =	ssyncset.done $0x0  }
0xee: {  	[sflag:s24] =	ssyncadd.s32 $0xFFFFFFB0  }
0xef: {  	[spmem:s3] =	stream.indirect.scatter.add.f32 [tilespmem:s29], [sflag:$0x5], $0x30, s7, s17, $0xb8;
	[tilespmem:$0xC910] =	vst v63  }
0xf0: {  	_ =	swait.ge [sflag:s28], $0xF00  }
0xf1: {  	[sflag:s28] =	ssyncset.done $0x0  }
0xf2: {  	s21 =	simm.s32 $0x9;
	[sflag:s28] =	ssyncadd.s32 $0xFFFFF100  }
0xf3: {  	_ =	swait.ge [sflag:s21], $0xF00  }
0xf4: {  	[sflag:s21] =	ssyncset.done $0x0  }
0xf5: {  	[sflag:s21] =	ssyncadd.s32 $0xFFFFF100  }
0xf6: {  	[bflag:$0x0] =	sbarrier.arrive $0xFFFF  }
0xf7: {  	s18 =	rddreg [dreg:$0xb]  }
0xf8: {  	s9 =	rddreg [dreg:$0xc]  }
0xf9: {  	s14 =	simm.s32 @p0 $0x1FCA;
	s8 =	sadd.s32 @p0 $0xDE30, s18;
	s9 =	sshrl.u32 @p0 s9, $0x3  }
0xfa: {  	[hbm:s8], [sflag:s14] =	dma.local @p0 [spmem:s9], $0x1E0  }
0xfb: {  	s8 =	simm.s32 @p0 $0xA  }
0xfc: {  	_ =	swait.ge @p0 [sflag:s8], $0x1E0  }
0xfd: {  	[sflag:s8] =	ssyncset.done @p0 $0x0;
	s15 =	rddreg [dreg:$0xf]  }
0xfe: {  	s9 =	sadd.s32 @p0 $0xE010, s18;
	[sflag:s8] =	ssyncadd.s32 @p0 $0xFFFFFE20;
	s15 =	sshrl.u32 @p0 s15, $0x3  }
0xff: {  	[hbm:s9], [sflag:s14] =	dma.local @p0 [spmem:s15], $0x1E0  }
0x100: {  	_ =	swait.ge @p0 [sflag:s8], $0x1E0  }
0x101: {  	[sflag:s8] =	ssyncset.done @p0 $0x0;
	s15 =	rddreg [dreg:$0x11]  }
0x102: {  	s9 =	sadd.s32 @p0 $0xE1F0, s18;
	[sflag:s8] =	ssyncadd.s32 @p0 $0xFFFFFE20;
	s15 =	sshrl.u32 @p0 s15, $0x3  }
0x103: {  	[hbm:s9], [sflag:s14] =	dma.local @p0 [spmem:s15], $0x1E0  }
0x104: {  	_ =	swait.ge @p0 [sflag:s8], $0x1E0  }
0x105: {  	[sflag:s8] =	ssyncset.done @p0 $0x0;
	s15 =	rddreg [dreg:$0x12]  }
0x106: {  	s9 =	sadd.s32 @p0 $0xE3D0, s18;
	[sflag:s8] =	ssyncadd.s32 @p0 $0xFFFFFE20;
	s15 =	sshrl.u32 @p0 s15, $0x3  }
0x107: {  	[hbm:s9], [sflag:s14] =	dma.local @p0 [spmem:s15], $0x1E0  }
0x108: {  	_ =	swait.ge @p0 [sflag:s8], $0x1E0  }
0x109: {  	[sflag:s8] =	ssyncset.done @p0 $0x0;
	s15 =	rddreg [dreg:$0x13]  }
0x10a: {  	s9 =	sadd.s32 @p0 $0xE5B0, s18;
	[sflag:s8] =	ssyncadd.s32 @p0 $0xFFFFFE20;
	s15 =	sshrl.u32 @p0 s15, $0x3  }
0x10b: {  	[hbm:s9], [sflag:s14] =	dma.local @p0 [spmem:s15], $0x1E0  }
0x10c: {  	_ =	swait.ge @p0 [sflag:s8], $0x1E0  }
0x10d: {  	[sflag:s8] =	ssyncset.done @p0 $0x0;
	s15 =	rddreg [dreg:$0x14]  }
0x10e: {  	s9 =	sadd.s32 @p0 $0xE790, s18;
	[sflag:s8] =	ssyncadd.s32 @p0 $0xFFFFFE20;
	s15 =	sshrl.u32 @p0 s15, $0x3  }
0x10f: {  	[hbm:s9], [sflag:s14] =	dma.local @p0 [spmem:s15], $0x1E0  }
0x110: {  	_ =	swait.ge @p0 [sflag:s8], $0x1E0  }
0x111: {  	[sflag:s8] =	ssyncset.done @p0 $0x0  }
0x112: {  	s9 =	sadd.s32 @p0 $0xE970, s18;
	s15 =	rddreg [dreg:$0x16];
	[sflag:s8] =	ssyncadd.s32 @p0 $0xFFFFFE20  }
0x113: {  	[hbm:s9], [sflag:s14] =	dma.local @p0 [spmem:s15], $0xF0  }
0x114: {  	s9 =	stileid.u32;
	_ =	swait.ge @p0 [sflag:s8], $0xF0  }
0x115: {  	s9 =	sshll.u32 @!p0 s9, $0x6;
	[sflag:s8] =	ssyncset.done @p0 $0x0;
	s14 =	rddreg [dreg:$0x18]  }
0x116: {  	[sflag:s8] =	ssyncadd.s32 @p0 $0xFFFFFF10;
	s8 =	sor.u32 @!p0 $0x1C0A, s9;
	s9 =	rddreg [dreg:$0x17]  }
0x117: {  	[hbm:s9], [sflag:s8] =	dma.local @!p0 [spmem:s14], $0x1E0  }
0x118: {  	s9 =	simm.s32 @!p0 $0xA  }
0x119: {  	_ =	swait.ge @!p0 [sflag:s9], $0x1E0  }
0x11a: {  	[sflag:s9] =	ssyncset.done @!p0 $0x0;
	s14 =	rddreg [dreg:$0x19]  }
0x11b: {  	s15 =	rddreg [dreg:$0x1a];
	[sflag:s9] =	ssyncadd.s32 @!p0 $0xFFFFFE20  }
0x11c: {  	[hbm:s14], [sflag:s8] =	dma.local @!p0 [spmem:s15], $0x1E0  }
0x11d: {  	_ =	swait.ge @!p0 [sflag:s9], $0x1E0  }
0x11e: {  	[sflag:s9] =	ssyncset.done @!p0 $0x0;
	s14 =	rddreg [dreg:$0x1b]  }
0x11f: {  	s15 =	rddreg [dreg:$0x1c];
	[sflag:s9] =	ssyncadd.s32 @!p0 $0xFFFFFE20  }
0x120: {  	[hbm:s14], [sflag:s8] =	dma.local @!p0 [spmem:s15], $0x1E0  }
0x121: {  	_ =	swait.ge @!p0 [sflag:s9], $0x1E0  }
0x122: {  	[sflag:s9] =	ssyncset.done @!p0 $0x0;
	s14 =	rddreg [dreg:$0x1d]  }
0x123: {  	s15 =	rddreg [dreg:$0x1e];
	[sflag:s9] =	ssyncadd.s32 @!p0 $0xFFFFFE20  }
0x124: {  	[hbm:s14], [sflag:s8] =	dma.local @!p0 [spmem:s15], $0x1E0  }
0x125: {  	_ =	swait.ge @!p0 [sflag:s9], $0x1E0  }
0x126: {  	s15 =	sld [smem:$0x7F7]  }
0x127: {  	[sflag:s9] =	ssyncset.done @!p0 $0x0  }
0x128: {  	s14 =	rddreg [dreg:$0x1f];
	[sflag:s9] =	ssyncadd.s32 @!p0 $0xFFFFFE20  }
0x129: {  	[hbm:s14], [sflag:s8] =	dma.local @!p0 [spmem:s15], $0x1E0  }
0x12a: {  	_ =	swait.ge @!p0 [sflag:s9], $0x1E0  }
0x12b: {  	s14 =	sld [smem:$0x7F8]  }
0x12c: {  	s15 =	sld [smem:$0x7F9]  }
0x12d: {  	[sflag:s9] =	ssyncset.done @!p0 $0x0  }
0x12e: {  	[sflag:s9] =	ssyncadd.s32 @!p0 $0xFFFFFE20  }
0x12f: {  	[hbm:s14], [sflag:s8] =	dma.local @!p0 [spmem:s15], $0x1E0  }
0x130: {  	_ =	swait.ge @!p0 [sflag:s9], $0x1E0  }
0x131: {  	s14 =	sld [smem:$0x7FA]  }
0x132: {  	s15 =	sld [smem:$0x7FB]  }
0x133: {  	[sflag:s9] =	ssyncset.done @!p0 $0x0  }
0x134: {  	[sflag:s9] =	ssyncadd.s32 @!p0 $0xFFFFFE20  }
0x135: {  	[hbm:s14], [sflag:s8] =	dma.local @!p0 [spmem:s15], $0x1E0  }
0x136: {  	_ =	swait.ge @!p0 [sflag:s9], $0x1E0  }
0x137: {  	s15 =	sld [smem:$0x7FC]  }
0x138: {  	[sflag:s9] =	ssyncset.done @!p0 $0x0;
	s30 =	rddreg [dreg:$0x8]  }
0x139: {  	[sflag:s9] =	ssyncadd.s32 @!p0 $0xFFFFFE20;
	s14 =	sshrl.u32 @!p0 s30, $0x3  }
0x13a: {  	[hbm:s15], [sflag:s8] =	dma.local @!p0 [spmem:s14], $0x1B0  }
0x13b: {  	_ =	swait.ge @!p0 [sflag:s9], $0x1B0  }
0x13c: {  	[sflag:s9] =	ssyncset.done @!p0 $0x0  }
0x13d: {  	[sflag:s9] =	ssyncadd.s32 @!p0 $0xFFFFFE50  }
0x13e: {  	[bflag:$0x0] =	sbarrier.arrive $0xFFFF  }
0x13f: {  	s23 =	simm.s32 $0xBCD0;
	s15 =	simm.s32 $0xA;
	s22 =	rddreg [dreg:$0xd]  }
0x140: {  	[tilespmem:s23], [sflag:$0xA] =	stream.linear.gather [hbm4b:s22+s5], $0x40, $0x38;
	[tilespmem:$0xC910] =	vst v63  }
0x141: {  	_ =	swait.ge [sflag:s15], $0x40  }
0x142: {  	[sflag:s15] =	ssyncset.done $0x0  }
0x143: {  	s20 =	simm.s32 $0xBD10;
	s14 =	simm.s32 $0x40;
	[sflag:s15] =	ssyncadd.s32 $0xFFFFFFC0  }
0x144: {  	[tilespmem:s20], [sflag:$0x2] =	stream.indirect.gather [hbm4b:s18+s14], $0x30, s23, s14, $0xb8;
	[tilespmem:$0xC910] =	vst v63  }
0x145: {  	_ =	swait.ge [sflag:s4], $0xC00  }
0x146: {  	[sflag:s4] =	ssyncset.done $0x0  }
0x147: {  	s21 =	rddreg [dreg:$0x10];
	[sflag:s4] =	ssyncadd.s32 $0xFFFFF400  }
0x148: {  	[hbm4b:s21+s5] =	stream.linear.scatter [tilespmem:s20], [sflag:$0xA], $0xC00, $0x38;
	[tilespmem:$0xC910] =	vst v63  }
0x149: {  	_ =	swait.ge [sflag:s15], $0xC00  }
0x14a: {  	s22 =	sld [smem:$0x7F6];
	_ =	sdelay $0x2  }
0x14b: {  	s23 =	rddreg [dreg:$0xe];
	s9 =	sadd.s32 $0x1, s22  }
0x14c: {  	p1 =	sne.s32 s9, s23  }
.Ltmp5:
0x14d: {  	_ = 	snop;
	(pc) =	sbr.rel @p1 .LBB2_1-.Ltmp5, $3  }
0x14e: {  	_ =	sdelay $0x1  }
0x14f: {  	[sflag:s15] =	ssyncset.done $0x0  }
0x150: {  	[sflag:s15] =	ssyncadd.s32 $0xFFFFF400  }
0x151: {  	_ =	sfence.sel $0x180000  }
0x152: {  	[bflag:$0x0] =	sbarrier.arrive $0xFFFF  }
0x153: {  	_ =	strace $0x9000004A  }
0x154: {  	s0 =	stileid.u32;
	[bflag:$0x2] =	sbarrier.arrive $0xFFFF  }
0x155: {  	p0 =	sne.s32 s0, $0x0;
	s0 =	rddreg [dreg:$0x6]  }
0x156: {  	s0 =	sadd.s32 @!p0 $0x100000, s0  }
0x157: {  	[sflag:s0] =	ssyncadd.tile.s32 @!p0 $0x1;
	_ =	shalt  }
.Lfunc_end2:
_tile_overlayer_lowered:
.L_overlay_start_2:
0x158: {  	(tag) =	ssettag $0x2  }
0x159: {  	s0 =	rddreg [dreg:$0x0];
	s2 =	stileid.u32  }
0x15a: {  	s1 =	rddreg [dreg:$0x1];
	p0 =	sne.s32 s2, $0x0  }
0x15b: {  	s3 =	rddreg [dreg:$0x2];
	[bflag:$0x3] =	sbarrier.arrive $0xFFFF;
	s2 =	simm.s32 @!p0 $0x1C0A  }
0x15c: {  	[timem:s3], [sflag:s2] =	dma.local @!p0 [hbm:s0], s1  }
0x15d: {  	s0 =	simm.s32 @!p0 $0xA  }
0x15e: {  	_ =	swait.ge @!p0 [sflag:s0], s1  }
0x15f: {  	s1 =	ssub.s32 @!p0 $0x0, s1;
	[sflag:s0] =	ssyncset.done @!p0 $0x0  }
0x160: {  	[sflag:s0] =	ssyncadd.s32 @!p0 s1  }
0x161: {  	[bflag:$0x3] =	sbarrier.arrive $0xFFFF  }
0x162: {  	_ =	shalt  }

// kernel: kernel.7.cloned.1.call-start
scs
__scs_entry_jumppad:
0x0: {  	(pc) =	sbr.rel $0x88, $3  }
0x1: {  	(tag) =	ssettag $0x0;
	lr =	simm.s32 $0x1  }
0x2: {  	[smem:$0x3F97] =	sst lr;
	_ =	strace $0xD0000000  }
0x3: {  	_ = 	snop  }
0x4: {  	_ = 	snop  }
0x5: {  	_ = 	snop  }
0x6: {  	_ = 	snop  }
0x7: {  	_ = 	snop  }
__scs_overlays_trampoline_lowered:
0x8: {  	[smem:$0x3FA6] =	sst s0  }
0x9: {  	[smem:$0x3FA7] =	sst s1  }
0xa: {  	[smem:$0x3FA8] =	sst s2  }
0xb: {  	[smem:$0x3FA9] =	sst s3  }
0xc: {  	[smem:$0x3FAA] =	sst s4  }
0xd: {  	[smem:$0x3FAB] =	sst s5  }
0xe: {  	[smem:$0x3FAC] =	sst s6  }
0xf: {  	[smem:$0x3FAD] =	sst s7  }
0x10: {  	[smem:$0x3FAE] =	sst s8  }
0x11: {  	[smem:$0x3FAF] =	sst s9;
	s0 =	simm.s32 @!p0 $0x0  }
0x12: {  	s1 =	sld [smem:$0x3F95];
	s0 =	simm.s32 @p0 $0x1  }
0x13: {  	[smem:$0x3FB0] =	sst s0;
	s0 =	simm.s32 @!p1 $0x0  }
0x14: {  	s2 =	sld [smem:$0x3F94];
	s0 =	simm.s32 @p1 $0x1  }
0x15: {  	[smem:$0x3FB1] =	sst s0;
	s0 =	simm.s32 @!p2 $0x0  }
0x16: {  	s3 =	sld [smem:$0x3FDB];
	s0 =	simm.s32 @p2 $0x1  }
0x17: {  	s4 =	simm.s32 $0x1BF5;
	[smem:$0x3FB3] =	sst s0  }
0x18: {  	s0 =	sld [smem:$0x3F96];
	_ =	swait.ge [sflag:s4], $0x0  }
0x19: {  	s7 =	sld [smem:$0x3F97]  }
0x1a: {  	s8 =	sadd.s32 $0xFFFFE003, lr  }
0x1b: {  	s9 =	sadd.s32 $0xFFFFFEF7, lr;
	s5 =	simm.s32 $0xFFFFFFFF;
	p2 =	slt.u32 s8, $0xFFFFF086  }
0x1c: {  	p1 =	slt.u32 s9, $0xF7A;
	s5 =	simm.s32 @!p2 $0x0  }
0x1d: {  	s5 =	simm.s32 @p1 $0x1;
	p0 =	seq.s32 s7, s2  }
0x1e: {  	s7 =	smul.u32 @!p0 $0xF7A, s2;
	p2 =	seq.s32 @!p0 s5, $0x0  }
0x1f: {  	s9 =	smul.u32 $0xF7A, s1;
	s8 =	simm.s32 @!p0 $0x1BF5;
	p2 =	por !p2, p0  }
0x20: {  	[sflag:s8] =	ssyncset.s32 @!p0 $0xFFFFF086;
	s6 =	sadd.s32 @!p0 s3, s7;
	s7 =	simm.s32 @!p0 $0x108  }
0x21: {  	s3 =	sadd.s32 s3, s9;
	s6 =	sadd.s32 @!p0 $0x88, s6;
	s7 =	simm.s32 @p2 $0x1082  }
0x22: {  	[simem:s7], [sflag:s8] =	dma.local @!p0 [hbm:s6], $0xF7A  }
0x23: {  	s9 =	sor.u32 $0xD0000000, s2;
	s6 =	simm.s32 $0x108;
	_ =	swait.ge @!p0 [sflag:s8], $0x0  }
0x24: {  	s3 =	sadd.s32 $0x88, s3;
	s6 =	simm.s32 @!p1 $0x1082;
	[sflag:s4] =	ssyncset.s32 $0xFFFFF086  }
0x25: {  	[simem:s6], [sflag:s4] =	dma.local [hbm:s3], $0xF7A  }
0x26: {  	[smem:$0x3F97] =	sst s1;
	(tag) =	ssettag s2;
	_ =	strace s9  }
0x27: {  	s1 =	sld [smem:$0x3FA7]  }
0x28: {  	s2 =	sld [smem:$0x3FA8]  }
0x29: {  	s4 =	sld [smem:$0x3FAA]  }
0x2a: {  	p0 =	seq.s32 s5, $0x0;
	s5 =	sld [smem:$0x3FAB]  }
0x2b: {  	s6 =	sld [smem:$0x3FAC]  }
0x2c: {  	s7 =	sld [smem:$0x3FAD]  }
0x2d: {  	s3 =	simm.s32 $0x108;
	s8 =	sld [smem:$0x3FAE]  }
0x2e: {  	s3 =	simm.s32 @!p0 $0x1082;
	s9 =	sld [smem:$0x3FAF]  }
0x2f: {  	lr =	sadd.s32 s0, s3;
	s0 =	sld [smem:$0x3FA6]  }
0x30: {  	s3 =	sld [smem:$0x3FA9]  }
0x31: {  	[smem:$0x3FB2] =	sst s10  }
0x32: {  	s10 =	sld [smem:$0x3FB0];
	_ =	sdelay $0x3  }
0x33: {  	p0 =	seq.s32 s10, $0x1;
	s10 =	sld [smem:$0x3FB2];
	_ =	sdelay $0x3  }
0x34: {  	[smem:$0x3FB2] =	sst s10  }
0x35: {  	s10 =	sld [smem:$0x3FB1];
	_ =	sdelay $0x3  }
0x36: {  	p1 =	seq.s32 s10, $0x1;
	s10 =	sld [smem:$0x3FB2];
	_ =	sdelay $0x3  }
0x37: {  	[smem:$0x3FB2] =	sst s10  }
0x38: {  	s10 =	sld [smem:$0x3FB3]  }
0x39: {  	_ = 	snop;
	(pc) =	sbr.ind lr, $3  }
0x3a: {  	_ = 	snop  }
0x3b: {  	_ = 	snop  }
0x3c: {  	p2 =	seq.s32 s10, $0x1;
	s10 =	sld [smem:$0x3FB2]  }
0x3d: {  	_ =	shalt  }
0x3e: {  	_ =	shalt  }
0x3f: {  	_ =	shalt  }
0x40: {  	_ =	shalt  }
0x41: {  	_ =	shalt  }
0x42: {  	_ =	shalt  }
0x43: {  	_ =	shalt  }
0x44: {  	_ =	shalt  }
0x45: {  	_ =	shalt  }
0x46: {  	_ =	shalt  }
0x47: {  	_ =	shalt  }
0x48: {  	_ =	shalt  }
0x49: {  	_ =	shalt  }
0x4a: {  	_ =	shalt  }
0x4b: {  	_ =	shalt  }
0x4c: {  	_ =	shalt  }
0x4d: {  	_ =	shalt  }
0x4e: {  	_ =	shalt  }
0x4f: {  	_ =	shalt  }
0x50: {  	_ =	shalt  }
0x51: {  	_ =	shalt  }
0x52: {  	_ =	shalt  }
0x53: {  	_ =	shalt  }
0x54: {  	_ =	shalt  }
0x55: {  	_ =	shalt  }
0x56: {  	_ =	shalt  }
0x57: {  	_ =	shalt  }
0x58: {  	_ =	shalt  }
0x59: {  	_ =	shalt  }
0x5a: {  	_ =	shalt  }
0x5b: {  	_ =	shalt  }
0x5c: {  	_ =	shalt  }
0x5d: {  	_ =	shalt  }
0x5e: {  	_ =	shalt  }
0x5f: {  	_ =	shalt  }
0x60: {  	_ =	shalt  }
0x61: {  	_ =	shalt  }
0x62: {  	_ =	shalt  }
0x63: {  	_ =	shalt  }
0x64: {  	_ =	shalt  }
0x65: {  	_ =	shalt  }
0x66: {  	_ =	shalt  }
0x67: {  	_ =	shalt  }
0x68: {  	_ =	shalt  }
0x69: {  	_ =	shalt  }
0x6a: {  	_ =	shalt  }
0x6b: {  	_ =	shalt  }
0x6c: {  	_ =	shalt  }
0x6d: {  	_ =	shalt  }
0x6e: {  	_ =	shalt  }
0x6f: {  	_ =	shalt  }
0x70: {  	_ =	shalt  }
0x71: {  	_ =	shalt  }
0x72: {  	_ =	shalt  }
0x73: {  	_ =	shalt  }
0x74: {  	_ =	shalt  }
0x75: {  	_ =	shalt  }
0x76: {  	_ =	shalt  }
0x77: {  	_ =	shalt  }
0x78: {  	_ =	shalt  }
0x79: {  	_ =	shalt  }
0x7a: {  	_ =	shalt  }
0x7b: {  	_ =	shalt  }
0x7c: {  	_ =	shalt  }
0x7d: {  	_ =	shalt  }
0x7e: {  	_ =	shalt  }
0x7f: {  	_ =	shalt  }
0x80: {  	_ =	shalt  }
0x81: {  	_ =	shalt  }
0x82: {  	_ =	shalt  }
0x83: {  	_ =	shalt  }
0x84: {  	_ =	shalt  }
0x85: {  	_ =	shalt  }
0x86: {  	_ =	shalt  }
0x87: {  	_ =	shalt  }
.Lfunc_end0:
.L_simem_size_0:
called_computation_lowered:
.L_overlay_start_0:
0x88: {  	s2 =	sld [smem:$0x3FD9]  }
0x89: {  	s3 =	sld [smem:$0x3FFE];
	_ =	sdelay $0x1  }
0x8a: {  	s1 =	srdreg.scid  }
0x8b: {  	s0 =	sand.u32 $0x1, s1  }
0x8c: {  	s17 =	sshll.u32 s0, $0xA;
	s2 =	sadd.s32 s3, s2  }
0x8d: {  	s2 =	sadd.s32 s2, s17  }
0x8e: {  	[smem:$0x3FBE] =	sst s2  }
0x8f: {  	_ = 	snop  }
0x90: {  	s2 =	sld [smem:$0x3FC8]  }
0x91: {  	s18 =	sld [smem:$0x3FC7]  }
0x92: {  	s4 =	sld [smem:$0x3FC6];
	(tm) =	ssettm $0x1  }
0x93: {  	s5 =	sld [smem:$0x3FFB];
	_ =	sdelay $0x3  }
0x94: {  	_ =	strace s5  }
0x95: {  	s5 =	sld [smem:$0x3FFC];
	_ =	sdelay $0x3  }
0x96: {  	_ =	strace s5  }
0x97: {  	s5 =	sld [smem:$0x3FFD];
	_ =	sdelay $0x3  }
0x98: {  	_ =	strace s5  }
0x99: {  	_ =	strace $0x8FFFFFFF  }
0x9a: {  	s19 =	sld [smem:$0x3FDB];
	_ =	sdelay $0x1  }
0x9b: {  	s6 =	simm.s32 $_scs_section_size  }
0x9c: {  	s7 =	simm.s32 $_size__tile_overlayer_lowered;
	s8 =	simm.s32 $_tile_overlayer_lowered  }
0x9d: {  	s22 =	simm.s32 $0x1BFF;
	s21 =	sshll.u32 s8, $0x1;
	s5 =	sadd.s32 s6, s19  }
0x9e: {  	s9 =	simm.s32 $0x0;
	s20 =	sshll.u32 s7, $0x1;
	s7 =	sadd.s32 s21, s5  }
0x9f: {  	[timem:s9], [sflag:s22] =	dma.local [hbm:s7], s20  }
0xa0: {  	_ =	swait.ge [sflag:s22], s20  }
0xa1: {  	s6 =	ssub.s32 $0x0, s20;
	[sflag:s22] =	ssyncset.done $0x0  }
0xa2: {  	[sflag:s22] =	ssyncadd.s32 s6;
	_ =	sdelay $0x1  }
0xa3: {  	s23 =	simm.s32 $0x1B8B  }
0xa4: {  	_ =	swait.ge [sflag:s23], $0x1  }
0xa5: {  	[sflag:s23] =	ssyncset.done $0x0  }
0xa6: {  	s25 =	simm.s32 $0x1B8E;
	s24 =	sld [smem:$0x3FFE];
	[sflag:s23] =	ssyncadd.s32 $0xFFFFFFFF  }
0xa7: {  	s26 =	simm.s32 $execute0_lowered;
	[smem:$0x3FD2] =	sst s25  }
0xa8: {  	s7 =	sshll.u32 s26, $0x1;
	_ =	strace $0x80000046;
	[dreg:$0x1] =	wrdreg $0xFFFFFFFF  }
0xa9: {  	s28 =	simm.s32 $_size_execute0_lowered;
	s5 =	sadd.s32 s5, s7;
	[dreg:$0x0] =	wrdreg $0x0  }
0xaa: {  	s7 =	sshll.u32 s28, $0x1;
	[dreg:$0x2] =	wrdreg s5  }
0xab: {  	[dreg:$0x3] =	wrdreg s7  }
0xac: {  	[dreg:$0x4] =	wrdreg $0xC0  }
0xad: {  	_ =	task [dreg:s9], $0x5FFFF  }
0xae: {  	[dreg:$0x1] =	wrdreg $0xFFFFFFFF  }
0xaf: {  	[dreg:$0x0] =	wrdreg $0x60  }
0xb0: {  	[dreg:$0x2] =	wrdreg s24  }
0xb1: {  	[dreg:$0x3] =	wrdreg s18  }
0xb2: {  	[dreg:$0x4] =	wrdreg s2  }
0xb3: {  	[dreg:$0x5] =	wrdreg s4  }
0xb4: {  	[dreg:$0x6] =	wrdreg $0x82500  }
0xb5: {  	[dreg:$0x7] =	wrdreg $0x9  }
0xb6: {  	_ =	task.clear_ibuf [dreg:s9], $0x8FFFF;
	_ =	strace $0x90000046  }
0xb7: {  	s29 =	simm.s32 $0x9;
	_ =	strace $0x80000048  }
0xb8: {  	_ =	swait.ge [sflag:s29], $0x1  }
0xb9: {  	[sflag:s29] =	ssyncadd.s32 $0xFFFFFFFF  }
0xba: {  	_ =	strace $0x90000048  }
0xbb: {  	_ =	sfence  }
0xbc: {  	s30 =	sld [smem:$0x0];
	_ =	sdelay $0x2  }
0xbd: {  	s31 =	sshll.u32 s1, $0xD;
	s1 =	sshrl.u32 s1, $0x2  }
0xbe: {  	s3 =	sand.u32 $0x4000, s31;
	s1 =	sadd.s32 s1, s30  }
0xbf: {  	s0 =	sor.u32 s3, s0;
	s1 =	sshll.u32 s1, $0x11  }
0xc0: {  	s0 =	sor.u32 s1, s0  }
0xc1: {  	s0 =	sadd.s32 $0x8F2B, s0  }
0xc2: {  	[sflag:s0] =	ssyncadd.remote.s32 $0x1  }
0xc3: {  	_ =	sfence.sel $0xFFFF  }
0xc4: {  	[dreg:$0x0] =	wrdreg $0xFFFFFFFF;
	(pc) =	sbr.abs _section_cstart, $3  }
0xc5: {  	[dreg:$0x1] =	wrdreg $0xFFFFFFFF  }
0xc6: {  	_ =	task.clear_ibuf [dreg:s9], $0x2FFFF;
	_ =	strace $0x9FFFFFFF  }
0xc7: {  	(tm) =	ssettm $0x7FFFFFFF  }
tec
execute0_lowered:
.L_overlay_start_1:
0x0: {  	(tag) =	ssettag $0x1  }
0x1: {  	s0 =	rddreg [dreg:$0x0]  }
0x2: {  	s1 =	rddreg [dreg:$0x1]  }
0x3: {  	s3 =	rddreg [dreg:$0x2]  }
0x4: {  	s2 =	rddreg [dreg:$0x3]  }
0x5: {  	s4 =	rddreg [dreg:$0x4]  }
0x6: {  	s5 =	srdreg.scid;
	s22 =	stileid.u32  }
0x7: {  	s30 =	simm.s32 $0x2710;
	s31 =	simm.s32 $0x2;
	s10 =	smul.u32 $0x16380, s22  }
0x8: {  	s29 =	simm.s32 $0x7;
	s6 =	sand.u32 $0x1, s5;
	s18 =	smul.u32 $0x278, s22  }
0x9: {  	s7 =	sshll.u32 s22, $0x1;
	s5 =	simm.s32 $0x0;
	s19 =	smul.u32 $0x58E00, s22  }
0xa: {  	p0 =	seq.s32 s22, $0xF;
	s8 =	smul.u32 $0x2BF20, s6;
	s7 =	sor.u32 s6, s7  }
0xb: {  	[smem:$0x7FF] =	sst s5;
	s9 =	ssub.s32 $0x2, s6;
	s6 =	sadd.s32 $0x1E00, s0  }
0xc: {  	s7 =	smul.u32 $0x2710, s7;
	_ =	strace $0x80000047;
	s16 =	sshrl.u32 s9, $0x1  }
0xd: {  	s14 =	sadd.s32 $0x13B00, s10;
	s20 =	sshrl.u32 s19, $0x2;
	s26 =	sadd.s32 $0x16800, s19  }
0xe: {  	s0 =	sadd.s32 s8, s0;
	s8 =	ssub.s32 s9, s16;
	s28 =	sadd.s32 s14, s4  }
0xf: {  	s23 =	sadd.s32 s20, s4;
	s16 =	sadd.s32 $0x2D000, s19;
	s17 =	sshrl.u32 s7, $0x3  }
0x10: {  	s12 =	sadd.s32 $0xA0, s7;
	s13 =	sadd.s32 $0xF0, s7;
	s24 =	sadd.s32 $0x2DE00, s0  }
0x11: {  	s0 =	sshrl.u32 s14, $0x3;
	s21 =	smax.u32 s8, $0x1;
	[dreg:$0xb] =	wrdreg s23  }
0x12: {  	s8 =	sshrl.u32 s26, $0x2;
	s14 =	sadd.s32 $0x21C00, s19;
	[dreg:$0x7] =	wrdreg s28  }
0x13: {  	s22 =	sadd.s32 $0x10E00, s23;
	s2 =	sadd.s32 s2, s17;
	[dreg:$0xc] =	wrdreg s21  }
0x14: {  	s11 =	sadd.s32 s1, s17;
	s9 =	sadd.s32 s3, s17;
	[dreg:$0xa] =	wrdreg s24  }
0x15: {  	s17 =	sshrl.u32 s16, $0x2;
	s21 =	sadd.s32 $0x5A00, s10;
	[dreg:$0x6] =	wrdreg s2  }
0x16: {  	s16 =	sadd.s32 $0xB400, s10;
	s22 =	sshrl.u32 @p0 s22, $0x3;
	[dreg:$0x8] =	wrdreg s11  }
0x17: {  	s0 =	sadd.s32 @!p0 s0, s24;
	[dreg:$0x9] =	wrdreg s9;
	s11 =	sadd.s32 $0x50, s7  }
0x18: {  	s2 =	sadd.s32 $0x50, s18;
	s18 =	sadd.s32 $0x38400, s19;
	[dreg:$0x13] =	wrdreg s22  }
0x19: {  	s9 =	sadd.s32 $0x43800, s19;
	[smem:$0x7FC] =	sst s0;
	s15 =	smul.u32 $0x240, s2  }
0x1a: {  	s0 =	simm.s32 $0x2760;
	s22 =	simm.s32 $0x3;
	s2 =	smul.u32 $0x90, s2  }
0x1b: {  	s20 =	sshrl.u32 s9, $0x2;
	s9 =	sshrl.u32 s21, $0x3;
	s25 =	sshrl.u32 s15, $0x2  }
0x1c: {  	s15 =	sshrl.u32 s14, $0x2;
	s7 =	sadd.s32 s25, s4;
	s25 =	sadd.s32 $0x8700, s10  }
0x1d: {  	[dreg:$0xd] =	wrdreg s7;
	s7 =	sadd.s32 s8, s4;
	s8 =	sshrl.u32 s18, $0x2  }
0x1e: {  	s14 =	sadd.s32 s25, s4;
	s18 =	sadd.s32 $0xE100, s10;
	[dreg:$0xe] =	wrdreg s7  }
0x1f: {  	s7 =	sadd.s32 s15, s4;
	s19 =	sadd.s32 s8, s4;
	s8 =	sadd.s32 s21, s4  }
0x20: {  	s15 =	sshrl.u32 s25, $0x3;
	s21 =	sadd.s32 s10, s4;
	[dreg:$0xf] =	wrdreg s7  }
0x21: {  	s25 =	simm.s32 $0x5;
	s7 =	sadd.s32 s17, s4;
	[dreg:$0x11] =	wrdreg s19  }
0x22: {  	[dreg:$0x10] =	wrdreg s7;
	s7 =	sadd.s32 s20, s4;
	s20 =	sshrl.u32 s10, $0x3  }
0x23: {  	s17 =	sshrl.u32 s16, $0x3;
	[dreg:$0x12] =	wrdreg s7;
	s20 =	sadd.s32 @!p0 s20, s24  }
0x24: {  	s7 =	sshrl.u32 s2, $0x3;
	[dreg:$0x14] =	wrdreg s20;
	s20 =	sshrl.u32 @!p0 s21, $0x3  }
0x25: {  	s2 =	sadd.s32 s2, s4;
	s7 =	sadd.s32 @!p0 s7, s24;
	[dreg:$0x15] =	wrdreg s20  }
0x26: {  	s16 =	sadd.s32 s16, s4;
	s2 =	sshrl.u32 @!p0 s2, $0x3;
	[dreg:$0x16] =	wrdreg s7  }
0x27: {  	s19 =	sshrl.u32 s18, $0x3;
	[dreg:$0x17] =	wrdreg s2;
	s2 =	sadd.s32 @!p0 s9, s24  }
0x28: {  	s18 =	sadd.s32 s18, s4;
	[dreg:$0x18] =	wrdreg s2;
	s2 =	sshrl.u32 @!p0 s8, $0x3  }
0x29: {  	s10 =	sadd.s32 $0x10E00, s10;
	[dreg:$0x19] =	wrdreg s2;
	s2 =	sadd.s32 @!p0 s15, s24  }
0x2a: {  	s23 =	sshrl.u32 s10, $0x3;
	[dreg:$0x1a] =	wrdreg s2;
	s2 =	sshrl.u32 @!p0 s14, $0x3  }
0x2b: {  	s10 =	sadd.s32 s10, s4;
	[dreg:$0x1b] =	wrdreg s2;
	s2 =	sadd.s32 @!p0 s17, s24  }
0x2c: {  	s7 =	simm.s32 $0x4;
	[dreg:$0x1c] =	wrdreg s2;
	s2 =	sshrl.u32 @!p0 s16, $0x3  }
0x2d: {  	s9 =	simm.s32 $0x5500;
	[dreg:$0x1d] =	wrdreg s2;
	s2 =	sadd.s32 @!p0 s19, s24  }
0x2e: {  	s14 =	simm.s32 $0x0;
	[dreg:$0x1e] =	wrdreg s2;
	s2 =	sshrl.u32 @!p0 s18, $0x3  }
0x2f: {  	s16 =	simm.s32 $0x5550;
	[dreg:$0x1f] =	wrdreg s2;
	s2 =	sadd.s32 @!p0 s23, s24  }
0x30: {  	s24 =	sshrl.u32 s11, $0x3;
	[smem:$0x7FA] =	sst s2;
	s2 =	sshrl.u32 @!p0 s10, $0x3  }
0x31: {  	s23 =	simm.s32 $0x8;
	s26 =	sadd.s32 s1, s24;
	[smem:$0x7FB] =	sst s2  }
0x32: {  	v0 =	vimm.f32 $0.0e+00;
	s10 =	simm.s32 $0x50;
	[smem:$0x7FD] =	sst s26;
	s26 =	simm.s32 $0x27B0  }
.LBB2_1:
0x33: {  	[smem:$0x7F9] =	sst s14  }
0x34: {  	s2 =	rddreg [dreg:$0x6];
	s8 =	simm.s32 $0x0;
	s14 =	simm.s32 $0x240  }
0x35: {  	[tilespmem:s5], [sflag:$0x1] =	stream.linear.gather [hbm4b:s2+s5], $0x2710, $0x38;
	[tilespmem:$0x1E5D0] =	vst v63  }
.LBB2_2:
0x36: {  	p1 =	sne.s32 s14, $0xB1C0;
	[tilespmem:s8+$0x2830] =	vst v0  }
0x37: {  	[tilespmem:s8+$0x27B0] =	vst v0  }
0x38: {  	[tilespmem:s8+$0x27C0] =	vst v0  }
0x39: {  	[tilespmem:s8+$0x27D0] =	vst v0  }
.Ltmp0:
0x3a: {  	[tilespmem:s8+$0x27E0] =	vst v0;
	(pc) =	sbr.rel @p1 .LBB2_2-.Ltmp0, $4  }
0x3b: {  	[tilespmem:s8+$0x27F0] =	vst v0  }
0x3c: {  	[tilespmem:s8+$0x2800] =	vst v0  }
0x3d: {  	[tilespmem:s8+$0x2810] =	vst v0  }
0x3e: {  	[tilespmem:s8+$0x2820] =	vst v0;
	s8 =	sshra.s32 s14, $0x2;
	s14 =	sadd.s32 $0x240, s14  }
0x3f: {  	[tilespmem:s8+$0x2830] =	vst v0  }
0x40: {  	[tilespmem:s8+$0x27B0] =	vst v0  }
0x41: {  	[tilespmem:s8+$0x27C0] =	vst v0  }
0x42: {  	[tilespmem:s8+$0x27D0] =	vst v0  }
0x43: {  	[tilespmem:s8+$0x27E0] =	vst v0  }
0x44: {  	[tilespmem:s8+$0x27F0] =	vst v0  }
0x45: {  	[tilespmem:s8+$0x2800] =	vst v0  }
0x46: {  	[tilespmem:s8+$0x2810] =	vst v0  }
0x47: {  	[tilespmem:s8+$0x2820] =	vst v0;
	s2 =	rddreg [dreg:$0xb];
	s18 =	simm.s32 $0xA  }
0x48: {  	[spmem:s2] =	stream.linear.scatter [tilespmem:s26], [sflag:$0xA], $0x2D00, $0x38;
	[tilespmem:$0x1E5D0] =	vst v63  }
0x49: {  	_ =	swait.ge [sflag:s18], $0x2D00  }
0x4a: {  	[sflag:s18] =	ssyncset.done $0x0  }
0x4b: {  	s19 =	rddreg [dreg:$0xd];
	[sflag:s18] =	ssyncadd.s32 $0xFFFFD300  }
0x4c: {  	[spmem:s19] =	stream.linear.scatter [tilespmem:s26], [sflag:$0xA], $0x2D00, $0x38;
	[tilespmem:$0x1E5D0] =	vst v63  }
0x4d: {  	_ =	swait.ge [sflag:s18], $0x2D00  }
0x4e: {  	[sflag:s18] =	ssyncset.done $0x0  }
0x4f: {  	s20 =	rddreg [dreg:$0xe];
	[sflag:s18] =	ssyncadd.s32 $0xFFFFD300  }
0x50: {  	[spmem:s20] =	stream.linear.scatter [tilespmem:s26], [sflag:$0xA], $0x2D00, $0x38;
	[tilespmem:$0x1E5D0] =	vst v63  }
0x51: {  	_ =	swait.ge [sflag:s18], $0x2D00  }
0x52: {  	[sflag:s18] =	ssyncset.done $0x0  }
0x53: {  	s21 =	rddreg [dreg:$0xf];
	[sflag:s18] =	ssyncadd.s32 $0xFFFFD300  }
0x54: {  	[spmem:s21] =	stream.linear.scatter [tilespmem:s26], [sflag:$0xA], $0x2D00, $0x38;
	[tilespmem:$0x1E5D0] =	vst v63  }
0x55: {  	_ =	swait.ge [sflag:s18], $0x2D00  }
0x56: {  	[sflag:s18] =	ssyncset.done $0x0  }
0x57: {  	s14 =	rddreg [dreg:$0x10];
	[sflag:s18] =	ssyncadd.s32 $0xFFFFD300  }
0x58: {  	[spmem:s14] =	stream.linear.scatter [tilespmem:s26], [sflag:$0xA], $0x2D00, $0x38;
	[tilespmem:$0x1E5D0] =	vst v63  }
0x59: {  	_ =	swait.ge [sflag:s18], $0x2D00  }
0x5a: {  	[sflag:s18] =	ssyncset.done $0x0  }
0x5b: {  	s15 =	rddreg [dreg:$0x11];
	[sflag:s18] =	ssyncadd.s32 $0xFFFFD300  }
0x5c: {  	[spmem:s15] =	stream.linear.scatter [tilespmem:s26], [sflag:$0xA], $0x2D00, $0x38;
	[tilespmem:$0x1E5D0] =	vst v63  }
0x5d: {  	_ =	swait.ge [sflag:s18], $0x2D00  }
0x5e: {  	[sflag:s18] =	ssyncset.done $0x0  }
0x5f: {  	s17 =	rddreg [dreg:$0x12];
	[sflag:s18] =	ssyncadd.s32 $0xFFFFD300  }
0x60: {  	[spmem:s17] =	stream.linear.scatter [tilespmem:s26], [sflag:$0xA], $0x2D00, $0x38;
	[tilespmem:$0x1E5D0] =	vst v63  }
0x61: {  	_ =	swait.ge [sflag:s18], $0x2D00  }
0x62: {  	[sflag:s18] =	ssyncset.done $0x0  }
0x63: {  	[sflag:s18] =	ssyncadd.s32 $0xFFFFD300  }
0x64: {  	[spmem:s28] =	stream.linear.scatter [tilespmem:s26], [sflag:$0xA], $0x2880, $0x38;
	[tilespmem:$0x1E5D0] =	vst v63  }
0x65: {  	_ =	swait.ge [sflag:s18], $0x2880  }
0x66: {  	[sflag:s18] =	ssyncset.done $0x0  }
0x67: {  	[sflag:s18] =	ssyncadd.s32 $0xFFFFD780;
	s18 =	simm.s32 $0x1  }
0x68: {  	_ =	swait.ge [sflag:s18], $0x2710  }
0x69: {  	[sflag:s18] =	ssyncset.done $0x0  }
0x6a: {  	[sflag:s18] =	ssyncadd.s32 $0xFFFFD8F0  }
0x6b: {  	[bflag:$0x0] =	sbarrier.arrive $0xFFFF  }
0x6c: {  	s17 =	simm.s32 $0x0;
	s19 =	rddreg [dreg:$0x8]  }
0x6d: {  	[tilespmem:s30], [sflag:$0x2] =	stream.linear.gather [hbm4b:s19+s17], $0x50, $0x38;
	[tilespmem:$0x1E5D0] =	vst v63  }
0x6e: {  	_ =	swait.ge [sflag:s31], $0x50  }
0x6f: {  	[sflag:s31] =	ssyncset.done $0x0  }
0x70: {  	s20 =	rddreg [dreg:$0x9];
	[sflag:s31] =	ssyncadd.s32 $0xFFFFFFB0  }
0x71: {  	[tilespmem:s0], [sflag:$0x3] =	stream.linear.gather [hbm4b:s20+s17], $0x50, $0x38;
	[tilespmem:$0x1E5D0] =	vst v63  }
0x72: {  	s18 =	simm.s32 $0x50;
	s21 =	sld [smem:$0x7FD]  }
0x73: {  	[tilespmem:s26], [sflag:$0x4] =	stream.indirect.gather [hbm4b:s6+s18], $0x90, s30, s18, $0xb8;
	[tilespmem:$0x1E5D0] =	vst v63  }
0x74: {  	s15 =	simm.s32 $0x0;
	s28 =	simm.s32 $0x54B0;
	s19 =	simm.s32 $0x0  }
0x75: {  	[tilespmem:s28], [sflag:$0x6] =	stream.linear.gather [hbm4b:s21+s17], $0x50, $0x38;
	[tilespmem:$0x1E5D0] =	vst v63  }
.LBB2_4:
0x76: {  	s21 =	smul.u32 $0xA0, s19;
	_ =	sdelay $0x1  }
0x77: {  	_ =	swait.ge [sflag:s7], $0x2D00;
	s8 =	sadd.s32 s21, s12  }
0x78: {  	[sflag:s7] =	ssyncset.done $0x0;
	s20 =	sshrl.u32 s8, $0x3  }
0x79: {  	p1 =	sne.s32 s19, $0x0;
	[sflag:s7] =	ssyncadd.s32 $0xFFFFD300;
	s8 =	sadd.s32 s1, s20  }
0x7a: {  	[tilespmem:s30], [sflag:$0x2] =	stream.linear.gather [hbm4b:s8+s5], $0x50, $0x38;
	[tilespmem:$0x1E5D0] =	vst v63  }
0x7b: {  	s8 =	simm.s32 @p1 $0x9  }
0x7c: {  	_ =	swait.ge @p1 [sflag:s8], $0x2D00  }
0x7d: {  	[sflag:s8] =	ssyncset.done @p1 $0x0  }
0x7e: {  	[sflag:s8] =	ssyncadd.s32 @p1 $0xFFFFD300;
	s8 =	simm.s32 @p1 $0x6  }
0x7f: {  	_ =	swait.ge @p1 [sflag:s8], $0x50  }
0x80: {  	[sflag:s8] =	ssyncset.done @p1 $0x0  }
0x81: {  	s14 =	simm.s32 @!p1 $0x6;
	[sflag:s8] =	ssyncadd.s32 @p1 $0xFFFFFFB0;
	s8 =	sadd.s32 @p1 s21, s11  }
0x82: {  	s28 =	smov.u32 s24;
	s8 =	sshrl.u32 @p1 s8, $0x3;
	_ =	swait.ge @!p1 [sflag:s14], $0x50  }
0x83: {  	[sflag:s14] =	ssyncset.done @!p1 $0x0;
	s28 =	smov.u32 @p1 s8  }
0x84: {  	[sflag:s14] =	ssyncadd.s32 @!p1 $0xFFFFFFB0;
	s8 =	sadd.s32 s3, s28;
	s14 =	sadd.s32 $0x0, s15  }
0x85: {  	[tilespmem:s9], [sflag:$0x7] =	stream.linear.gather [hbm4b:s8+s17], $0x50, $0x38;
	[tilespmem:$0x1E5D0] =	vst v63  }
0x86: {  	s2 =	simm.s32 $0x54B0;
	v1 =	vmov s14;
	s14 =	simm.s32 $0x27F0  }
0x87: {  	[tilespmem:s16], [sflag:$0x8] =	stream.indirect.gather [hbm4b:s6+s10], $0x90, s2, s10, $0xb8;
	[tilespmem:$0x1E5D0] =	vst v63  }
0x88: {  	v6 =	vld [tilespmem:s14+$0xFFFFFFC0]  }
0x89: {  	v9 =	vld [tilespmem:s14+$0x30]  }
0x8a: {  	v7 =	vld [tilespmem:s14+$0x40]  }
0x8b: {  	v11 =	vld [tilespmem:s14+$0xFFFFFFE0]  }
0x8c: {  	v2 =	vld.idx.msk [tilespmem:v1+s5+$0x0], $0xffff  }
0x8d: {  	v3 =	vld [tilespmem:s14+$0x20]  }
0x8e: {  	v4 =	vld [tilespmem:s14+$0xFFFFFFD0]  }
0x8f: {  	v5 =	vld [tilespmem:s14+$0x10]  }
0x90: {  	v1 =	vld [tilespmem:s14+$0xFFFFFFF0]  }
0x91: {  	v10 =	vmul.f32 v6, v2;
	v8 =	vmul.f32 v7, v2;
	v6 =	vld [tilespmem:s14+$0x0]  }
0x92: {  	s28 =	simm.s32 $0x27F0;
	s8 =	simm.s32 $0x1;
	v7 =	vmul.f32 v11, v2;
	v9 =	vmul.f32 v9, v2  }
.LBB2_5:
0x93: {  	p1 =	sne.s32 s8, $0x4F  }
0x94: {  	[tilespmem:s14+$0xFFFFFFC0] =	vst v10;
	v4 =	vmul.f32 v4, v2;
	v3 =	vmul.f32 v3, v2;
	s28 =	sadd.s32 $0x90, s28;
	s2 =	smov.u32 s8;
	s8 =	sadd.s32 $0x1, s8  }
0x95: {  	v10 =	vmul.f32 v1, v2;
	v1 =	vmul.f32 v5, v2;
	[tilespmem:s14+$0x40] =	vst v8  }
0x96: {  	v2 =	vmul.f32 v6, v2;
	[tilespmem:s14+$0x30] =	vst v9  }
0x97: {  	s2 =	sadd.s32 s2, s15;
	[tilespmem:s14+$0xFFFFFFE0] =	vst v7  }
0x98: {  	v5 =	vmov s2;
	[tilespmem:s14+$0x10] =	vst v1  }
0x99: {  	v1 =	vld [tilespmem:s28+$0xFFFFFFF0];
	[tilespmem:s14+$0x0] =	vst v2  }
0x9a: {  	v7 =	vld [tilespmem:s28+$0xFFFFFFC0];
	[tilespmem:s14+$0xFFFFFFF0] =	vst v10  }
0x9b: {  	v9 =	vld [tilespmem:s28+$0x30];
	[tilespmem:s14+$0x20] =	vst v3  }
0x9c: {  	v8 =	vld [tilespmem:s28+$0x40];
	[tilespmem:s14+$0xFFFFFFD0] =	vst v4;
	s14 =	smov.u32 s28  }
0x9d: {  	v2 =	vld.idx.msk [tilespmem:v5+s5+$0x0], $0xffff  }
0x9e: {  	v11 =	vld [tilespmem:s28+$0xFFFFFFE0]  }
0x9f: {  	v3 =	vld [tilespmem:s28+$0x20]  }
.Ltmp1:
0xa0: {  	v4 =	vld [tilespmem:s28+$0xFFFFFFD0];
	(pc) =	sbr.rel @p1 .LBB2_5-.Ltmp1, $4  }
0xa1: {  	v5 =	vld [tilespmem:s28+$0x10]  }
0xa2: {  	v6 =	vld [tilespmem:s28+$0x0]  }
0xa3: {  	v10 =	vmul.f32 v7, v2;
	v8 =	vmul.f32 v8, v2  }
0xa4: {  	v9 =	vmul.f32 v9, v2;
	v7 =	vmul.f32 v11, v2  }
0xa5: {  	[tilespmem:s14+$0xFFFFFFC0] =	vst v10  }
0xa6: {  	[tilespmem:s14+$0x40] =	vst v8  }
0xa7: {  	v1 =	vmul.f32 v1, v2;
	[tilespmem:s14+$0x30] =	vst v9  }
0xa8: {  	v3 =	vmul.f32 v3, v2;
	[tilespmem:s14+$0xFFFFFFE0] =	vst v7  }
0xa9: {  	v5 =	vmul.f32 v5, v2;
	[tilespmem:s14+$0xFFFFFFF0] =	vst v1  }
0xaa: {  	v6 =	vmul.f32 v6, v2;
	[tilespmem:s14+$0x20] =	vst v3  }
0xab: {  	v2 =	vmul.f32 v4, v2;
	[tilespmem:s14+$0x10] =	vst v5  }
0xac: {  	[tilespmem:s14+$0x0] =	vst v6  }
0xad: {  	[tilespmem:s14+$0xFFFFFFD0] =	vst v2  }
0xae: {  	_ =	swait.ge [sflag:s22], $0x50  }
0xaf: {  	[sflag:s22] =	ssyncset.done $0x0  }
0xb0: {  	p1 =	seq.s32 s19, $0x3D;
	[sflag:s22] =	ssyncadd.s32 $0xFFFFFFB0  }
0xb1: {  	[spmem:s4] =	stream.indirect.scatter.add.f32 [tilespmem:s26], [sflag:$0x5], $0x90, s0, s10, $0xb8;
	[tilespmem:$0x1E5D0] =	vst v63  }
0xb2: {  	s2 =	sadd.s32 @!p1 s21, s13;
	_ =	swait.ge [sflag:s23], $0x2D00  }
0xb3: {  	s8 =	simm.s32 @!p1 $0x0;
	s2 =	sshrl.u32 @!p1 s2, $0x3;
	[sflag:s23] =	ssyncset.done $0x0  }
0xb4: {  	s2 =	sadd.s32 @!p1 s1, s2;
	s14 =	simm.s32 @!p1 $0x54B0;
	[sflag:s23] =	ssyncadd.s32 $0xFFFFD300  }
0xb5: {  	[tilespmem:s14], [sflag:$0x6] =	stream.linear.gather @!p1 [hbm4b:s2+s8], $0x50, $0x38;
	[tilespmem:$0x1E5D0] =	vst v63  }
0xb6: {  	_ =	swait.ge [sflag:s25], $0x2D00  }
0xb7: {  	[sflag:s25] =	ssyncset.done $0x0  }
0xb8: {  	[sflag:s25] =	ssyncadd.s32 $0xFFFFD300  }
0xb9: {  	_ =	swait.ge [sflag:s31], $0x50  }
0xba: {  	s20 =	sadd.s32 s3, s20;
	[sflag:s31] =	ssyncset.done $0x0  }
0xbb: {  	s28 =	sadd.s32 $0x0, s18;
	s21 =	simm.s32 $0x0;
	[sflag:s31] =	ssyncadd.s32 $0xFFFFFFB0  }
0xbc: {  	[tilespmem:s0], [sflag:$0x3] =	stream.linear.gather [hbm4b:s20+s21], $0x50, $0x38;
	[tilespmem:$0x1E5D0] =	vst v63  }
0xbd: {  	v1 =	vmov s28;
	s14 =	simm.s32 $0x5590  }
0xbe: {  	[tilespmem:s26], [sflag:$0x4] =	stream.indirect.gather [hbm4b:s6+s10], $0x90, s30, s10, $0xb8;
	[tilespmem:$0x1E5D0] =	vst v63  }
0xbf: {  	v6 =	vld [tilespmem:s14+$0xFFFFFFC0]  }
0xc0: {  	v9 =	vld [tilespmem:s14+$0x30]  }
0xc1: {  	v7 =	vld [tilespmem:s14+$0x40]  }
0xc2: {  	v2 =	vld.idx.msk [tilespmem:v1+s5+$0x0], $0xffff  }
0xc3: {  	v11 =	vld [tilespmem:s14+$0xFFFFFFE0]  }
0xc4: {  	v1 =	vld [tilespmem:s14+$0xFFFFFFF0]  }
0xc5: {  	v3 =	vld [tilespmem:s14+$0x20]  }
0xc6: {  	v4 =	vld [tilespmem:s14+$0xFFFFFFD0]  }
0xc7: {  	v5 =	vld [tilespmem:s14+$0x10]  }
0xc8: {  	v10 =	vmul.f32 v6, v2;
	v8 =	vmul.f32 v7, v2;
	v6 =	vld [tilespmem:s14+$0x0]  }
0xc9: {  	s8 =	simm.s32 $0x1;
	s20 =	simm.s32 $0x5590;
	v7 =	vmul.f32 v11, v2;
	v9 =	vmul.f32 v9, v2  }
.LBB2_7:
0xca: {  	p1 =	sne.s32 s8, $0x4F  }
0xcb: {  	[tilespmem:s14+$0xFFFFFFC0] =	vst v10;
	v4 =	vmul.f32 v4, v2;
	v3 =	vmul.f32 v3, v2;
	s20 =	sadd.s32 $0x90, s20;
	s2 =	smov.u32 s8;
	s8 =	sadd.s32 $0x1, s8  }
0xcc: {  	v10 =	vmul.f32 v1, v2;
	v1 =	vmul.f32 v5, v2;
	[tilespmem:s14+$0x40] =	vst v8  }
0xcd: {  	v2 =	vmul.f32 v6, v2;
	[tilespmem:s14+$0x30] =	vst v9  }
0xce: {  	s2 =	sadd.s32 s2, s18;
	[tilespmem:s14+$0xFFFFFFE0] =	vst v7  }
0xcf: {  	v5 =	vmov s2;
	[tilespmem:s14+$0x10] =	vst v1  }
0xd0: {  	v1 =	vld [tilespmem:s20+$0xFFFFFFF0];
	[tilespmem:s14+$0x0] =	vst v2  }
0xd1: {  	v7 =	vld [tilespmem:s20+$0xFFFFFFC0];
	[tilespmem:s14+$0xFFFFFFF0] =	vst v10  }
0xd2: {  	v9 =	vld [tilespmem:s20+$0x30];
	[tilespmem:s14+$0x20] =	vst v3  }
0xd3: {  	v8 =	vld [tilespmem:s20+$0x40];
	[tilespmem:s14+$0xFFFFFFD0] =	vst v4;
	s14 =	smov.u32 s20  }
0xd4: {  	v2 =	vld.idx.msk [tilespmem:v5+s5+$0x0], $0xffff  }
0xd5: {  	v11 =	vld [tilespmem:s20+$0xFFFFFFE0]  }
0xd6: {  	v3 =	vld [tilespmem:s20+$0x20]  }
.Ltmp2:
0xd7: {  	v4 =	vld [tilespmem:s20+$0xFFFFFFD0];
	(pc) =	sbr.rel @p1 .LBB2_7-.Ltmp2, $4  }
0xd8: {  	v5 =	vld [tilespmem:s20+$0x10]  }
0xd9: {  	v6 =	vld [tilespmem:s20+$0x0]  }
0xda: {  	v10 =	vmul.f32 v7, v2;
	v8 =	vmul.f32 v8, v2  }
0xdb: {  	v9 =	vmul.f32 v9, v2;
	v7 =	vmul.f32 v11, v2  }
0xdc: {  	[tilespmem:s14+$0xFFFFFFC0] =	vst v10  }
0xdd: {  	[tilespmem:s14+$0x40] =	vst v8  }
0xde: {  	v1 =	vmul.f32 v1, v2;
	[tilespmem:s14+$0x30] =	vst v9  }
0xdf: {  	v3 =	vmul.f32 v3, v2;
	[tilespmem:s14+$0xFFFFFFE0] =	vst v7  }
0xe0: {  	v5 =	vmul.f32 v5, v2;
	[tilespmem:s14+$0xFFFFFFF0] =	vst v1  }
0xe1: {  	v6 =	vmul.f32 v6, v2;
	[tilespmem:s14+$0x20] =	vst v3  }
0xe2: {  	s19 =	sadd.s32 $0x1, s19;
	v2 =	vmul.f32 v4, v2;
	[tilespmem:s14+$0x10] =	vst v5  }
0xe3: {  	p1 =	sne.s32 s19, $0x3E;
	[tilespmem:s14+$0x0] =	vst v6  }
.Ltmp3:
0xe4: {  	[tilespmem:s14+$0xFFFFFFD0] =	vst v2;
	(pc) =	sbr.rel @p1 .LBB2_4-.Ltmp3, $4  }
0xe5: {  	_ =	swait.ge [sflag:s29], $0x50  }
0xe6: {  	[sflag:s29] =	ssyncset.done $0x0  }
0xe7: {  	s15 =	sadd.s32 $0xA0, s15;
	s18 =	sadd.s32 $0xA0, s18;
	[sflag:s29] =	ssyncadd.s32 $0xFFFFFFB0  }
0xe8: {  	[spmem:s4] =	stream.indirect.scatter.add.f32 [tilespmem:s16], [sflag:$0x9], $0x90, s9, s10, $0xb8;
	[tilespmem:$0x1E5D0] =	vst v63  }
0xe9: {  	_ =	swait.ge [sflag:s7], $0x2D00  }
0xea: {  	s2 =	simm.s32 $0x26C0;
	[sflag:s7] =	ssyncset.done $0x0  }
0xeb: {  	s14 =	simm.s32 $0x27F0;
	v1 =	vmov s2;
	[sflag:s7] =	ssyncadd.s32 $0xFFFFD300  }
0xec: {  	v6 =	vld [tilespmem:s14+$0xFFFFFFC0]  }
0xed: {  	v9 =	vld [tilespmem:s14+$0x30]  }
0xee: {  	v7 =	vld [tilespmem:s14+$0x40]  }
0xef: {  	v11 =	vld [tilespmem:s14+$0xFFFFFFE0]  }
0xf0: {  	v2 =	vld.idx.msk [tilespmem:v1+s5+$0x0], $0xffff  }
0xf1: {  	v3 =	vld [tilespmem:s14+$0x20]  }
0xf2: {  	v4 =	vld [tilespmem:s14+$0xFFFFFFD0]  }
0xf3: {  	v5 =	vld [tilespmem:s14+$0x10]  }
0xf4: {  	v1 =	vld [tilespmem:s14+$0xFFFFFFF0]  }
0xf5: {  	v10 =	vmul.f32 v6, v2;
	v8 =	vmul.f32 v7, v2;
	v6 =	vld [tilespmem:s14+$0x0]  }
0xf6: {  	s8 =	simm.s32 $0x26C1;
	s15 =	simm.s32 $0x27F0;
	v7 =	vmul.f32 v11, v2;
	v9 =	vmul.f32 v9, v2  }
.LBB2_10:
0xf7: {  	p1 =	sne.s32 s8, $0x270F  }
0xf8: {  	[tilespmem:s14+$0xFFFFFFC0] =	vst v10;
	v4 =	vmul.f32 v4, v2;
	v3 =	vmul.f32 v3, v2;
	s15 =	sadd.s32 $0x90, s15;
	s2 =	smov.u32 s8;
	s8 =	sadd.s32 $0x1, s8  }
0xf9: {  	v10 =	vmul.f32 v1, v2;
	v1 =	vmul.f32 v5, v2;
	[tilespmem:s14+$0x40] =	vst v8  }
0xfa: {  	v2 =	vmul.f32 v6, v2;
	[tilespmem:s14+$0x30] =	vst v9  }
0xfb: {  	[tilespmem:s14+$0xFFFFFFE0] =	vst v7  }
0xfc: {  	v5 =	vmov s2;
	[tilespmem:s14+$0x10] =	vst v1  }
0xfd: {  	v1 =	vld [tilespmem:s15+$0xFFFFFFF0];
	[tilespmem:s14+$0x0] =	vst v2  }
0xfe: {  	v7 =	vld [tilespmem:s15+$0xFFFFFFC0];
	[tilespmem:s14+$0xFFFFFFF0] =	vst v10  }
0xff: {  	v9 =	vld [tilespmem:s15+$0x30];
	[tilespmem:s14+$0x20] =	vst v3  }
0x100: {  	v8 =	vld [tilespmem:s15+$0x40];
	[tilespmem:s14+$0xFFFFFFD0] =	vst v4;
	s14 =	smov.u32 s15  }
0x101: {  	v2 =	vld.idx.msk [tilespmem:v5+s5+$0x0], $0xffff  }
0x102: {  	v11 =	vld [tilespmem:s15+$0xFFFFFFE0]  }
0x103: {  	v3 =	vld [tilespmem:s15+$0x20]  }
.Ltmp4:
0x104: {  	v4 =	vld [tilespmem:s15+$0xFFFFFFD0];
	(pc) =	sbr.rel @p1 .LBB2_10-.Ltmp4, $4  }
0x105: {  	v5 =	vld [tilespmem:s15+$0x10]  }
0x106: {  	v6 =	vld [tilespmem:s15+$0x0]  }
0x107: {  	v10 =	vmul.f32 v7, v2;
	v8 =	vmul.f32 v8, v2  }
0x108: {  	v9 =	vmul.f32 v9, v2;
	v7 =	vmul.f32 v11, v2  }
0x109: {  	[tilespmem:s14+$0xFFFFFFC0] =	vst v10  }
0x10a: {  	[tilespmem:s14+$0x40] =	vst v8  }
0x10b: {  	v1 =	vmul.f32 v1, v2;
	[tilespmem:s14+$0x30] =	vst v9  }
0x10c: {  	v3 =	vmul.f32 v3, v2;
	[tilespmem:s14+$0xFFFFFFE0] =	vst v7  }
0x10d: {  	v5 =	vmul.f32 v5, v2;
	[tilespmem:s14+$0xFFFFFFF0] =	vst v1  }
0x10e: {  	v6 =	vmul.f32 v6, v2;
	[tilespmem:s14+$0x20] =	vst v3  }
0x10f: {  	v2 =	vmul.f32 v4, v2;
	[tilespmem:s14+$0x10] =	vst v5  }
0x110: {  	[tilespmem:s14+$0x0] =	vst v6  }
0x111: {  	[tilespmem:s14+$0xFFFFFFD0] =	vst v2  }
0x112: {  	_ =	swait.ge [sflag:s22], $0x50  }
0x113: {  	[sflag:s22] =	ssyncset.done $0x0  }
0x114: {  	[sflag:s22] =	ssyncadd.s32 $0xFFFFFFB0  }
0x115: {  	[spmem:s4] =	stream.indirect.scatter.add.f32 [tilespmem:s26], [sflag:$0x5], $0x90, s0, s10, $0xb8;
	[tilespmem:$0x1E5D0] =	vst v63  }
0x116: {  	_ =	swait.ge [sflag:s25], $0x2D00  }
0x117: {  	[sflag:s25] =	ssyncset.done $0x0  }
0x118: {  	s2 =	simm.s32 $0x9;
	[sflag:s25] =	ssyncadd.s32 $0xFFFFD300  }
0x119: {  	_ =	swait.ge [sflag:s2], $0x2D00  }
0x11a: {  	[sflag:s2] =	ssyncset.done $0x0  }
0x11b: {  	[sflag:s2] =	ssyncadd.s32 $0xFFFFD300  }
0x11c: {  	[bflag:$0x0] =	sbarrier.arrive $0xFFFF  }
0x11d: {  	s17 =	rddreg [dreg:$0xa]  }
0x11e: {  	s8 =	rddreg [dreg:$0xb]  }
0x11f: {  	s14 =	simm.s32 @p0 $0x1FCA;
	s2 =	sadd.s32 @p0 $0x29A90, s17;
	s8 =	sshrl.u32 @p0 s8, $0x3  }
0x120: {  	[hbm:s2], [sflag:s14] =	dma.local @p0 [spmem:s8], $0x5A0  }
0x121: {  	s2 =	simm.s32 @p0 $0xA  }
0x122: {  	_ =	swait.ge @p0 [sflag:s2], $0x5A0  }
0x123: {  	[sflag:s2] =	ssyncset.done @p0 $0x0;
	s15 =	rddreg [dreg:$0xd]  }
0x124: {  	s8 =	sadd.s32 @p0 $0x2A030, s17;
	[sflag:s2] =	ssyncadd.s32 @p0 $0xFFFFFA60;
	s15 =	sshrl.u32 @p0 s15, $0x3  }
0x125: {  	[hbm:s8], [sflag:s14] =	dma.local @p0 [spmem:s15], $0x5A0  }
0x126: {  	_ =	swait.ge @p0 [sflag:s2], $0x5A0  }
0x127: {  	[sflag:s2] =	ssyncset.done @p0 $0x0;
	s15 =	rddreg [dreg:$0xe]  }
0x128: {  	s8 =	sadd.s32 @p0 $0x2A5D0, s17;
	[sflag:s2] =	ssyncadd.s32 @p0 $0xFFFFFA60;
	s15 =	sshrl.u32 @p0 s15, $0x3  }
0x129: {  	[hbm:s8], [sflag:s14] =	dma.local @p0 [spmem:s15], $0x5A0  }
0x12a: {  	_ =	swait.ge @p0 [sflag:s2], $0x5A0  }
0x12b: {  	[sflag:s2] =	ssyncset.done @p0 $0x0;
	s15 =	rddreg [dreg:$0xf]  }
0x12c: {  	s8 =	sadd.s32 @p0 $0x2AB70, s17;
	[sflag:s2] =	ssyncadd.s32 @p0 $0xFFFFFA60;
	s15 =	sshrl.u32 @p0 s15, $0x3  }
0x12d: {  	[hbm:s8], [sflag:s14] =	dma.local @p0 [spmem:s15], $0x5A0  }
0x12e: {  	_ =	swait.ge @p0 [sflag:s2], $0x5A0  }
0x12f: {  	[sflag:s2] =	ssyncset.done @p0 $0x0;
	s15 =	rddreg [dreg:$0x10]  }
0x130: {  	s8 =	sadd.s32 @p0 $0x2B110, s17;
	[sflag:s2] =	ssyncadd.s32 @p0 $0xFFFFFA60;
	s15 =	sshrl.u32 @p0 s15, $0x3  }
0x131: {  	[hbm:s8], [sflag:s14] =	dma.local @p0 [spmem:s15], $0x5A0  }
0x132: {  	_ =	swait.ge @p0 [sflag:s2], $0x5A0  }
0x133: {  	[sflag:s2] =	ssyncset.done @p0 $0x0;
	s15 =	rddreg [dreg:$0x11]  }
0x134: {  	s8 =	sadd.s32 @p0 $0x2B6B0, s17;
	[sflag:s2] =	ssyncadd.s32 @p0 $0xFFFFFA60;
	s15 =	sshrl.u32 @p0 s15, $0x3  }
0x135: {  	[hbm:s8], [sflag:s14] =	dma.local @p0 [spmem:s15], $0x5A0  }
0x136: {  	_ =	swait.ge @p0 [sflag:s2], $0x5A0  }
0x137: {  	[sflag:s2] =	ssyncset.done @p0 $0x0  }
0x138: {  	s8 =	sadd.s32 @p0 $0x2BC50, s17;
	s15 =	rddreg [dreg:$0x13];
	[sflag:s2] =	ssyncadd.s32 @p0 $0xFFFFFA60  }
0x139: {  	[hbm:s8], [sflag:s14] =	dma.local @p0 [spmem:s15], $0x2D0  }
0x13a: {  	s8 =	stileid.u32;
	_ =	swait.ge @p0 [sflag:s2], $0x2D0  }
0x13b: {  	s8 =	sshll.u32 @!p0 s8, $0x6;
	[sflag:s2] =	ssyncset.done @p0 $0x0;
	s14 =	rddreg [dreg:$0x15]  }
0x13c: {  	[sflag:s2] =	ssyncadd.s32 @p0 $0xFFFFFD30;
	s2 =	sor.u32 @!p0 $0x1C0A, s8;
	s8 =	rddreg [dreg:$0x14]  }
0x13d: {  	[hbm:s8], [sflag:s2] =	dma.local @!p0 [spmem:s14], $0x5A0  }
0x13e: {  	s8 =	simm.s32 @!p0 $0xA  }
0x13f: {  	_ =	swait.ge @!p0 [sflag:s8], $0x5A0  }
0x140: {  	[sflag:s8] =	ssyncset.done @!p0 $0x0;
	s14 =	rddreg [dreg:$0x16]  }
0x141: {  	s15 =	rddreg [dreg:$0x17];
	[sflag:s8] =	ssyncadd.s32 @!p0 $0xFFFFFA60  }
0x142: {  	[hbm:s14], [sflag:s2] =	dma.local @!p0 [spmem:s15], $0x5A0  }
0x143: {  	_ =	swait.ge @!p0 [sflag:s8], $0x5A0  }
0x144: {  	[sflag:s8] =	ssyncset.done @!p0 $0x0;
	s14 =	rddreg [dreg:$0x18]  }
0x145: {  	s15 =	rddreg [dreg:$0x19];
	[sflag:s8] =	ssyncadd.s32 @!p0 $0xFFFFFA60  }
0x146: {  	[hbm:s14], [sflag:s2] =	dma.local @!p0 [spmem:s15], $0x5A0  }
0x147: {  	_ =	swait.ge @!p0 [sflag:s8], $0x5A0  }
0x148: {  	[sflag:s8] =	ssyncset.done @!p0 $0x0;
	s14 =	rddreg [dreg:$0x1a]  }
0x149: {  	s15 =	rddreg [dreg:$0x1b];
	[sflag:s8] =	ssyncadd.s32 @!p0 $0xFFFFFA60  }
0x14a: {  	[hbm:s14], [sflag:s2] =	dma.local @!p0 [spmem:s15], $0x5A0  }
0x14b: {  	_ =	swait.ge @!p0 [sflag:s8], $0x5A0  }
0x14c: {  	[sflag:s8] =	ssyncset.done @!p0 $0x0;
	s14 =	rddreg [dreg:$0x1c]  }
0x14d: {  	s15 =	rddreg [dreg:$0x1d];
	[sflag:s8] =	ssyncadd.s32 @!p0 $0xFFFFFA60  }
0x14e: {  	[hbm:s14], [sflag:s2] =	dma.local @!p0 [spmem:s15], $0x5A0  }
0x14f: {  	_ =	swait.ge @!p0 [sflag:s8], $0x5A0  }
0x150: {  	[sflag:s8] =	ssyncset.done @!p0 $0x0;
	s14 =	rddreg [dreg:$0x1e]  }
0x151: {  	s15 =	rddreg [dreg:$0x1f];
	[sflag:s8] =	ssyncadd.s32 @!p0 $0xFFFFFA60  }
0x152: {  	[hbm:s14], [sflag:s2] =	dma.local @!p0 [spmem:s15], $0x5A0  }
0x153: {  	_ =	swait.ge @!p0 [sflag:s8], $0x5A0  }
0x154: {  	s14 =	sld [smem:$0x7FA]  }
0x155: {  	s15 =	sld [smem:$0x7FB]  }
0x156: {  	[sflag:s8] =	ssyncset.done @!p0 $0x0  }
0x157: {  	[sflag:s8] =	ssyncadd.s32 @!p0 $0xFFFFFA60  }
0x158: {  	[hbm:s14], [sflag:s2] =	dma.local @!p0 [spmem:s15], $0x5A0  }
0x159: {  	_ =	swait.ge @!p0 [sflag:s8], $0x5A0  }
0x15a: {  	s15 =	sld [smem:$0x7FC]  }
0x15b: {  	[sflag:s8] =	ssyncset.done @!p0 $0x0;
	s28 =	rddreg [dreg:$0x7]  }
0x15c: {  	[sflag:s8] =	ssyncadd.s32 @!p0 $0xFFFFFA60;
	s14 =	sshrl.u32 @!p0 s28, $0x3  }
0x15d: {  	[hbm:s15], [sflag:s2] =	dma.local @!p0 [spmem:s14], $0x510  }
0x15e: {  	_ =	swait.ge @!p0 [sflag:s8], $0x510  }
0x15f: {  	s20 =	sld [smem:$0x7F9];
	_ =	sdelay $0x2  }
0x160: {  	s21 =	rddreg [dreg:$0xc];
	s14 =	sadd.s32 $0x1, s20  }
0x161: {  	p1 =	sne.s32 s14, s21  }
.Ltmp5:
0x162: {  	_ = 	snop;
	(pc) =	sbr.rel @p1 .LBB2_1-.Ltmp5, $3  }
0x163: {  	_ =	sdelay $0x1  }
0x164: {  	[sflag:s8] =	ssyncset.done @!p0 $0x0  }
0x165: {  	[sflag:s8] =	ssyncadd.s32 @!p0 $0xFFFFFAF0  }
0x166: {  	_ =	sfence.sel $0x180000  }
0x167: {  	[bflag:$0x0] =	sbarrier.arrive $0xFFFF  }
0x168: {  	_ =	strace $0x90000047  }
0x169: {  	s0 =	stileid.u32;
	[bflag:$0x2] =	sbarrier.arrive $0xFFFF  }
0x16a: {  	p0 =	sne.s32 s0, $0x0;
	s0 =	rddreg [dreg:$0x5]  }
0x16b: {  	s0 =	sadd.s32 @!p0 $0x100000, s0  }
0x16c: {  	[sflag:s0] =	ssyncadd.tile.s32 @!p0 $0x1;
	_ =	shalt  }
.Lfunc_end2:
_tile_overlayer_lowered:
.L_overlay_start_2:
0x16d: {  	(tag) =	ssettag $0x2  }
0x16e: {  	s0 =	rddreg [dreg:$0x0];
	s2 =	stileid.u32  }
0x16f: {  	s1 =	rddreg [dreg:$0x1];
	p0 =	sne.s32 s2, $0x0  }
0x170: {  	s3 =	rddreg [dreg:$0x2];
	[bflag:$0x3] =	sbarrier.arrive $0xFFFF;
	s2 =	simm.s32 @!p0 $0x1C0A  }
0x171: {  	[timem:s3], [sflag:s2] =	dma.local @!p0 [hbm:s0], s1  }
0x172: {  	s0 =	simm.s32 @!p0 $0xA  }
0x173: {  	_ =	swait.ge @!p0 [sflag:s0], s1  }
0x174: {  	s1 =	ssub.s32 @!p0 $0x0, s1;
	[sflag:s0] =	ssyncset.done @!p0 $0x0  }
0x175: {  	[sflag:s0] =	ssyncadd.s32 @!p0 s1  }
0x176: {  	[bflag:$0x3] =	sbarrier.arrive $0xFFFF  }
0x177: {  	_ =	shalt  }

</sc_bundles>
